<compile_context>
chip_gen: v7x
topology: tpu7x:2x2x1
jax: 0.10.2.dev20260603
libtpu: 0.0.44.dev20260713+nightly
codegen_flags: <defaults>
</compile_context>

<pallas_src>
import functools

import jax
import jax.numpy as jnp
from jax import lax
from jax.experimental import pallas as pl
from jax.experimental.pallas import tpu as pltpu
from jax.experimental.pallas import tpu_sc as plsc

_SEG = (0, 12, 25, 38, 51)
_B = 375
_L = 16
_NG = 24
_REM = _B - (_NG - 1) * _L
_ROWS = 5 * 64
_TS = _ROWS // _L
_STRIDE = _L + 1
_TOFF = 8


def _body(pic_hbm, tok_hbm, out_hbm, pic_sem, tok_sem,
          pic_raw, pic_t, tok_v, asg_v, out_raw):
    wid = lax.axis_index("s") * 2 + lax.axis_index("c")
    lanes = lax.iota(jnp.int32, _L)
    lanes17 = lanes * _STRIDE
    @pl.when(wid < _NG)
    def _work():
        tok_cp = pltpu.async_copy(tok_hbm, tok_v, tok_sem)

        @pl.when(wid < _NG - 1)
        def _copy_full():
            pltpu.sync_copy(pic_hbm.at[pl.ds(wid * _L, _L)], pic_raw)

        @pl.when(wid == _NG - 1)
        def _copy_rem():
            pltpu.sync_copy(pic_hbm.at[pl.ds((_NG - 1) * _L, _REM)],
                            pic_raw.at[pl.ds(0, _REM)])

        tok_cp.wait()

        def _restage(l, carry):
            for wb in range(_TS):
                v = pic_raw[l, pl.ds(wb * _L, _L)]
                plsc.store_scatter(
                    pic_t, [(lanes17 + wb * (_L * _STRIDE)) + l], v)
            return carry

        lax.fori_loop(0, _L, _restage, 0)

        def _load(word):
            return plsc.load_gather(pic_t, [lanes + word * _STRIDE])

        def _bcast(idx):
            return plsc.load_gather(
                tok_v, [jnp.full((_L,), _TOFF + idx, jnp.int32)])

        def _pic2_step(d, accs):
            out = []
            for j in range(5):
                p = plsc.load_gather(
                    pic_t, [lanes + (j * 64 * _STRIDE) + d * _STRIDE])
                out.append(accs[j] + p * p)
            return tuple(out)

        pic2 = list(lax.fori_loop(
            0, 64, _pic2_step,
            tuple(jnp.zeros((_L,), jnp.float32) for _ in range(5))))

        dist = [[None] * 5 for _ in range(5)]
        zeros10 = tuple(jnp.zeros((_L,), jnp.float32) for _ in range(10))
        for k in range(5):
            def _dist_step(m, accs, k=k):
                tkm = plsc.load_gather(
                    tok_v,
                    [jnp.full((_L,), _TOFF + k * 13, jnp.int32) + m])
                out = []
                for j in range(5):
                    p = plsc.load_gather(
                        pic_t,
                        [(lanes + (j * 64 + _SEG[k]) * _STRIDE)
                         + m * _STRIDE])
                    df = p - tkm
                    out.append(accs[2 * j] + p * p)
                    out.append(accs[2 * j + 1] + df * df)
                return tuple(out)

            accs = lax.fori_loop(0, 13, _dist_step, zeros10)
            for j in range(5):
                dist[j][k] = (pic2[j] - accs[2 * j]) + accs[2 * j + 1]

        inf = jnp.full((_L,), jnp.inf, jnp.float32)
        flat_ids = [jnp.full((_L,), j * 5 + k, jnp.int32)
                    for j in range(5) for k in range(5)]

        def _round(r, carry):
            dists = list(carry[:25])
            assign = list(carry[25:])
            items = list(zip(dists, flat_ids))
            while len(items) > 1:
                nxt = []
                for i in range(0, len(items) - 1, 2):
                    (av, ai), (bv, bi) = items[i], items[i + 1]
                    upd = bv < av
                    nxt.append((jnp.where(upd, bv, av),
                                jnp.where(upd, bi, ai)))
                if len(items) % 2:
                    nxt.append(items[-1])
                items = nxt
            flat = items[0][1]
            minc = flat // 5
            mint = flat - 5 * minc
            for c in range(5):
                assign[c] = jnp.where(minc == c, mint, assign[c])
            for j in range(5):
                for k in range(5):
                    dead = (minc == j) | (mint == k)
                    dists[j * 5 + k] = jnp.where(dead, inf, dists[j * 5 + k])
            return tuple(dists) + tuple(assign)

        carry0 = tuple(dist[j][k] for j in range(5) for k in range(5)) + \
            tuple(jnp.zeros((_L,), jnp.int32) for _ in range(5))
        assign = list(lax.fori_loop(0, 5, _round, carry0)[25:])

        for c in range(5):
            plsc.store_scatter(asg_v, [lanes + (_TOFF + c * _L)], assign[c])

        zero = jnp.zeros((_L,), jnp.float32)
        seg_mask = lanes < 13

        def _emit(l, carry):
            for wb in range(_TS):
                out_raw[l, pl.ds(wb * _L, _L)] = zero
            for c in range(5):
                a = plsc.load_gather(
                    asg_v, [jnp.full((_L,), _TOFF + c * _L, jnp.int32) + l])
                tok16 = plsc.load_gather(
                    tok_v, [a * 13 + (_TOFF + lanes)])
                plsc.store_scatter(
                    out_raw,
                    [jnp.full((_L,), 0, jnp.int32) + l,
                     lanes + (c * 64 + _SEG[c])],
                    tok16, mask=seg_mask)
            return carry

        lax.fori_loop(0, _L, _emit, 0)

        @pl.when(wid < _NG - 1)
        def _out_full():
            pltpu.sync_copy(out_raw, out_hbm.at[pl.ds(wid * _L, _L)])

        @pl.when(wid == _NG - 1)
        def _out_rem():
            pltpu.sync_copy(out_raw.at[pl.ds(0, _REM)],
                            out_hbm.at[pl.ds((_NG - 1) * _L, _REM)])


@jax.jit
def kernel(picture, tokens):
    mesh = plsc.VectorSubcoreMesh(
        core_axis_name="c", subcore_axis_name="s",
        num_cores=2, num_subcores=16)
    call = functools.partial(
        pl.kernel,
        out_type=jax.ShapeDtypeStruct((_B, _ROWS), jnp.float32),
        mesh=mesh,
        compiler_params=pltpu.CompilerParams(needs_layout_passes=False),
        scratch_types=[
            pltpu.SemaphoreType.DMA,
            pltpu.SemaphoreType.DMA,
            pltpu.VMEM((_L, _ROWS), jnp.float32),
            pltpu.VMEM((_ROWS * _STRIDE,), jnp.float32),
            pltpu.VMEM((80,), jnp.float32),
            pltpu.VMEM((_TOFF + 5 * _L,), jnp.int32),
            pltpu.VMEM((_L, _ROWS), jnp.float32),
        ],
    )(_body)

    pic = picture.reshape(_B, _ROWS)
    tok = jnp.pad(tokens.reshape(65), (_TOFF, 15 - _TOFF))
    return call(pic, tok).reshape(_B, 5, 64)

# --- scband reference (transcript-rebuilt; emitter-appended) ---
"""Pipeline reference for scband-token-54674933678383 (READ-ONLY COPY).

The authoritative reference and input builder live on the scoring server;
editing this copy changes nothing except your own understanding.
"""

import jax, jax.numpy as jnp
import numpy as np

IDX_MATCH = np.stack([
    np.arange(0, 13),
    np.arange(12, 25),
    np.arange(25, 38),
    np.arange(38, 51),
    np.arange(51, 64),
]).astype(np.int32)  # [5, 13]


def setup_inputs(seed: int = 0) -> dict:
    key = jax.random.key(seed)
    k1, k2 = jax.random.split(key)
    picture = jax.random.normal(k1, (375, 5, 64), dtype=jnp.float32)
    # learned parameters token0..token4 (each randn(13)), stacked as [5, 13]
    tokens = jax.random.normal(k2, (5, 13), dtype=jnp.float32)
    return {"picture": picture, "tokens": tokens}


def _forward(picture, tokens):
    B = picture.shape[0]  # 375
    idx_mat = jnp.asarray(IDX_MATCH)  # [5, 13]
    # gathered[i, j, k, :] = picture[i, j, idx_match[k]]
    gathered = jnp.take(picture, idx_mat, axis=2)  # [B, 5, 5, 13]
    pic2 = jnp.sum(picture ** 2, axis=-1)  # [B, 5]
    g2 = jnp.sum(gathered ** 2, axis=-1)  # [B, 5, 5]
    diff = gathered - tokens[None, None, :, :]  # [B, 5, 5, 13]
    # distance_absolute0[j, k]
    dist_abs = pic2[:, :, None] - g2 + jnp.sum(diff ** 2, axis=-1)  # [B, 5, 5]

    # Greedy bipartite assignment: repeatedly take global argmin over the
    # remaining (class row, token col) pairs, removing the chosen row/col.
    row_used = jnp.zeros((B, 5), dtype=bool)
    col_used = jnp.zeros((B, 5), dtype=bool)
    assign = jnp.zeros((B, 5), dtype=jnp.int32)  # assign[i, class] = token index
    bidx = jnp.arange(B)
    for _ in range(5):
        masked = jnp.where(row_used[:, :, None] | col_used[:, None, :], jnp.inf, dist_abs)
        flat = jnp.argmin(masked.reshape(B, 25), axis=1)
        c = flat // 5
        t = flat % 5
        assign = assign.at[bidx, c].set(t.astype(jnp.int32))
        row_used = row_used.at[bidx, c].set(True)
        col_used = col_used.at[bidx, t].set(True)

    # support_token[i, class_c, idx_match[class_c]] += token[token_c]
    chosen = jnp.take(tokens, assign, axis=0)  # [B, 5, 13]
    support = jnp.zeros((B, 5, 64), dtype=picture.dtype)
    for c in range(5):
        support = support.at[:, c, idx_mat[c]].add(chosen[:, c, :])
    return support


def reference(picture, tokens):
    return _forward(picture, tokens)

if __name__ == "__main__":
    import jax
    _d = setup_inputs()
    print(jax.jit(kernel)(*tuple(_d.values())))

</pallas_src>

<mosaic_0001>
#map = affine_map<(d0, d1) -> (0, 0)>
#map1 = affine_map<(d0, d1) -> (0)>
module attributes {stable_mosaic.version = 14 : i64} {
  func.func @_body(%arg0: i32, %arg1: i32, %arg2: memref<375x320xf32, #tpu.memory_space<hbm>>, %arg3: memref<80xf32, #tpu.memory_space<hbm>>, %arg4: memref<375x320xf32, #tpu.memory_space<hbm>>, %arg5: memref<!tpu.dma_semaphore, #tpu.memory_space<semaphore_mem>>, %arg6: memref<!tpu.dma_semaphore, #tpu.memory_space<semaphore_mem>>, %arg7: memref<16x320xf32, #tpu.memory_space<vmem>>, %arg8: memref<5440xf32, #tpu.memory_space<vmem>>, %arg9: memref<80xf32, #tpu.memory_space<vmem>>, %arg10: memref<88xi32, #tpu.memory_space<vmem>>, %arg11: memref<16x320xf32, #tpu.memory_space<vmem>>) attributes {dimension_semantics = [#tpu.dimension_semantics<core_parallel>, #tpu.dimension_semantics<subcore_parallel>], iteration_bounds = array<i64: 2, 16>, scalar_prefetch = 0 : i64, scratch_operands = 7 : i64, tpu.core_type = #tpu.core_type<sc_vector_subcore>, window_params = [{transform_indices = #map}, {transform_indices = #map1}, {transform_indices = #map}]} {
    %mul3A = arith.constant 2 : i32
    %mul3A_0 = arith.muli %arg1, %mul3A : i32
    %add3A = arith.addi %mul3A_0, %arg0 : i32
    %iota3A = tpu.iota {dimensions = array<i32: 0>} : vector<16xi32>
    %mul3A_1 = arith.constant 17 : i32
    %mul3A_2 = vector.broadcast %mul3A_1 : i32 to vector<16xi32>
    %mul3A_3 = arith.muli %iota3A, %mul3A_2 : vector<16xi32>
    %lt3A = arith.constant 24 : i32
    %lt3A_4 = arith.cmpi slt, %add3A, %lt3A : i32
    %convert_element_type3A = arith.extui %lt3A_4 : i1 to i32
    %cond3A = arith.constant 0 : i32
    %cond3A_5 = arith.cmpi ne, %convert_element_type3A, %cond3A : i32
    scf.if %cond3A_5 {
      tpu.enqueue_dma source(%arg3 : memref<80xf32, #tpu.memory_space<hbm>>) target(%arg9 : memref<80xf32, #tpu.memory_space<vmem>>) target_semaphore(%arg6 : memref<!tpu.dma_semaphore, #tpu.memory_space<semaphore_mem>>)
      %lt3A_6 = arith.constant 23 : i32
      %lt3A_7 = arith.cmpi slt, %add3A, %lt3A_6 : i32
      %convert_element_type3A_8 = arith.extui %lt3A_7 : i1 to i32
      %cond3A_9 = arith.constant 0 : i32
      %cond3A_10 = arith.cmpi ne, %convert_element_type3A_8, %cond3A_9 : i32
      scf.if %cond3A_10 {
        %mul3A_238 = arith.constant 16 : i32
        %mul3A_239 = arith.muli %add3A, %mul3A_238 : i32
        "tpu.region"() ({
          %run_scoped3A = tpu.sem_alloc : memref<!tpu.dma_semaphore, #tpu.memory_space<semaphore_mem>>
          %dma_start3A = arith.constant 0 : i32
          %dma_start3A_240 = tpu.memref_slice %arg2[%mul3A_239, %dma_start3A] : memref<375x320xf32, #tpu.memory_space<hbm>> -> memref<16x320xf32, #tpu.memory_space<hbm>>
          %dma_start3A_241 = arith.constant 0 : i32
          %dma_start3A_242 = tpu.memref_slice %arg2[%mul3A_239, %dma_start3A_241] : memref<375x320xf32, #tpu.memory_space<hbm>> -> memref<16x320xf32, #tpu.memory_space<hbm>>
          tpu.enqueue_dma source(%dma_start3A_242 : memref<16x320xf32, #tpu.memory_space<hbm>>) target(%arg7 : memref<16x320xf32, #tpu.memory_space<vmem>>) target_semaphore(%run_scoped3A : memref<!tpu.dma_semaphore, #tpu.memory_space<semaphore_mem>>)
          %dma_wait3A = arith.constant 0 : i32
          %dma_wait3A_243 = tpu.memref_slice %arg2[%mul3A_239, %dma_wait3A] : memref<375x320xf32, #tpu.memory_space<hbm>> -> memref<16x320xf32, #tpu.memory_space<hbm>>
          %dma_wait3A_244 = arith.constant 0 : i32
          %dma_wait3A_245 = tpu.memref_slice %arg2[%mul3A_239, %dma_wait3A_244] : memref<375x320xf32, #tpu.memory_space<hbm>> -> memref<16x320xf32, #tpu.memory_space<hbm>>
          tpu.wait_dma2 semaphore(%run_scoped3A : memref<!tpu.dma_semaphore, #tpu.memory_space<semaphore_mem>>) src(%dma_wait3A_245 : memref<16x320xf32, #tpu.memory_space<hbm>>) dst(%arg7 : memref<16x320xf32, #tpu.memory_space<vmem>>)
          tpu.yield
        }) : () -> ()
      } else {
      }
      %eq3A = arith.constant 23 : i32
      %eq3A_11 = arith.cmpi eq, %add3A, %eq3A : i32
      %convert_element_type3A_12 = arith.extui %eq3A_11 : i1 to i32
      %cond3A_13 = arith.constant 0 : i32
      %cond3A_14 = arith.cmpi ne, %convert_element_type3A_12, %cond3A_13 : i32
      scf.if %cond3A_14 {
        "tpu.region"() ({
          %run_scoped3A = tpu.sem_alloc : memref<!tpu.dma_semaphore, #tpu.memory_space<semaphore_mem>>
          %dma_start3A = arith.constant 0 : i32
          %dma_start3A_238 = arith.constant 0 : i32
          %dma_start3A_239 = tpu.memref_slice %arg7[%dma_start3A, %dma_start3A_238] : memref<16x320xf32, #tpu.memory_space<vmem>> -> memref<7x320xf32, #tpu.memory_space<vmem>>
          %dma_start3A_240 = arith.constant 368 : i32
          %dma_start3A_241 = arith.constant 0 : i32
          %dma_start3A_242 = tpu.memref_slice %arg2[%dma_start3A_240, %dma_start3A_241] : memref<375x320xf32, #tpu.memory_space<hbm>> -> memref<7x320xf32, #tpu.memory_space<hbm>>
          %dma_start3A_243 = arith.constant 0 : i32
          %dma_start3A_244 = arith.constant 0 : i32
          %dma_start3A_245 = tpu.memref_slice %arg7[%dma_start3A_243, %dma_start3A_244] : memref<16x320xf32, #tpu.memory_space<vmem>> -> memref<7x320xf32, #tpu.memory_space<vmem>>
          %dma_start3A_246 = arith.constant 368 : i32
          %dma_start3A_247 = arith.constant 0 : i32
          %dma_start3A_248 = tpu.memref_slice %arg2[%dma_start3A_246, %dma_start3A_247] : memref<375x320xf32, #tpu.memory_space<hbm>> -> memref<7x320xf32, #tpu.memory_space<hbm>>
          tpu.enqueue_dma source(%dma_start3A_248 : memref<7x320xf32, #tpu.memory_space<hbm>>) target(%dma_start3A_245 : memref<7x320xf32, #tpu.memory_space<vmem>>) target_semaphore(%run_scoped3A : memref<!tpu.dma_semaphore, #tpu.memory_space<semaphore_mem>>)
          %dma_wait3A = arith.constant 0 : i32
          %dma_wait3A_249 = arith.constant 0 : i32
          %dma_wait3A_250 = tpu.memref_slice %arg7[%dma_wait3A, %dma_wait3A_249] : memref<16x320xf32, #tpu.memory_space<vmem>> -> memref<7x320xf32, #tpu.memory_space<vmem>>
          %dma_wait3A_251 = arith.constant 368 : i32
          %dma_wait3A_252 = arith.constant 0 : i32
          %dma_wait3A_253 = tpu.memref_slice %arg2[%dma_wait3A_251, %dma_wait3A_252] : memref<375x320xf32, #tpu.memory_space<hbm>> -> memref<7x320xf32, #tpu.memory_space<hbm>>
          %dma_wait3A_254 = arith.constant 0 : i32
          %dma_wait3A_255 = arith.constant 0 : i32
          %dma_wait3A_256 = tpu.memref_slice %arg7[%dma_wait3A_254, %dma_wait3A_255] : memref<16x320xf32, #tpu.memory_space<vmem>> -> memref<7x320xf32, #tpu.memory_space<vmem>>
          %dma_wait3A_257 = arith.constant 368 : i32
          %dma_wait3A_258 = arith.constant 0 : i32
          %dma_wait3A_259 = tpu.memref_slice %arg2[%dma_wait3A_257, %dma_wait3A_258] : memref<375x320xf32, #tpu.memory_space<hbm>> -> memref<7x320xf32, #tpu.memory_space<hbm>>
          tpu.wait_dma2 semaphore(%run_scoped3A : memref<!tpu.dma_semaphore, #tpu.memory_space<semaphore_mem>>) src(%dma_wait3A_259 : memref<7x320xf32, #tpu.memory_space<hbm>>) dst(%dma_wait3A_256 : memref<7x320xf32, #tpu.memory_space<vmem>>)
          tpu.yield
        }) : () -> ()
      } else {
      }
      tpu.wait_dma2 semaphore(%arg6 : memref<!tpu.dma_semaphore, #tpu.memory_space<semaphore_mem>>) src(%arg3 : memref<80xf32, #tpu.memory_space<hbm>>) dst(%arg9 : memref<80xf32, #tpu.memory_space<vmem>>)
      %scan3A = arith.constant 0 : i32
      %scan3A_15 = arith.constant 0 : i32
      %scan3A_16 = arith.constant 16 : i32
      %scan3A_17 = arith.addi %scan3A_15, %scan3A_16 : i32
      %scan3A_18 = arith.constant 1 : i32
      scf.for %scan3A_238 = %scan3A_15 to %scan3A_17 step %scan3A_18  : i32 {
        %get3A = arith.index_cast %scan3A_238 : i32 to index
        %get3A_239 = arith.constant 0 : index
        %get3A_240 = tpu.vector_load %arg7[%get3A, %get3A_239] {strides = array<i32>} : memref<16x320xf32, #tpu.memory_space<vmem>>, vector<16xf32>,
        %add3A_241 = arith.constant 0 : i32
        %add3A_242 = vector.broadcast %add3A_241 : i32 to vector<16xi32>
        %add3A_243 = arith.addi %mul3A_3, %add3A_242 : vector<16xi32>
        %add3A_244 = vector.broadcast %scan3A_238 : i32 to vector<16xi32>
        %add3A_245 = arith.addi %add3A_243, %add3A_244 : vector<16xi32>
        tpu.vector_store_idx %arg8[%add3A_245], %get3A_240 : memref<5440xf32, #tpu.memory_space<vmem>>[vector<16xi32>], vector<16xf32>,
        %get3A_246 = arith.index_cast %scan3A_238 : i32 to index
        %get3A_247 = arith.constant 16 : index
        %get3A_248 = tpu.vector_load %arg7[%get3A_246, %get3A_247] {strides = array<i32>} : memref<16x320xf32, #tpu.memory_space<vmem>>, vector<16xf32>,
        %add3A_249 = arith.constant 272 : i32
        %add3A_250 = vector.broadcast %add3A_249 : i32 to vector<16xi32>
        %add3A_251 = arith.addi %mul3A_3, %add3A_250 : vector<16xi32>
        %add3A_252 = vector.broadcast %scan3A_238 : i32 to vector<16xi32>
        %add3A_253 = arith.addi %add3A_251, %add3A_252 : vector<16xi32>
        tpu.vector_store_idx %arg8[%add3A_253], %get3A_248 : memref<5440xf32, #tpu.memory_space<vmem>>[vector<16xi32>], vector<16xf32>,
        %get3A_254 = arith.index_cast %scan3A_238 : i32 to index
        %get3A_255 = arith.constant 32 : index
        %get3A_256 = tpu.vector_load %arg7[%get3A_254, %get3A_255] {strides = array<i32>} : memref<16x320xf32, #tpu.memory_space<vmem>>, vector<16xf32>,
        %add3A_257 = arith.constant 544 : i32
        %add3A_258 = vector.broadcast %add3A_257 : i32 to vector<16xi32>
        %add3A_259 = arith.addi %mul3A_3, %add3A_258 : vector<16xi32>
        %add3A_260 = vector.broadcast %scan3A_238 : i32 to vector<16xi32>
        %add3A_261 = arith.addi %add3A_259, %add3A_260 : vector<16xi32>
        tpu.vector_store_idx %arg8[%add3A_261], %get3A_256 : memref<5440xf32, #tpu.memory_space<vmem>>[vector<16xi32>], vector<16xf32>,
        %get3A_262 = arith.index_cast %scan3A_238 : i32 to index
        %get3A_263 = arith.constant 48 : index
        %get3A_264 = tpu.vector_load %arg7[%get3A_262, %get3A_263] {strides = array<i32>} : memref<16x320xf32, #tpu.memory_space<vmem>>, vector<16xf32>,
        %add3A_265 = arith.constant 816 : i32
        %add3A_266 = vector.broadcast %add3A_265 : i32 to vector<16xi32>
        %add3A_267 = arith.addi %mul3A_3, %add3A_266 : vector<16xi32>
        %add3A_268 = vector.broadcast %scan3A_238 : i32 to vector<16xi32>
        %add3A_269 = arith.addi %add3A_267, %add3A_268 : vector<16xi32>
        tpu.vector_store_idx %arg8[%add3A_269], %get3A_264 : memref<5440xf32, #tpu.memory_space<vmem>>[vector<16xi32>], vector<16xf32>,
        %get3A_270 = arith.index_cast %scan3A_238 : i32 to index
        %get3A_271 = arith.constant 64 : index
        %get3A_272 = tpu.vector_load %arg7[%get3A_270, %get3A_271] {strides = array<i32>} : memref<16x320xf32, #tpu.memory_space<vmem>>, vector<16xf32>,
        %add3A_273 = arith.constant 1088 : i32
        %add3A_274 = vector.broadcast %add3A_273 : i32 to vector<16xi32>
        %add3A_275 = arith.addi %mul3A_3, %add3A_274 : vector<16xi32>
        %add3A_276 = vector.broadcast %scan3A_238 : i32 to vector<16xi32>
        %add3A_277 = arith.addi %add3A_275, %add3A_276 : vector<16xi32>
        tpu.vector_store_idx %arg8[%add3A_277], %get3A_272 : memref<5440xf32, #tpu.memory_space<vmem>>[vector<16xi32>], vector<16xf32>,
        %get3A_278 = arith.index_cast %scan3A_238 : i32 to index
        %get3A_279 = arith.constant 80 : index
        %get3A_280 = tpu.vector_load %arg7[%get3A_278, %get3A_279] {strides = array<i32>} : memref<16x320xf32, #tpu.memory_space<vmem>>, vector<16xf32>,
        %add3A_281 = arith.constant 1360 : i32
        %add3A_282 = vector.broadcast %add3A_281 : i32 to vector<16xi32>
        %add3A_283 = arith.addi %mul3A_3, %add3A_282 : vector<16xi32>
        %add3A_284 = vector.broadcast %scan3A_238 : i32 to vector<16xi32>
        %add3A_285 = arith.addi %add3A_283, %add3A_284 : vector<16xi32>
        tpu.vector_store_idx %arg8[%add3A_285], %get3A_280 : memref<5440xf32, #tpu.memory_space<vmem>>[vector<16xi32>], vector<16xf32>,
        %get3A_286 = arith.index_cast %scan3A_238 : i32 to index
        %get3A_287 = arith.constant 96 : index
        %get3A_288 = tpu.vector_load %arg7[%get3A_286, %get3A_287] {strides = array<i32>} : memref<16x320xf32, #tpu.memory_space<vmem>>, vector<16xf32>,
        %add3A_289 = arith.constant 1632 : i32
        %add3A_290 = vector.broadcast %add3A_289 : i32 to vector<16xi32>
        %add3A_291 = arith.addi %mul3A_3, %add3A_290 : vector<16xi32>
        %add3A_292 = vector.broadcast %scan3A_238 : i32 to vector<16xi32>
        %add3A_293 = arith.addi %add3A_291, %add3A_292 : vector<16xi32>
        tpu.vector_store_idx %arg8[%add3A_293], %get3A_288 : memref<5440xf32, #tpu.memory_space<vmem>>[vector<16xi32>], vector<16xf32>,
        %get3A_294 = arith.index_cast %scan3A_238 : i32 to index
        %get3A_295 = arith.constant 112 : index
        %get3A_296 = tpu.vector_load %arg7[%get3A_294, %get3A_295] {strides = array<i32>} : memref<16x320xf32, #tpu.memory_space<vmem>>, vector<16xf32>,
        %add3A_297 = arith.constant 1904 : i32
        %add3A_298 = vector.broadcast %add3A_297 : i32 to vector<16xi32>
        %add3A_299 = arith.addi %mul3A_3, %add3A_298 : vector<16xi32>
        %add3A_300 = vector.broadcast %scan3A_238 : i32 to vector<16xi32>
        %add3A_301 = arith.addi %add3A_299, %add3A_300 : vector<16xi32>
        tpu.vector_store_idx %arg8[%add3A_301], %get3A_296 : memref<5440xf32, #tpu.memory_space<vmem>>[vector<16xi32>], vector<16xf32>,
        %get3A_302 = arith.index_cast %scan3A_238 : i32 to index
        %get3A_303 = arith.constant 128 : index
        %get3A_304 = tpu.vector_load %arg7[%get3A_302, %get3A_303] {strides = array<i32>} : memref<16x320xf32, #tpu.memory_space<vmem>>, vector<16xf32>,
        %add3A_305 = arith.constant 2176 : i32
        %add3A_306 = vector.broadcast %add3A_305 : i32 to vector<16xi32>
        %add3A_307 = arith.addi %mul3A_3, %add3A_306 : vector<16xi32>
        %add3A_308 = vector.broadcast %scan3A_238 : i32 to vector<16xi32>
        %add3A_309 = arith.addi %add3A_307, %add3A_308 : vector<16xi32>
        tpu.vector_store_idx %arg8[%add3A_309], %get3A_304 : memref<5440xf32, #tpu.memory_space<vmem>>[vector<16xi32>], vector<16xf32>,
        %get3A_310 = arith.index_cast %scan3A_238 : i32 to index
        %get3A_311 = arith.constant 144 : index
        %get3A_312 = tpu.vector_load %arg7[%get3A_310, %get3A_311] {strides = array<i32>} : memref<16x320xf32, #tpu.memory_space<vmem>>, vector<16xf32>,
        %add3A_313 = arith.constant 2448 : i32
        %add3A_314 = vector.broadcast %add3A_313 : i32 to vector<16xi32>
        %add3A_315 = arith.addi %mul3A_3, %add3A_314 : vector<16xi32>
        %add3A_316 = vector.broadcast %scan3A_238 : i32 to vector<16xi32>
        %add3A_317 = arith.addi %add3A_315, %add3A_316 : vector<16xi32>
        tpu.vector_store_idx %arg8[%add3A_317], %get3A_312 : memref<5440xf32, #tpu.memory_space<vmem>>[vector<16xi32>], vector<16xf32>,
        %get3A_318 = arith.index_cast %scan3A_238 : i32 to index
        %get3A_319 = arith.constant 160 : index
        %get3A_320 = tpu.vector_load %arg7[%get3A_318, %get3A_319] {strides = array<i32>} : memref<16x320xf32, #tpu.memory_space<vmem>>, vector<16xf32>,
        %add3A_321 = arith.constant 2720 : i32
        %add3A_322 = vector.broadcast %add3A_321 : i32 to vector<16xi32>
        %add3A_323 = arith.addi %mul3A_3, %add3A_322 : vector<16xi32>
        %add3A_324 = vector.broadcast %scan3A_238 : i32 to vector<16xi32>
        %add3A_325 = arith.addi %add3A_323, %add3A_324 : vector<16xi32>
        tpu.vector_store_idx %arg8[%add3A_325], %get3A_320 : memref<5440xf32, #tpu.memory_space<vmem>>[vector<16xi32>], vector<16xf32>,
        %get3A_326 = arith.index_cast %scan3A_238 : i32 to index
        %get3A_327 = arith.constant 176 : index
        %get3A_328 = tpu.vector_load %arg7[%get3A_326, %get3A_327] {strides = array<i32>} : memref<16x320xf32, #tpu.memory_space<vmem>>, vector<16xf32>,
        %add3A_329 = arith.constant 2992 : i32
        %add3A_330 = vector.broadcast %add3A_329 : i32 to vector<16xi32>
        %add3A_331 = arith.addi %mul3A_3, %add3A_330 : vector<16xi32>
        %add3A_332 = vector.broadcast %scan3A_238 : i32 to vector<16xi32>
        %add3A_333 = arith.addi %add3A_331, %add3A_332 : vector<16xi32>
        tpu.vector_store_idx %arg8[%add3A_333], %get3A_328 : memref<5440xf32, #tpu.memory_space<vmem>>[vector<16xi32>], vector<16xf32>,
        %get3A_334 = arith.index_cast %scan3A_238 : i32 to index
        %get3A_335 = arith.constant 192 : index
        %get3A_336 = tpu.vector_load %arg7[%get3A_334, %get3A_335] {strides = array<i32>} : memref<16x320xf32, #tpu.memory_space<vmem>>, vector<16xf32>,
        %add3A_337 = arith.constant 3264 : i32
        %add3A_338 = vector.broadcast %add3A_337 : i32 to vector<16xi32>
        %add3A_339 = arith.addi %mul3A_3, %add3A_338 : vector<16xi32>
        %add3A_340 = vector.broadcast %scan3A_238 : i32 to vector<16xi32>
        %add3A_341 = arith.addi %add3A_339, %add3A_340 : vector<16xi32>
        tpu.vector_store_idx %arg8[%add3A_341], %get3A_336 : memref<5440xf32, #tpu.memory_space<vmem>>[vector<16xi32>], vector<16xf32>,
        %get3A_342 = arith.index_cast %scan3A_238 : i32 to index
        %get3A_343 = arith.constant 208 : index
        %get3A_344 = tpu.vector_load %arg7[%get3A_342, %get3A_343] {strides = array<i32>} : memref<16x320xf32, #tpu.memory_space<vmem>>, vector<16xf32>,
        %add3A_345 = arith.constant 3536 : i32
        %add3A_346 = vector.broadcast %add3A_345 : i32 to vector<16xi32>
        %add3A_347 = arith.addi %mul3A_3, %add3A_346 : vector<16xi32>
        %add3A_348 = vector.broadcast %scan3A_238 : i32 to vector<16xi32>
        %add3A_349 = arith.addi %add3A_347, %add3A_348 : vector<16xi32>
        tpu.vector_store_idx %arg8[%add3A_349], %get3A_344 : memref<5440xf32, #tpu.memory_space<vmem>>[vector<16xi32>], vector<16xf32>,
        %get3A_350 = arith.index_cast %scan3A_238 : i32 to index
        %get3A_351 = arith.constant 224 : index
        %get3A_352 = tpu.vector_load %arg7[%get3A_350, %get3A_351] {strides = array<i32>} : memref<16x320xf32, #tpu.memory_space<vmem>>, vector<16xf32>,
        %add3A_353 = arith.constant 3808 : i32
        %add3A_354 = vector.broadcast %add3A_353 : i32 to vector<16xi32>
        %add3A_355 = arith.addi %mul3A_3, %add3A_354 : vector<16xi32>
        %add3A_356 = vector.broadcast %scan3A_238 : i32 to vector<16xi32>
        %add3A_357 = arith.addi %add3A_355, %add3A_356 : vector<16xi32>
        tpu.vector_store_idx %arg8[%add3A_357], %get3A_352 : memref<5440xf32, #tpu.memory_space<vmem>>[vector<16xi32>], vector<16xf32>,
        %get3A_358 = arith.index_cast %scan3A_238 : i32 to index
        %get3A_359 = arith.constant 240 : index
        %get3A_360 = tpu.vector_load %arg7[%get3A_358, %get3A_359] {strides = array<i32>} : memref<16x320xf32, #tpu.memory_space<vmem>>, vector<16xf32>,
        %add3A_361 = arith.constant 4080 : i32
        %add3A_362 = vector.broadcast %add3A_361 : i32 to vector<16xi32>
        %add3A_363 = arith.addi %mul3A_3, %add3A_362 : vector<16xi32>
        %add3A_364 = vector.broadcast %scan3A_238 : i32 to vector<16xi32>
        %add3A_365 = arith.addi %add3A_363, %add3A_364 : vector<16xi32>
        tpu.vector_store_idx %arg8[%add3A_365], %get3A_360 : memref<5440xf32, #tpu.memory_space<vmem>>[vector<16xi32>], vector<16xf32>,
        %get3A_366 = arith.index_cast %scan3A_238 : i32 to index
        %get3A_367 = arith.constant 256 : index
        %get3A_368 = tpu.vector_load %arg7[%get3A_366, %get3A_367] {strides = array<i32>} : memref<16x320xf32, #tpu.memory_space<vmem>>, vector<16xf32>,
        %add3A_369 = arith.constant 4352 : i32
        %add3A_370 = vector.broadcast %add3A_369 : i32 to vector<16xi32>
        %add3A_371 = arith.addi %mul3A_3, %add3A_370 : vector<16xi32>
        %add3A_372 = vector.broadcast %scan3A_238 : i32 to vector<16xi32>
        %add3A_373 = arith.addi %add3A_371, %add3A_372 : vector<16xi32>
        tpu.vector_store_idx %arg8[%add3A_373], %get3A_368 : memref<5440xf32, #tpu.memory_space<vmem>>[vector<16xi32>], vector<16xf32>,
        %get3A_374 = arith.index_cast %scan3A_238 : i32 to index
        %get3A_375 = arith.constant 272 : index
        %get3A_376 = tpu.vector_load %arg7[%get3A_374, %get3A_375] {strides = array<i32>} : memref<16x320xf32, #tpu.memory_space<vmem>>, vector<16xf32>,
        %add3A_377 = arith.constant 4624 : i32
        %add3A_378 = vector.broadcast %add3A_377 : i32 to vector<16xi32>
        %add3A_379 = arith.addi %mul3A_3, %add3A_378 : vector<16xi32>
        %add3A_380 = vector.broadcast %scan3A_238 : i32 to vector<16xi32>
        %add3A_381 = arith.addi %add3A_379, %add3A_380 : vector<16xi32>
        tpu.vector_store_idx %arg8[%add3A_381], %get3A_376 : memref<5440xf32, #tpu.memory_space<vmem>>[vector<16xi32>], vector<16xf32>,
        %get3A_382 = arith.index_cast %scan3A_238 : i32 to index
        %get3A_383 = arith.constant 288 : index
        %get3A_384 = tpu.vector_load %arg7[%get3A_382, %get3A_383] {strides = array<i32>} : memref<16x320xf32, #tpu.memory_space<vmem>>, vector<16xf32>,
        %add3A_385 = arith.constant 4896 : i32
        %add3A_386 = vector.broadcast %add3A_385 : i32 to vector<16xi32>
        %add3A_387 = arith.addi %mul3A_3, %add3A_386 : vector<16xi32>
        %add3A_388 = vector.broadcast %scan3A_238 : i32 to vector<16xi32>
        %add3A_389 = arith.addi %add3A_387, %add3A_388 : vector<16xi32>
        tpu.vector_store_idx %arg8[%add3A_389], %get3A_384 : memref<5440xf32, #tpu.memory_space<vmem>>[vector<16xi32>], vector<16xf32>,
        %get3A_390 = arith.index_cast %scan3A_238 : i32 to index
        %get3A_391 = arith.constant 304 : index
        %get3A_392 = tpu.vector_load %arg7[%get3A_390, %get3A_391] {strides = array<i32>} : memref<16x320xf32, #tpu.memory_space<vmem>>, vector<16xf32>,
        %add3A_393 = arith.constant 5168 : i32
        %add3A_394 = vector.broadcast %add3A_393 : i32 to vector<16xi32>
        %add3A_395 = arith.addi %mul3A_3, %add3A_394 : vector<16xi32>
        %add3A_396 = vector.broadcast %scan3A_238 : i32 to vector<16xi32>
        %add3A_397 = arith.addi %add3A_395, %add3A_396 : vector<16xi32>
        tpu.vector_store_idx %arg8[%add3A_397], %get3A_392 : memref<5440xf32, #tpu.memory_space<vmem>>[vector<16xi32>], vector<16xf32>,
      }
      %scan3A_19 = arith.constant 16 : i32
      %broadcast_in_dim3A = arith.constant 0.000000e+00 : f32
      %broadcast_in_dim3A_20 = vector.broadcast %broadcast_in_dim3A : f32 to vector<16xf32>
      %broadcast_in_dim3A_21 = arith.constant 0.000000e+00 : f32
      %broadcast_in_dim3A_22 = vector.broadcast %broadcast_in_dim3A_21 : f32 to vector<16xf32>
      %broadcast_in_dim3A_23 = arith.constant 0.000000e+00 : f32
      %broadcast_in_dim3A_24 = vector.broadcast %broadcast_in_dim3A_23 : f32 to vector<16xf32>
      %broadcast_in_dim3A_25 = arith.constant 0.000000e+00 : f32
      %broadcast_in_dim3A_26 = vector.broadcast %broadcast_in_dim3A_25 : f32 to vector<16xf32>
      %broadcast_in_dim3A_27 = arith.constant 0.000000e+00 : f32
      %broadcast_in_dim3A_28 = vector.broadcast %broadcast_in_dim3A_27 : f32 to vector<16xf32>
      %scan3A_29 = arith.constant 0 : i32
      %scan3A_30 = arith.constant 64 : i32
      %scan3A_31 = arith.addi %scan3A_29, %scan3A_30 : i32
      %scan3A_32 = arith.constant 1 : i32
      %scan3A_33:5 = scf.for %scan3A_238 = %scan3A_29 to %scan3A_31 step %scan3A_32 iter_args(%scan3A_239 = %broadcast_in_dim3A_20, %scan3A_240 = %broadcast_in_dim3A_22, %scan3A_241 = %broadcast_in_dim3A_24, %scan3A_242 = %broadcast_in_dim3A_26, %scan3A_243 = %broadcast_in_dim3A_28) -> (vector<16xf32>, vector<16xf32>, vector<16xf32>, vector<16xf32>, vector<16xf32>)  : i32 {
        %add3A_244 = arith.constant 0 : i32
        %add3A_245 = vector.broadcast %add3A_244 : i32 to vector<16xi32>
        %add3A_246 = arith.addi %iota3A, %add3A_245 : vector<16xi32>
        %mul3A_247 = arith.constant 17 : i32
        %mul3A_248 = arith.muli %scan3A_238, %mul3A_247 : i32
        %add3A_249 = vector.broadcast %mul3A_248 : i32 to vector<16xi32>
        %add3A_250 = arith.addi %add3A_246, %add3A_249 : vector<16xi32>
        %gather3A = tpu.vector_load_idx %arg8[%add3A_250] : memref<5440xf32, #tpu.memory_space<vmem>>[vector<16xi32>], vector<16xf32>,
        %mul3A_251 = arith.mulf %gather3A, %gather3A : vector<16xf32>
        %add3A_252 = arith.addf %scan3A_239, %mul3A_251 : vector<16xf32>
        %add3A_253 = arith.constant 1088 : i32
        %add3A_254 = vector.broadcast %add3A_253 : i32 to vector<16xi32>
        %add3A_255 = arith.addi %iota3A, %add3A_254 : vector<16xi32>
        %mul3A_256 = arith.constant 17 : i32
        %mul3A_257 = arith.muli %scan3A_238, %mul3A_256 : i32
        %add3A_258 = vector.broadcast %mul3A_257 : i32 to vector<16xi32>
        %add3A_259 = arith.addi %add3A_255, %add3A_258 : vector<16xi32>
        %gather3A_260 = tpu.vector_load_idx %arg8[%add3A_259] : memref<5440xf32, #tpu.memory_space<vmem>>[vector<16xi32>], vector<16xf32>,
        %mul3A_261 = arith.mulf %gather3A_260, %gather3A_260 : vector<16xf32>
        %add3A_262 = arith.addf %scan3A_240, %mul3A_261 : vector<16xf32>
        %add3A_263 = arith.constant 2176 : i32
        %add3A_264 = vector.broadcast %add3A_263 : i32 to vector<16xi32>
        %add3A_265 = arith.addi %iota3A, %add3A_264 : vector<16xi32>
        %mul3A_266 = arith.constant 17 : i32
        %mul3A_267 = arith.muli %scan3A_238, %mul3A_266 : i32
        %add3A_268 = vector.broadcast %mul3A_267 : i32 to vector<16xi32>
        %add3A_269 = arith.addi %add3A_265, %add3A_268 : vector<16xi32>
        %gather3A_270 = tpu.vector_load_idx %arg8[%add3A_269] : memref<5440xf32, #tpu.memory_space<vmem>>[vector<16xi32>], vector<16xf32>,
        %mul3A_271 = arith.mulf %gather3A_270, %gather3A_270 : vector<16xf32>
        %add3A_272 = arith.addf %scan3A_241, %mul3A_271 : vector<16xf32>
        %add3A_273 = arith.constant 3264 : i32
        %add3A_274 = vector.broadcast %add3A_273 : i32 to vector<16xi32>
        %add3A_275 = arith.addi %iota3A, %add3A_274 : vector<16xi32>
        %mul3A_276 = arith.constant 17 : i32
        %mul3A_277 = arith.muli %scan3A_238, %mul3A_276 : i32
        %add3A_278 = vector.broadcast %mul3A_277 : i32 to vector<16xi32>
        %add3A_279 = arith.addi %add3A_275, %add3A_278 : vector<16xi32>
        %gather3A_280 = tpu.vector_load_idx %arg8[%add3A_279] : memref<5440xf32, #tpu.memory_space<vmem>>[vector<16xi32>], vector<16xf32>,
        %mul3A_281 = arith.mulf %gather3A_280, %gather3A_280 : vector<16xf32>
        %add3A_282 = arith.addf %scan3A_242, %mul3A_281 : vector<16xf32>
        %add3A_283 = arith.constant 4352 : i32
        %add3A_284 = vector.broadcast %add3A_283 : i32 to vector<16xi32>
        %add3A_285 = arith.addi %iota3A, %add3A_284 : vector<16xi32>
        %mul3A_286 = arith.constant 17 : i32
        %mul3A_287 = arith.muli %scan3A_238, %mul3A_286 : i32
        %add3A_288 = vector.broadcast %mul3A_287 : i32 to vector<16xi32>
        %add3A_289 = arith.addi %add3A_285, %add3A_288 : vector<16xi32>
        %gather3A_290 = tpu.vector_load_idx %arg8[%add3A_289] : memref<5440xf32, #tpu.memory_space<vmem>>[vector<16xi32>], vector<16xf32>,
        %mul3A_291 = arith.mulf %gather3A_290, %gather3A_290 : vector<16xf32>
        %add3A_292 = arith.addf %scan3A_243, %mul3A_291 : vector<16xf32>
        scf.yield %add3A_252, %add3A_262, %add3A_272, %add3A_282, %add3A_292 : vector<16xf32>, vector<16xf32>, vector<16xf32>, vector<16xf32>, vector<16xf32>
      }
      %scan3A_34 = arith.constant 64 : i32
      %broadcast_in_dim3A_35 = arith.constant 0.000000e+00 : f32
      %broadcast_in_dim3A_36 = vector.broadcast %broadcast_in_dim3A_35 : f32 to vector<16xf32>
      %broadcast_in_dim3A_37 = arith.constant 0.000000e+00 : f32
      %broadcast_in_dim3A_38 = vector.broadcast %broadcast_in_dim3A_37 : f32 to vector<16xf32>
      %broadcast_in_dim3A_39 = arith.constant 0.000000e+00 : f32
      %broadcast_in_dim3A_40 = vector.broadcast %broadcast_in_dim3A_39 : f32 to vector<16xf32>
      %broadcast_in_dim3A_41 = arith.constant 0.000000e+00 : f32
      %broadcast_in_dim3A_42 = vector.broadcast %broadcast_in_dim3A_41 : f32 to vector<16xf32>
      %broadcast_in_dim3A_43 = arith.constant 0.000000e+00 : f32
      %broadcast_in_dim3A_44 = vector.broadcast %broadcast_in_dim3A_43 : f32 to vector<16xf32>
      %broadcast_in_dim3A_45 = arith.constant 0.000000e+00 : f32
      %broadcast_in_dim3A_46 = vector.broadcast %broadcast_in_dim3A_45 : f32 to vector<16xf32>
      %broadcast_in_dim3A_47 = arith.constant 0.000000e+00 : f32
      %broadcast_in_dim3A_48 = vector.broadcast %broadcast_in_dim3A_47 : f32 to vector<16xf32>
      %broadcast_in_dim3A_49 = arith.constant 0.000000e+00 : f32
      %broadcast_in_dim3A_50 = vector.broadcast %broadcast_in_dim3A_49 : f32 to vector<16xf32>
      %broadcast_in_dim3A_51 = arith.constant 0.000000e+00 : f32
      %broadcast_in_dim3A_52 = vector.broadcast %broadcast_in_dim3A_51 : f32 to vector<16xf32>
      %broadcast_in_dim3A_53 = arith.constant 0.000000e+00 : f32
      %broadcast_in_dim3A_54 = vector.broadcast %broadcast_in_dim3A_53 : f32 to vector<16xf32>
      %scan3A_55 = arith.constant 0 : i32
      %scan3A_56 = arith.constant 13 : i32
      %scan3A_57 = arith.addi %scan3A_55, %scan3A_56 : i32
      %scan3A_58 = arith.constant 1 : i32
      %scan3A_59:10 = scf.for %scan3A_238 = %scan3A_55 to %scan3A_57 step %scan3A_58 iter_args(%scan3A_239 = %broadcast_in_dim3A_36, %scan3A_240 = %broadcast_in_dim3A_38, %scan3A_241 = %broadcast_in_dim3A_40, %scan3A_242 = %broadcast_in_dim3A_42, %scan3A_243 = %broadcast_in_dim3A_44, %scan3A_244 = %broadcast_in_dim3A_46, %scan3A_245 = %broadcast_in_dim3A_48, %scan3A_246 = %broadcast_in_dim3A_50, %scan3A_247 = %broadcast_in_dim3A_52, %scan3A_248 = %broadcast_in_dim3A_54) -> (vector<16xf32>, vector<16xf32>, vector<16xf32>, vector<16xf32>, vector<16xf32>, vector<16xf32>, vector<16xf32>, vector<16xf32>, vector<16xf32>, vector<16xf32>)  : i32 {
        %broadcast_in_dim3A_249 = arith.constant 8 : i32
        %broadcast_in_dim3A_250 = vector.broadcast %broadcast_in_dim3A_249 : i32 to vector<16xi32>
        %add3A_251 = vector.broadcast %scan3A_238 : i32 to vector<16xi32>
        %add3A_252 = arith.addi %broadcast_in_dim3A_250, %add3A_251 : vector<16xi32>
        %gather3A = tpu.vector_load_idx %arg9[%add3A_252] : memref<80xf32, #tpu.memory_space<vmem>>[vector<16xi32>], vector<16xf32>,
        %add3A_253 = arith.constant 0 : i32
        %add3A_254 = vector.broadcast %add3A_253 : i32 to vector<16xi32>
        %add3A_255 = arith.addi %iota3A, %add3A_254 : vector<16xi32>
        %mul3A_256 = arith.constant 17 : i32
        %mul3A_257 = arith.muli %scan3A_238, %mul3A_256 : i32
        %add3A_258 = vector.broadcast %mul3A_257 : i32 to vector<16xi32>
        %add3A_259 = arith.addi %add3A_255, %add3A_258 : vector<16xi32>
        %gather3A_260 = tpu.vector_load_idx %arg8[%add3A_259] : memref<5440xf32, #tpu.memory_space<vmem>>[vector<16xi32>], vector<16xf32>,
        %sub3A_261 = arith.subf %gather3A_260, %gather3A : vector<16xf32>
        %mul3A_262 = arith.mulf %gather3A_260, %gather3A_260 : vector<16xf32>
        %add3A_263 = arith.addf %scan3A_239, %mul3A_262 : vector<16xf32>
        %mul3A_264 = arith.mulf %sub3A_261, %sub3A_261 : vector<16xf32>
        %add3A_265 = arith.addf %scan3A_240, %mul3A_264 : vector<16xf32>
        %add3A_266 = arith.constant 1088 : i32
        %add3A_267 = vector.broadcast %add3A_266 : i32 to vector<16xi32>
        %add3A_268 = arith.addi %iota3A, %add3A_267 : vector<16xi32>
        %mul3A_269 = arith.constant 17 : i32
        %mul3A_270 = arith.muli %scan3A_238, %mul3A_269 : i32
        %add3A_271 = vector.broadcast %mul3A_270 : i32 to vector<16xi32>
        %add3A_272 = arith.addi %add3A_268, %add3A_271 : vector<16xi32>
        %gather3A_273 = tpu.vector_load_idx %arg8[%add3A_272] : memref<5440xf32, #tpu.memory_space<vmem>>[vector<16xi32>], vector<16xf32>,
        %sub3A_274 = arith.subf %gather3A_273, %gather3A : vector<16xf32>
        %mul3A_275 = arith.mulf %gather3A_273, %gather3A_273 : vector<16xf32>
        %add3A_276 = arith.addf %scan3A_241, %mul3A_275 : vector<16xf32>
        %mul3A_277 = arith.mulf %sub3A_274, %sub3A_274 : vector<16xf32>
        %add3A_278 = arith.addf %scan3A_242, %mul3A_277 : vector<16xf32>
        %add3A_279 = arith.constant 2176 : i32
        %add3A_280 = vector.broadcast %add3A_279 : i32 to vector<16xi32>
        %add3A_281 = arith.addi %iota3A, %add3A_280 : vector<16xi32>
        %mul3A_282 = arith.constant 17 : i32
        %mul3A_283 = arith.muli %scan3A_238, %mul3A_282 : i32
        %add3A_284 = vector.broadcast %mul3A_283 : i32 to vector<16xi32>
        %add3A_285 = arith.addi %add3A_281, %add3A_284 : vector<16xi32>
        %gather3A_286 = tpu.vector_load_idx %arg8[%add3A_285] : memref<5440xf32, #tpu.memory_space<vmem>>[vector<16xi32>], vector<16xf32>,
        %sub3A_287 = arith.subf %gather3A_286, %gather3A : vector<16xf32>
        %mul3A_288 = arith.mulf %gather3A_286, %gather3A_286 : vector<16xf32>
        %add3A_289 = arith.addf %scan3A_243, %mul3A_288 : vector<16xf32>
        %mul3A_290 = arith.mulf %sub3A_287, %sub3A_287 : vector<16xf32>
        %add3A_291 = arith.addf %scan3A_244, %mul3A_290 : vector<16xf32>
        %add3A_292 = arith.constant 3264 : i32
        %add3A_293 = vector.broadcast %add3A_292 : i32 to vector<16xi32>
        %add3A_294 = arith.addi %iota3A, %add3A_293 : vector<16xi32>
        %mul3A_295 = arith.constant 17 : i32
        %mul3A_296 = arith.muli %scan3A_238, %mul3A_295 : i32
        %add3A_297 = vector.broadcast %mul3A_296 : i32 to vector<16xi32>
        %add3A_298 = arith.addi %add3A_294, %add3A_297 : vector<16xi32>
        %gather3A_299 = tpu.vector_load_idx %arg8[%add3A_298] : memref<5440xf32, #tpu.memory_space<vmem>>[vector<16xi32>], vector<16xf32>,
        %sub3A_300 = arith.subf %gather3A_299, %gather3A : vector<16xf32>
        %mul3A_301 = arith.mulf %gather3A_299, %gather3A_299 : vector<16xf32>
        %add3A_302 = arith.addf %scan3A_245, %mul3A_301 : vector<16xf32>
        %mul3A_303 = arith.mulf %sub3A_300, %sub3A_300 : vector<16xf32>
        %add3A_304 = arith.addf %scan3A_246, %mul3A_303 : vector<16xf32>
        %add3A_305 = arith.constant 4352 : i32
        %add3A_306 = vector.broadcast %add3A_305 : i32 to vector<16xi32>
        %add3A_307 = arith.addi %iota3A, %add3A_306 : vector<16xi32>
        %mul3A_308 = arith.constant 17 : i32
        %mul3A_309 = arith.muli %scan3A_238, %mul3A_308 : i32
        %add3A_310 = vector.broadcast %mul3A_309 : i32 to vector<16xi32>
        %add3A_311 = arith.addi %add3A_307, %add3A_310 : vector<16xi32>
        %gather3A_312 = tpu.vector_load_idx %arg8[%add3A_311] : memref<5440xf32, #tpu.memory_space<vmem>>[vector<16xi32>], vector<16xf32>,
        %sub3A_313 = arith.subf %gather3A_312, %gather3A : vector<16xf32>
        %mul3A_314 = arith.mulf %gather3A_312, %gather3A_312 : vector<16xf32>
        %add3A_315 = arith.addf %scan3A_247, %mul3A_314 : vector<16xf32>
        %mul3A_316 = arith.mulf %sub3A_313, %sub3A_313 : vector<16xf32>
        %add3A_317 = arith.addf %scan3A_248, %mul3A_316 : vector<16xf32>
        scf.yield %add3A_263, %add3A_265, %add3A_276, %add3A_278, %add3A_289, %add3A_291, %add3A_302, %add3A_304, %add3A_315, %add3A_317 : vector<16xf32>, vector<16xf32>, vector<16xf32>, vector<16xf32>, vector<16xf32>, vector<16xf32>, vector<16xf32>, vector<16xf32>, vector<16xf32>, vector<16xf32>
      }
      %scan3A_60 = arith.constant 13 : i32
      %sub3A = arith.subf %scan3A_33#0, %scan3A_59#0 : vector<16xf32>
      %add3A_61 = arith.addf %sub3A, %scan3A_59#1 : vector<16xf32>
      %sub3A_62 = arith.subf %scan3A_33#1, %scan3A_59#2 : vector<16xf32>
      %add3A_63 = arith.addf %sub3A_62, %scan3A_59#3 : vector<16xf32>
      %sub3A_64 = arith.subf %scan3A_33#2, %scan3A_59#4 : vector<16xf32>
      %add3A_65 = arith.addf %sub3A_64, %scan3A_59#5 : vector<16xf32>
      %sub3A_66 = arith.subf %scan3A_33#3, %scan3A_59#6 : vector<16xf32>
      %add3A_67 = arith.addf %sub3A_66, %scan3A_59#7 : vector<16xf32>
      %sub3A_68 = arith.subf %scan3A_33#4, %scan3A_59#8 : vector<16xf32>
      %add3A_69 = arith.addf %sub3A_68, %scan3A_59#9 : vector<16xf32>
      %scan3A_70 = arith.constant 0 : i32
      %scan3A_71 = arith.constant 13 : i32
      %scan3A_72 = arith.addi %scan3A_70, %scan3A_71 : i32
      %scan3A_73 = arith.constant 1 : i32
      %scan3A_74:10 = scf.for %scan3A_238 = %scan3A_70 to %scan3A_72 step %scan3A_73 iter_args(%scan3A_239 = %broadcast_in_dim3A_36, %scan3A_240 = %broadcast_in_dim3A_38, %scan3A_241 = %broadcast_in_dim3A_40, %scan3A_242 = %broadcast_in_dim3A_42, %scan3A_243 = %broadcast_in_dim3A_44, %scan3A_244 = %broadcast_in_dim3A_46, %scan3A_245 = %broadcast_in_dim3A_48, %scan3A_246 = %broadcast_in_dim3A_50, %scan3A_247 = %broadcast_in_dim3A_52, %scan3A_248 = %broadcast_in_dim3A_54) -> (vector<16xf32>, vector<16xf32>, vector<16xf32>, vector<16xf32>, vector<16xf32>, vector<16xf32>, vector<16xf32>, vector<16xf32>, vector<16xf32>, vector<16xf32>)  : i32 {
        %broadcast_in_dim3A_249 = arith.constant 21 : i32
        %broadcast_in_dim3A_250 = vector.broadcast %broadcast_in_dim3A_249 : i32 to vector<16xi32>
        %add3A_251 = vector.broadcast %scan3A_238 : i32 to vector<16xi32>
        %add3A_252 = arith.addi %broadcast_in_dim3A_250, %add3A_251 : vector<16xi32>
        %gather3A = tpu.vector_load_idx %arg9[%add3A_252] : memref<80xf32, #tpu.memory_space<vmem>>[vector<16xi32>], vector<16xf32>,
        %add3A_253 = arith.constant 204 : i32
        %add3A_254 = vector.broadcast %add3A_253 : i32 to vector<16xi32>
        %add3A_255 = arith.addi %iota3A, %add3A_254 : vector<16xi32>
        %mul3A_256 = arith.constant 17 : i32
        %mul3A_257 = arith.muli %scan3A_238, %mul3A_256 : i32
        %add3A_258 = vector.broadcast %mul3A_257 : i32 to vector<16xi32>
        %add3A_259 = arith.addi %add3A_255, %add3A_258 : vector<16xi32>
        %gather3A_260 = tpu.vector_load_idx %arg8[%add3A_259] : memref<5440xf32, #tpu.memory_space<vmem>>[vector<16xi32>], vector<16xf32>,
        %sub3A_261 = arith.subf %gather3A_260, %gather3A : vector<16xf32>
        %mul3A_262 = arith.mulf %gather3A_260, %gather3A_260 : vector<16xf32>
        %add3A_263 = arith.addf %scan3A_239, %mul3A_262 : vector<16xf32>
        %mul3A_264 = arith.mulf %sub3A_261, %sub3A_261 : vector<16xf32>
        %add3A_265 = arith.addf %scan3A_240, %mul3A_264 : vector<16xf32>
        %add3A_266 = arith.constant 1292 : i32
        %add3A_267 = vector.broadcast %add3A_266 : i32 to vector<16xi32>
        %add3A_268 = arith.addi %iota3A, %add3A_267 : vector<16xi32>
        %mul3A_269 = arith.constant 17 : i32
        %mul3A_270 = arith.muli %scan3A_238, %mul3A_269 : i32
        %add3A_271 = vector.broadcast %mul3A_270 : i32 to vector<16xi32>
        %add3A_272 = arith.addi %add3A_268, %add3A_271 : vector<16xi32>
        %gather3A_273 = tpu.vector_load_idx %arg8[%add3A_272] : memref<5440xf32, #tpu.memory_space<vmem>>[vector<16xi32>], vector<16xf32>,
        %sub3A_274 = arith.subf %gather3A_273, %gather3A : vector<16xf32>
        %mul3A_275 = arith.mulf %gather3A_273, %gather3A_273 : vector<16xf32>
        %add3A_276 = arith.addf %scan3A_241, %mul3A_275 : vector<16xf32>
        %mul3A_277 = arith.mulf %sub3A_274, %sub3A_274 : vector<16xf32>
        %add3A_278 = arith.addf %scan3A_242, %mul3A_277 : vector<16xf32>
        %add3A_279 = arith.constant 2380 : i32
        %add3A_280 = vector.broadcast %add3A_279 : i32 to vector<16xi32>
        %add3A_281 = arith.addi %iota3A, %add3A_280 : vector<16xi32>
        %mul3A_282 = arith.constant 17 : i32
        %mul3A_283 = arith.muli %scan3A_238, %mul3A_282 : i32
        %add3A_284 = vector.broadcast %mul3A_283 : i32 to vector<16xi32>
        %add3A_285 = arith.addi %add3A_281, %add3A_284 : vector<16xi32>
        %gather3A_286 = tpu.vector_load_idx %arg8[%add3A_285] : memref<5440xf32, #tpu.memory_space<vmem>>[vector<16xi32>], vector<16xf32>,
        %sub3A_287 = arith.subf %gather3A_286, %gather3A : vector<16xf32>
        %mul3A_288 = arith.mulf %gather3A_286, %gather3A_286 : vector<16xf32>
        %add3A_289 = arith.addf %scan3A_243, %mul3A_288 : vector<16xf32>
        %mul3A_290 = arith.mulf %sub3A_287, %sub3A_287 : vector<16xf32>
        %add3A_291 = arith.addf %scan3A_244, %mul3A_290 : vector<16xf32>
        %add3A_292 = arith.constant 3468 : i32
        %add3A_293 = vector.broadcast %add3A_292 : i32 to vector<16xi32>
        %add3A_294 = arith.addi %iota3A, %add3A_293 : vector<16xi32>
        %mul3A_295 = arith.constant 17 : i32
        %mul3A_296 = arith.muli %scan3A_238, %mul3A_295 : i32
        %add3A_297 = vector.broadcast %mul3A_296 : i32 to vector<16xi32>
        %add3A_298 = arith.addi %add3A_294, %add3A_297 : vector<16xi32>
        %gather3A_299 = tpu.vector_load_idx %arg8[%add3A_298] : memref<5440xf32, #tpu.memory_space<vmem>>[vector<16xi32>], vector<16xf32>,
        %sub3A_300 = arith.subf %gather3A_299, %gather3A : vector<16xf32>
        %mul3A_301 = arith.mulf %gather3A_299, %gather3A_299 : vector<16xf32>
        %add3A_302 = arith.addf %scan3A_245, %mul3A_301 : vector<16xf32>
        %mul3A_303 = arith.mulf %sub3A_300, %sub3A_300 : vector<16xf32>
        %add3A_304 = arith.addf %scan3A_246, %mul3A_303 : vector<16xf32>
        %add3A_305 = arith.constant 4556 : i32
        %add3A_306 = vector.broadcast %add3A_305 : i32 to vector<16xi32>
        %add3A_307 = arith.addi %iota3A, %add3A_306 : vector<16xi32>
        %mul3A_308 = arith.constant 17 : i32
        %mul3A_309 = arith.muli %scan3A_238, %mul3A_308 : i32
        %add3A_310 = vector.broadcast %mul3A_309 : i32 to vector<16xi32>
        %add3A_311 = arith.addi %add3A_307, %add3A_310 : vector<16xi32>
        %gather3A_312 = tpu.vector_load_idx %arg8[%add3A_311] : memref<5440xf32, #tpu.memory_space<vmem>>[vector<16xi32>], vector<16xf32>,
        %sub3A_313 = arith.subf %gather3A_312, %gather3A : vector<16xf32>
        %mul3A_314 = arith.mulf %gather3A_312, %gather3A_312 : vector<16xf32>
        %add3A_315 = arith.addf %scan3A_247, %mul3A_314 : vector<16xf32>
        %mul3A_316 = arith.mulf %sub3A_313, %sub3A_313 : vector<16xf32>
        %add3A_317 = arith.addf %scan3A_248, %mul3A_316 : vector<16xf32>
        scf.yield %add3A_263, %add3A_265, %add3A_276, %add3A_278, %add3A_289, %add3A_291, %add3A_302, %add3A_304, %add3A_315, %add3A_317 : vector<16xf32>, vector<16xf32>, vector<16xf32>, vector<16xf32>, vector<16xf32>, vector<16xf32>, vector<16xf32>, vector<16xf32>, vector<16xf32>, vector<16xf32>
      }
      %scan3A_75 = arith.constant 13 : i32
      %sub3A_76 = arith.subf %scan3A_33#0, %scan3A_74#0 : vector<16xf32>
      %add3A_77 = arith.addf %sub3A_76, %scan3A_74#1 : vector<16xf32>
      %sub3A_78 = arith.subf %scan3A_33#1, %scan3A_74#2 : vector<16xf32>
      %add3A_79 = arith.addf %sub3A_78, %scan3A_74#3 : vector<16xf32>
      %sub3A_80 = arith.subf %scan3A_33#2, %scan3A_74#4 : vector<16xf32>
      %add3A_81 = arith.addf %sub3A_80, %scan3A_74#5 : vector<16xf32>
      %sub3A_82 = arith.subf %scan3A_33#3, %scan3A_74#6 : vector<16xf32>
      %add3A_83 = arith.addf %sub3A_82, %scan3A_74#7 : vector<16xf32>
      %sub3A_84 = arith.subf %scan3A_33#4, %scan3A_74#8 : vector<16xf32>
      %add3A_85 = arith.addf %sub3A_84, %scan3A_74#9 : vector<16xf32>
      %scan3A_86 = arith.constant 0 : i32
      %scan3A_87 = arith.constant 13 : i32
      %scan3A_88 = arith.addi %scan3A_86, %scan3A_87 : i32
      %scan3A_89 = arith.constant 1 : i32
      %scan3A_90:10 = scf.for %scan3A_238 = %scan3A_86 to %scan3A_88 step %scan3A_89 iter_args(%scan3A_239 = %broadcast_in_dim3A_36, %scan3A_240 = %broadcast_in_dim3A_38, %scan3A_241 = %broadcast_in_dim3A_40, %scan3A_242 = %broadcast_in_dim3A_42, %scan3A_243 = %broadcast_in_dim3A_44, %scan3A_244 = %broadcast_in_dim3A_46, %scan3A_245 = %broadcast_in_dim3A_48, %scan3A_246 = %broadcast_in_dim3A_50, %scan3A_247 = %broadcast_in_dim3A_52, %scan3A_248 = %broadcast_in_dim3A_54) -> (vector<16xf32>, vector<16xf32>, vector<16xf32>, vector<16xf32>, vector<16xf32>, vector<16xf32>, vector<16xf32>, vector<16xf32>, vector<16xf32>, vector<16xf32>)  : i32 {
        %broadcast_in_dim3A_249 = arith.constant 34 : i32
        %broadcast_in_dim3A_250 = vector.broadcast %broadcast_in_dim3A_249 : i32 to vector<16xi32>
        %add3A_251 = vector.broadcast %scan3A_238 : i32 to vector<16xi32>
        %add3A_252 = arith.addi %broadcast_in_dim3A_250, %add3A_251 : vector<16xi32>
        %gather3A = tpu.vector_load_idx %arg9[%add3A_252] : memref<80xf32, #tpu.memory_space<vmem>>[vector<16xi32>], vector<16xf32>,
        %add3A_253 = arith.constant 425 : i32
        %add3A_254 = vector.broadcast %add3A_253 : i32 to vector<16xi32>
        %add3A_255 = arith.addi %iota3A, %add3A_254 : vector<16xi32>
        %mul3A_256 = arith.constant 17 : i32
        %mul3A_257 = arith.muli %scan3A_238, %mul3A_256 : i32
        %add3A_258 = vector.broadcast %mul3A_257 : i32 to vector<16xi32>
        %add3A_259 = arith.addi %add3A_255, %add3A_258 : vector<16xi32>
        %gather3A_260 = tpu.vector_load_idx %arg8[%add3A_259] : memref<5440xf32, #tpu.memory_space<vmem>>[vector<16xi32>], vector<16xf32>,
        %sub3A_261 = arith.subf %gather3A_260, %gather3A : vector<16xf32>
        %mul3A_262 = arith.mulf %gather3A_260, %gather3A_260 : vector<16xf32>
        %add3A_263 = arith.addf %scan3A_239, %mul3A_262 : vector<16xf32>
        %mul3A_264 = arith.mulf %sub3A_261, %sub3A_261 : vector<16xf32>
        %add3A_265 = arith.addf %scan3A_240, %mul3A_264 : vector<16xf32>
        %add3A_266 = arith.constant 1513 : i32
        %add3A_267 = vector.broadcast %add3A_266 : i32 to vector<16xi32>
        %add3A_268 = arith.addi %iota3A, %add3A_267 : vector<16xi32>
        %mul3A_269 = arith.constant 17 : i32
        %mul3A_270 = arith.muli %scan3A_238, %mul3A_269 : i32
        %add3A_271 = vector.broadcast %mul3A_270 : i32 to vector<16xi32>
        %add3A_272 = arith.addi %add3A_268, %add3A_271 : vector<16xi32>
        %gather3A_273 = tpu.vector_load_idx %arg8[%add3A_272] : memref<5440xf32, #tpu.memory_space<vmem>>[vector<16xi32>], vector<16xf32>,
        %sub3A_274 = arith.subf %gather3A_273, %gather3A : vector<16xf32>
        %mul3A_275 = arith.mulf %gather3A_273, %gather3A_273 : vector<16xf32>
        %add3A_276 = arith.addf %scan3A_241, %mul3A_275 : vector<16xf32>
        %mul3A_277 = arith.mulf %sub3A_274, %sub3A_274 : vector<16xf32>
        %add3A_278 = arith.addf %scan3A_242, %mul3A_277 : vector<16xf32>
        %add3A_279 = arith.constant 2601 : i32
        %add3A_280 = vector.broadcast %add3A_279 : i32 to vector<16xi32>
        %add3A_281 = arith.addi %iota3A, %add3A_280 : vector<16xi32>
        %mul3A_282 = arith.constant 17 : i32
        %mul3A_283 = arith.muli %scan3A_238, %mul3A_282 : i32
        %add3A_284 = vector.broadcast %mul3A_283 : i32 to vector<16xi32>
        %add3A_285 = arith.addi %add3A_281, %add3A_284 : vector<16xi32>
        %gather3A_286 = tpu.vector_load_idx %arg8[%add3A_285] : memref<5440xf32, #tpu.memory_space<vmem>>[vector<16xi32>], vector<16xf32>,
        %sub3A_287 = arith.subf %gather3A_286, %gather3A : vector<16xf32>
        %mul3A_288 = arith.mulf %gather3A_286, %gather3A_286 : vector<16xf32>
        %add3A_289 = arith.addf %scan3A_243, %mul3A_288 : vector<16xf32>
        %mul3A_290 = arith.mulf %sub3A_287, %sub3A_287 : vector<16xf32>
        %add3A_291 = arith.addf %scan3A_244, %mul3A_290 : vector<16xf32>
        %add3A_292 = arith.constant 3689 : i32
        %add3A_293 = vector.broadcast %add3A_292 : i32 to vector<16xi32>
        %add3A_294 = arith.addi %iota3A, %add3A_293 : vector<16xi32>
        %mul3A_295 = arith.constant 17 : i32
        %mul3A_296 = arith.muli %scan3A_238, %mul3A_295 : i32
        %add3A_297 = vector.broadcast %mul3A_296 : i32 to vector<16xi32>
        %add3A_298 = arith.addi %add3A_294, %add3A_297 : vector<16xi32>
        %gather3A_299 = tpu.vector_load_idx %arg8[%add3A_298] : memref<5440xf32, #tpu.memory_space<vmem>>[vector<16xi32>], vector<16xf32>,
        %sub3A_300 = arith.subf %gather3A_299, %gather3A : vector<16xf32>
        %mul3A_301 = arith.mulf %gather3A_299, %gather3A_299 : vector<16xf32>
        %add3A_302 = arith.addf %scan3A_245, %mul3A_301 : vector<16xf32>
        %mul3A_303 = arith.mulf %sub3A_300, %sub3A_300 : vector<16xf32>
        %add3A_304 = arith.addf %scan3A_246, %mul3A_303 : vector<16xf32>
        %add3A_305 = arith.constant 4777 : i32
        %add3A_306 = vector.broadcast %add3A_305 : i32 to vector<16xi32>
        %add3A_307 = arith.addi %iota3A, %add3A_306 : vector<16xi32>
        %mul3A_308 = arith.constant 17 : i32
        %mul3A_309 = arith.muli %scan3A_238, %mul3A_308 : i32
        %add3A_310 = vector.broadcast %mul3A_309 : i32 to vector<16xi32>
        %add3A_311 = arith.addi %add3A_307, %add3A_310 : vector<16xi32>
        %gather3A_312 = tpu.vector_load_idx %arg8[%add3A_311] : memref<5440xf32, #tpu.memory_space<vmem>>[vector<16xi32>], vector<16xf32>,
        %sub3A_313 = arith.subf %gather3A_312, %gather3A : vector<16xf32>
        %mul3A_314 = arith.mulf %gather3A_312, %gather3A_312 : vector<16xf32>
        %add3A_315 = arith.addf %scan3A_247, %mul3A_314 : vector<16xf32>
        %mul3A_316 = arith.mulf %sub3A_313, %sub3A_313 : vector<16xf32>
        %add3A_317 = arith.addf %scan3A_248, %mul3A_316 : vector<16xf32>
        scf.yield %add3A_263, %add3A_265, %add3A_276, %add3A_278, %add3A_289, %add3A_291, %add3A_302, %add3A_304, %add3A_315, %add3A_317 : vector<16xf32>, vector<16xf32>, vector<16xf32>, vector<16xf32>, vector<16xf32>, vector<16xf32>, vector<16xf32>, vector<16xf32>, vector<16xf32>, vector<16xf32>
      }
      %scan3A_91 = arith.constant 13 : i32
      %sub3A_92 = arith.subf %scan3A_33#0, %scan3A_90#0 : vector<16xf32>
      %add3A_93 = arith.addf %sub3A_92, %scan3A_90#1 : vector<16xf32>
      %sub3A_94 = arith.subf %scan3A_33#1, %scan3A_90#2 : vector<16xf32>
      %add3A_95 = arith.addf %sub3A_94, %scan3A_90#3 : vector<16xf32>
      %sub3A_96 = arith.subf %scan3A_33#2, %scan3A_90#4 : vector<16xf32>
      %add3A_97 = arith.addf %sub3A_96, %scan3A_90#5 : vector<16xf32>
      %sub3A_98 = arith.subf %scan3A_33#3, %scan3A_90#6 : vector<16xf32>
      %add3A_99 = arith.addf %sub3A_98, %scan3A_90#7 : vector<16xf32>
      %sub3A_100 = arith.subf %scan3A_33#4, %scan3A_90#8 : vector<16xf32>
      %add3A_101 = arith.addf %sub3A_100, %scan3A_90#9 : vector<16xf32>
      %scan3A_102 = arith.constant 0 : i32
      %scan3A_103 = arith.constant 13 : i32
      %scan3A_104 = arith.addi %scan3A_102, %scan3A_103 : i32
      %scan3A_105 = arith.constant 1 : i32
      %scan3A_106:10 = scf.for %scan3A_238 = %scan3A_102 to %scan3A_104 step %scan3A_105 iter_args(%scan3A_239 = %broadcast_in_dim3A_36, %scan3A_240 = %broadcast_in_dim3A_38, %scan3A_241 = %broadcast_in_dim3A_40, %scan3A_242 = %broadcast_in_dim3A_42, %scan3A_243 = %broadcast_in_dim3A_44, %scan3A_244 = %broadcast_in_dim3A_46, %scan3A_245 = %broadcast_in_dim3A_48, %scan3A_246 = %broadcast_in_dim3A_50, %scan3A_247 = %broadcast_in_dim3A_52, %scan3A_248 = %broadcast_in_dim3A_54) -> (vector<16xf32>, vector<16xf32>, vector<16xf32>, vector<16xf32>, vector<16xf32>, vector<16xf32>, vector<16xf32>, vector<16xf32>, vector<16xf32>, vector<16xf32>)  : i32 {
        %broadcast_in_dim3A_249 = arith.constant 47 : i32
        %broadcast_in_dim3A_250 = vector.broadcast %broadcast_in_dim3A_249 : i32 to vector<16xi32>
        %add3A_251 = vector.broadcast %scan3A_238 : i32 to vector<16xi32>
        %add3A_252 = arith.addi %broadcast_in_dim3A_250, %add3A_251 : vector<16xi32>
        %gather3A = tpu.vector_load_idx %arg9[%add3A_252] : memref<80xf32, #tpu.memory_space<vmem>>[vector<16xi32>], vector<16xf32>,
        %add3A_253 = arith.constant 646 : i32
        %add3A_254 = vector.broadcast %add3A_253 : i32 to vector<16xi32>
        %add3A_255 = arith.addi %iota3A, %add3A_254 : vector<16xi32>
        %mul3A_256 = arith.constant 17 : i32
        %mul3A_257 = arith.muli %scan3A_238, %mul3A_256 : i32
        %add3A_258 = vector.broadcast %mul3A_257 : i32 to vector<16xi32>
        %add3A_259 = arith.addi %add3A_255, %add3A_258 : vector<16xi32>
        %gather3A_260 = tpu.vector_load_idx %arg8[%add3A_259] : memref<5440xf32, #tpu.memory_space<vmem>>[vector<16xi32>], vector<16xf32>,
        %sub3A_261 = arith.subf %gather3A_260, %gather3A : vector<16xf32>
        %mul3A_262 = arith.mulf %gather3A_260, %gather3A_260 : vector<16xf32>
        %add3A_263 = arith.addf %scan3A_239, %mul3A_262 : vector<16xf32>
        %mul3A_264 = arith.mulf %sub3A_261, %sub3A_261 : vector<16xf32>
        %add3A_265 = arith.addf %scan3A_240, %mul3A_264 : vector<16xf32>
        %add3A_266 = arith.constant 1734 : i32
        %add3A_267 = vector.broadcast %add3A_266 : i32 to vector<16xi32>
        %add3A_268 = arith.addi %iota3A, %add3A_267 : vector<16xi32>
        %mul3A_269 = arith.constant 17 : i32
        %mul3A_270 = arith.muli %scan3A_238, %mul3A_269 : i32
        %add3A_271 = vector.broadcast %mul3A_270 : i32 to vector<16xi32>
        %add3A_272 = arith.addi %add3A_268, %add3A_271 : vector<16xi32>
        %gather3A_273 = tpu.vector_load_idx %arg8[%add3A_272] : memref<5440xf32, #tpu.memory_space<vmem>>[vector<16xi32>], vector<16xf32>,
        %sub3A_274 = arith.subf %gather3A_273, %gather3A : vector<16xf32>
        %mul3A_275 = arith.mulf %gather3A_273, %gather3A_273 : vector<16xf32>
        %add3A_276 = arith.addf %scan3A_241, %mul3A_275 : vector<16xf32>
        %mul3A_277 = arith.mulf %sub3A_274, %sub3A_274 : vector<16xf32>
        %add3A_278 = arith.addf %scan3A_242, %mul3A_277 : vector<16xf32>
        %add3A_279 = arith.constant 2822 : i32
        %add3A_280 = vector.broadcast %add3A_279 : i32 to vector<16xi32>
        %add3A_281 = arith.addi %iota3A, %add3A_280 : vector<16xi32>
        %mul3A_282 = arith.constant 17 : i32
        %mul3A_283 = arith.muli %scan3A_238, %mul3A_282 : i32
        %add3A_284 = vector.broadcast %mul3A_283 : i32 to vector<16xi32>
        %add3A_285 = arith.addi %add3A_281, %add3A_284 : vector<16xi32>
        %gather3A_286 = tpu.vector_load_idx %arg8[%add3A_285] : memref<5440xf32, #tpu.memory_space<vmem>>[vector<16xi32>], vector<16xf32>,
        %sub3A_287 = arith.subf %gather3A_286, %gather3A : vector<16xf32>
        %mul3A_288 = arith.mulf %gather3A_286, %gather3A_286 : vector<16xf32>
        %add3A_289 = arith.addf %scan3A_243, %mul3A_288 : vector<16xf32>
        %mul3A_290 = arith.mulf %sub3A_287, %sub3A_287 : vector<16xf32>
        %add3A_291 = arith.addf %scan3A_244, %mul3A_290 : vector<16xf32>
        %add3A_292 = arith.constant 3910 : i32
        %add3A_293 = vector.broadcast %add3A_292 : i32 to vector<16xi32>
        %add3A_294 = arith.addi %iota3A, %add3A_293 : vector<16xi32>
        %mul3A_295 = arith.constant 17 : i32
        %mul3A_296 = arith.muli %scan3A_238, %mul3A_295 : i32
        %add3A_297 = vector.broadcast %mul3A_296 : i32 to vector<16xi32>
        %add3A_298 = arith.addi %add3A_294, %add3A_297 : vector<16xi32>
        %gather3A_299 = tpu.vector_load_idx %arg8[%add3A_298] : memref<5440xf32, #tpu.memory_space<vmem>>[vector<16xi32>], vector<16xf32>,
        %sub3A_300 = arith.subf %gather3A_299, %gather3A : vector<16xf32>
        %mul3A_301 = arith.mulf %gather3A_299, %gather3A_299 : vector<16xf32>
        %add3A_302 = arith.addf %scan3A_245, %mul3A_301 : vector<16xf32>
        %mul3A_303 = arith.mulf %sub3A_300, %sub3A_300 : vector<16xf32>
        %add3A_304 = arith.addf %scan3A_246, %mul3A_303 : vector<16xf32>
        %add3A_305 = arith.constant 4998 : i32
        %add3A_306 = vector.broadcast %add3A_305 : i32 to vector<16xi32>
        %add3A_307 = arith.addi %iota3A, %add3A_306 : vector<16xi32>
        %mul3A_308 = arith.constant 17 : i32
        %mul3A_309 = arith.muli %scan3A_238, %mul3A_308 : i32
        %add3A_310 = vector.broadcast %mul3A_309 : i32 to vector<16xi32>
        %add3A_311 = arith.addi %add3A_307, %add3A_310 : vector<16xi32>
        %gather3A_312 = tpu.vector_load_idx %arg8[%add3A_311] : memref<5440xf32, #tpu.memory_space<vmem>>[vector<16xi32>], vector<16xf32>,
        %sub3A_313 = arith.subf %gather3A_312, %gather3A : vector<16xf32>
        %mul3A_314 = arith.mulf %gather3A_312, %gather3A_312 : vector<16xf32>
        %add3A_315 = arith.addf %scan3A_247, %mul3A_314 : vector<16xf32>
        %mul3A_316 = arith.mulf %sub3A_313, %sub3A_313 : vector<16xf32>
        %add3A_317 = arith.addf %scan3A_248, %mul3A_316 : vector<16xf32>
        scf.yield %add3A_263, %add3A_265, %add3A_276, %add3A_278, %add3A_289, %add3A_291, %add3A_302, %add3A_304, %add3A_315, %add3A_317 : vector<16xf32>, vector<16xf32>, vector<16xf32>, vector<16xf32>, vector<16xf32>, vector<16xf32>, vector<16xf32>, vector<16xf32>, vector<16xf32>, vector<16xf32>
      }
      %scan3A_107 = arith.constant 13 : i32
      %sub3A_108 = arith.subf %scan3A_33#0, %scan3A_106#0 : vector<16xf32>
      %add3A_109 = arith.addf %sub3A_108, %scan3A_106#1 : vector<16xf32>
      %sub3A_110 = arith.subf %scan3A_33#1, %scan3A_106#2 : vector<16xf32>
      %add3A_111 = arith.addf %sub3A_110, %scan3A_106#3 : vector<16xf32>
      %sub3A_112 = arith.subf %scan3A_33#2, %scan3A_106#4 : vector<16xf32>
      %add3A_113 = arith.addf %sub3A_112, %scan3A_106#5 : vector<16xf32>
      %sub3A_114 = arith.subf %scan3A_33#3, %scan3A_106#6 : vector<16xf32>
      %add3A_115 = arith.addf %sub3A_114, %scan3A_106#7 : vector<16xf32>
      %sub3A_116 = arith.subf %scan3A_33#4, %scan3A_106#8 : vector<16xf32>
      %add3A_117 = arith.addf %sub3A_116, %scan3A_106#9 : vector<16xf32>
      %scan3A_118 = arith.constant 0 : i32
      %scan3A_119 = arith.constant 13 : i32
      %scan3A_120 = arith.addi %scan3A_118, %scan3A_119 : i32
      %scan3A_121 = arith.constant 1 : i32
      %scan3A_122:10 = scf.for %scan3A_238 = %scan3A_118 to %scan3A_120 step %scan3A_121 iter_args(%scan3A_239 = %broadcast_in_dim3A_36, %scan3A_240 = %broadcast_in_dim3A_38, %scan3A_241 = %broadcast_in_dim3A_40, %scan3A_242 = %broadcast_in_dim3A_42, %scan3A_243 = %broadcast_in_dim3A_44, %scan3A_244 = %broadcast_in_dim3A_46, %scan3A_245 = %broadcast_in_dim3A_48, %scan3A_246 = %broadcast_in_dim3A_50, %scan3A_247 = %broadcast_in_dim3A_52, %scan3A_248 = %broadcast_in_dim3A_54) -> (vector<16xf32>, vector<16xf32>, vector<16xf32>, vector<16xf32>, vector<16xf32>, vector<16xf32>, vector<16xf32>, vector<16xf32>, vector<16xf32>, vector<16xf32>)  : i32 {
        %broadcast_in_dim3A_249 = arith.constant 60 : i32
        %broadcast_in_dim3A_250 = vector.broadcast %broadcast_in_dim3A_249 : i32 to vector<16xi32>
        %add3A_251 = vector.broadcast %scan3A_238 : i32 to vector<16xi32>
        %add3A_252 = arith.addi %broadcast_in_dim3A_250, %add3A_251 : vector<16xi32>
        %gather3A = tpu.vector_load_idx %arg9[%add3A_252] : memref<80xf32, #tpu.memory_space<vmem>>[vector<16xi32>], vector<16xf32>,
        %add3A_253 = arith.constant 867 : i32
        %add3A_254 = vector.broadcast %add3A_253 : i32 to vector<16xi32>
        %add3A_255 = arith.addi %iota3A, %add3A_254 : vector<16xi32>
        %mul3A_256 = arith.constant 17 : i32
        %mul3A_257 = arith.muli %scan3A_238, %mul3A_256 : i32
        %add3A_258 = vector.broadcast %mul3A_257 : i32 to vector<16xi32>
        %add3A_259 = arith.addi %add3A_255, %add3A_258 : vector<16xi32>
        %gather3A_260 = tpu.vector_load_idx %arg8[%add3A_259] : memref<5440xf32, #tpu.memory_space<vmem>>[vector<16xi32>], vector<16xf32>,
        %sub3A_261 = arith.subf %gather3A_260, %gather3A : vector<16xf32>
        %mul3A_262 = arith.mulf %gather3A_260, %gather3A_260 : vector<16xf32>
        %add3A_263 = arith.addf %scan3A_239, %mul3A_262 : vector<16xf32>
        %mul3A_264 = arith.mulf %sub3A_261, %sub3A_261 : vector<16xf32>
        %add3A_265 = arith.addf %scan3A_240, %mul3A_264 : vector<16xf32>
        %add3A_266 = arith.constant 1955 : i32
        %add3A_267 = vector.broadcast %add3A_266 : i32 to vector<16xi32>
        %add3A_268 = arith.addi %iota3A, %add3A_267 : vector<16xi32>
        %mul3A_269 = arith.constant 17 : i32
        %mul3A_270 = arith.muli %scan3A_238, %mul3A_269 : i32
        %add3A_271 = vector.broadcast %mul3A_270 : i32 to vector<16xi32>
        %add3A_272 = arith.addi %add3A_268, %add3A_271 : vector<16xi32>
        %gather3A_273 = tpu.vector_load_idx %arg8[%add3A_272] : memref<5440xf32, #tpu.memory_space<vmem>>[vector<16xi32>], vector<16xf32>,
        %sub3A_274 = arith.subf %gather3A_273, %gather3A : vector<16xf32>
        %mul3A_275 = arith.mulf %gather3A_273, %gather3A_273 : vector<16xf32>
        %add3A_276 = arith.addf %scan3A_241, %mul3A_275 : vector<16xf32>
        %mul3A_277 = arith.mulf %sub3A_274, %sub3A_274 : vector<16xf32>
        %add3A_278 = arith.addf %scan3A_242, %mul3A_277 : vector<16xf32>
        %add3A_279 = arith.constant 3043 : i32
        %add3A_280 = vector.broadcast %add3A_279 : i32 to vector<16xi32>
        %add3A_281 = arith.addi %iota3A, %add3A_280 : vector<16xi32>
        %mul3A_282 = arith.constant 17 : i32
        %mul3A_283 = arith.muli %scan3A_238, %mul3A_282 : i32
        %add3A_284 = vector.broadcast %mul3A_283 : i32 to vector<16xi32>
        %add3A_285 = arith.addi %add3A_281, %add3A_284 : vector<16xi32>
        %gather3A_286 = tpu.vector_load_idx %arg8[%add3A_285] : memref<5440xf32, #tpu.memory_space<vmem>>[vector<16xi32>], vector<16xf32>,
        %sub3A_287 = arith.subf %gather3A_286, %gather3A : vector<16xf32>
        %mul3A_288 = arith.mulf %gather3A_286, %gather3A_286 : vector<16xf32>
        %add3A_289 = arith.addf %scan3A_243, %mul3A_288 : vector<16xf32>
        %mul3A_290 = arith.mulf %sub3A_287, %sub3A_287 : vector<16xf32>
        %add3A_291 = arith.addf %scan3A_244, %mul3A_290 : vector<16xf32>
        %add3A_292 = arith.constant 4131 : i32
        %add3A_293 = vector.broadcast %add3A_292 : i32 to vector<16xi32>
        %add3A_294 = arith.addi %iota3A, %add3A_293 : vector<16xi32>
        %mul3A_295 = arith.constant 17 : i32
        %mul3A_296 = arith.muli %scan3A_238, %mul3A_295 : i32
        %add3A_297 = vector.broadcast %mul3A_296 : i32 to vector<16xi32>
        %add3A_298 = arith.addi %add3A_294, %add3A_297 : vector<16xi32>
        %gather3A_299 = tpu.vector_load_idx %arg8[%add3A_298] : memref<5440xf32, #tpu.memory_space<vmem>>[vector<16xi32>], vector<16xf32>,
        %sub3A_300 = arith.subf %gather3A_299, %gather3A : vector<16xf32>
        %mul3A_301 = arith.mulf %gather3A_299, %gather3A_299 : vector<16xf32>
        %add3A_302 = arith.addf %scan3A_245, %mul3A_301 : vector<16xf32>
        %mul3A_303 = arith.mulf %sub3A_300, %sub3A_300 : vector<16xf32>
        %add3A_304 = arith.addf %scan3A_246, %mul3A_303 : vector<16xf32>
        %add3A_305 = arith.constant 5219 : i32
        %add3A_306 = vector.broadcast %add3A_305 : i32 to vector<16xi32>
        %add3A_307 = arith.addi %iota3A, %add3A_306 : vector<16xi32>
        %mul3A_308 = arith.constant 17 : i32
        %mul3A_309 = arith.muli %scan3A_238, %mul3A_308 : i32
        %add3A_310 = vector.broadcast %mul3A_309 : i32 to vector<16xi32>
        %add3A_311 = arith.addi %add3A_307, %add3A_310 : vector<16xi32>
        %gather3A_312 = tpu.vector_load_idx %arg8[%add3A_311] : memref<5440xf32, #tpu.memory_space<vmem>>[vector<16xi32>], vector<16xf32>,
        %sub3A_313 = arith.subf %gather3A_312, %gather3A : vector<16xf32>
        %mul3A_314 = arith.mulf %gather3A_312, %gather3A_312 : vector<16xf32>
        %add3A_315 = arith.addf %scan3A_247, %mul3A_314 : vector<16xf32>
        %mul3A_316 = arith.mulf %sub3A_313, %sub3A_313 : vector<16xf32>
        %add3A_317 = arith.addf %scan3A_248, %mul3A_316 : vector<16xf32>
        scf.yield %add3A_263, %add3A_265, %add3A_276, %add3A_278, %add3A_289, %add3A_291, %add3A_302, %add3A_304, %add3A_315, %add3A_317 : vector<16xf32>, vector<16xf32>, vector<16xf32>, vector<16xf32>, vector<16xf32>, vector<16xf32>, vector<16xf32>, vector<16xf32>, vector<16xf32>, vector<16xf32>
      }
      %scan3A_123 = arith.constant 13 : i32
      %sub3A_124 = arith.subf %scan3A_33#0, %scan3A_122#0 : vector<16xf32>
      %add3A_125 = arith.addf %sub3A_124, %scan3A_122#1 : vector<16xf32>
      %sub3A_126 = arith.subf %scan3A_33#1, %scan3A_122#2 : vector<16xf32>
      %add3A_127 = arith.addf %sub3A_126, %scan3A_122#3 : vector<16xf32>
      %sub3A_128 = arith.subf %scan3A_33#2, %scan3A_122#4 : vector<16xf32>
      %add3A_129 = arith.addf %sub3A_128, %scan3A_122#5 : vector<16xf32>
      %sub3A_130 = arith.subf %scan3A_33#3, %scan3A_122#6 : vector<16xf32>
      %add3A_131 = arith.addf %sub3A_130, %scan3A_122#7 : vector<16xf32>
      %sub3A_132 = arith.subf %scan3A_33#4, %scan3A_122#8 : vector<16xf32>
      %add3A_133 = arith.addf %sub3A_132, %scan3A_122#9 : vector<16xf32>
      %broadcast_in_dim3A_134 = arith.constant 0x7F800000 : f32
      %broadcast_in_dim3A_135 = vector.broadcast %broadcast_in_dim3A_134 : f32 to vector<16xf32>
      %broadcast_in_dim3A_136 = arith.constant 0 : i32
      %broadcast_in_dim3A_137 = vector.broadcast %broadcast_in_dim3A_136 : i32 to vector<16xi32>
      %broadcast_in_dim3A_138 = arith.constant 1 : i32
      %broadcast_in_dim3A_139 = vector.broadcast %broadcast_in_dim3A_138 : i32 to vector<16xi32>
      %broadcast_in_dim3A_140 = arith.constant 2 : i32
      %broadcast_in_dim3A_141 = vector.broadcast %broadcast_in_dim3A_140 : i32 to vector<16xi32>
      %broadcast_in_dim3A_142 = arith.constant 3 : i32
      %broadcast_in_dim3A_143 = vector.broadcast %broadcast_in_dim3A_142 : i32 to vector<16xi32>
      %broadcast_in_dim3A_144 = arith.constant 4 : i32
      %broadcast_in_dim3A_145 = vector.broadcast %broadcast_in_dim3A_144 : i32 to vector<16xi32>
      %broadcast_in_dim3A_146 = arith.constant 5 : i32
      %broadcast_in_dim3A_147 = vector.broadcast %broadcast_in_dim3A_146 : i32 to vector<16xi32>
      %broadcast_in_dim3A_148 = arith.constant 6 : i32
      %broadcast_in_dim3A_149 = vector.broadcast %broadcast_in_dim3A_148 : i32 to vector<16xi32>
      %broadcast_in_dim3A_150 = arith.constant 7 : i32
      %broadcast_in_dim3A_151 = vector.broadcast %broadcast_in_dim3A_150 : i32 to vector<16xi32>
      %broadcast_in_dim3A_152 = arith.constant 8 : i32
      %broadcast_in_dim3A_153 = vector.broadcast %broadcast_in_dim3A_152 : i32 to vector<16xi32>
      %broadcast_in_dim3A_154 = arith.constant 9 : i32
      %broadcast_in_dim3A_155 = vector.broadcast %broadcast_in_dim3A_154 : i32 to vector<16xi32>
      %broadcast_in_dim3A_156 = arith.constant 10 : i32
      %broadcast_in_dim3A_157 = vector.broadcast %broadcast_in_dim3A_156 : i32 to vector<16xi32>
      %broadcast_in_dim3A_158 = arith.constant 11 : i32
      %broadcast_in_dim3A_159 = vector.broadcast %broadcast_in_dim3A_158 : i32 to vector<16xi32>
      %broadcast_in_dim3A_160 = arith.constant 12 : i32
      %broadcast_in_dim3A_161 = vector.broadcast %broadcast_in_dim3A_160 : i32 to vector<16xi32>
      %broadcast_in_dim3A_162 = arith.constant 13 : i32
      %broadcast_in_dim3A_163 = vector.broadcast %broadcast_in_dim3A_162 : i32 to vector<16xi32>
      %broadcast_in_dim3A_164 = arith.constant 14 : i32
      %broadcast_in_dim3A_165 = vector.broadcast %broadcast_in_dim3A_164 : i32 to vector<16xi32>
      %broadcast_in_dim3A_166 = arith.constant 15 : i32
      %broadcast_in_dim3A_167 = vector.broadcast %broadcast_in_dim3A_166 : i32 to vector<16xi32>
      %broadcast_in_dim3A_168 = arith.constant 16 : i32
      %broadcast_in_dim3A_169 = vector.broadcast %broadcast_in_dim3A_168 : i32 to vector<16xi32>
      %broadcast_in_dim3A_170 = arith.constant 17 : i32
      %broadcast_in_dim3A_171 = vector.broadcast %broadcast_in_dim3A_170 : i32 to vector<16xi32>
      %broadcast_in_dim3A_172 = arith.constant 18 : i32
      %broadcast_in_dim3A_173 = vector.broadcast %broadcast_in_dim3A_172 : i32 to vector<16xi32>
      %broadcast_in_dim3A_174 = arith.constant 19 : i32
      %broadcast_in_dim3A_175 = vector.broadcast %broadcast_in_dim3A_174 : i32 to vector<16xi32>
      %broadcast_in_dim3A_176 = arith.constant 20 : i32
      %broadcast_in_dim3A_177 = vector.broadcast %broadcast_in_dim3A_176 : i32 to vector<16xi32>
      %broadcast_in_dim3A_178 = arith.constant 21 : i32
      %broadcast_in_dim3A_179 = vector.broadcast %broadcast_in_dim3A_178 : i32 to vector<16xi32>
      %broadcast_in_dim3A_180 = arith.constant 22 : i32
      %broadcast_in_dim3A_181 = vector.broadcast %broadcast_in_dim3A_180 : i32 to vector<16xi32>
      %broadcast_in_dim3A_182 = arith.constant 23 : i32
      %broadcast_in_dim3A_183 = vector.broadcast %broadcast_in_dim3A_182 : i32 to vector<16xi32>
      %broadcast_in_dim3A_184 = arith.constant 24 : i32
      %broadcast_in_dim3A_185 = vector.broadcast %broadcast_in_dim3A_184 : i32 to vector<16xi32>
      %broadcast_in_dim3A_186 = arith.constant 0 : i32
      %broadcast_in_dim3A_187 = vector.broadcast %broadcast_in_dim3A_186 : i32 to vector<16xi32>
      %broadcast_in_dim3A_188 = arith.constant 0 : i32
      %broadcast_in_dim3A_189 = vector.broadcast %broadcast_in_dim3A_188 : i32 to vector<16xi32>
      %broadcast_in_dim3A_190 = arith.constant 0 : i32
      %broadcast_in_dim3A_191 = vector.broadcast %broadcast_in_dim3A_190 : i32 to vector<16xi32>
      %broadcast_in_dim3A_192 = arith.constant 0 : i32
      %broadcast_in_dim3A_193 = vector.broadcast %broadcast_in_dim3A_192 : i32 to vector<16xi32>
      %broadcast_in_dim3A_194 = arith.constant 0 : i32
      %broadcast_in_dim3A_195 = vector.broadcast %broadcast_in_dim3A_194 : i32 to vector<16xi32>
      %scan3A_196 = arith.constant 0 : i32
      %scan3A_197 = arith.constant 5 : i32
      %scan3A_198 = arith.addi %scan3A_196, %scan3A_197 : i32
      %scan3A_199 = arith.constant 1 : i32
      %scan3A_200:30 = scf.for %scan3A_238 = %scan3A_196 to %scan3A_198 step %scan3A_199 iter_args(%scan3A_239 = %add3A_61, %scan3A_240 = %add3A_77, %scan3A_241 = %add3A_93, %scan3A_242 = %add3A_109, %scan3A_243 = %add3A_125, %scan3A_244 = %add3A_63, %scan3A_245 = %add3A_79, %scan3A_246 = %add3A_95, %scan3A_247 = %add3A_111, %scan3A_248 = %add3A_127, %scan3A_249 = %add3A_65, %scan3A_250 = %add3A_81, %scan3A_251 = %add3A_97, %scan3A_252 = %add3A_113, %scan3A_253 = %add3A_129, %scan3A_254 = %add3A_67, %scan3A_255 = %add3A_83, %scan3A_256 = %add3A_99, %scan3A_257 = %add3A_115, %scan3A_258 = %add3A_131, %scan3A_259 = %add3A_69, %scan3A_260 = %add3A_85, %scan3A_261 = %add3A_101, %scan3A_262 = %add3A_117, %scan3A_263 = %add3A_133, %scan3A_264 = %broadcast_in_dim3A_187, %scan3A_265 = %broadcast_in_dim3A_189, %scan3A_266 = %broadcast_in_dim3A_191, %scan3A_267 = %broadcast_in_dim3A_193, %scan3A_268 = %broadcast_in_dim3A_195) -> (vector<16xf32>, vector<16xf32>, vector<16xf32>, vector<16xf32>, vector<16xf32>, vector<16xf32>, vector<16xf32>, vector<16xf32>, vector<16xf32>, vector<16xf32>, vector<16xf32>, vector<16xf32>, vector<16xf32>, vector<16xf32>, vector<16xf32>, vector<16xf32>, vector<16xf32>, vector<16xf32>, vector<16xf32>, vector<16xf32>, vector<16xf32>, vector<16xf32>, vector<16xf32>, vector<16xf32>, vector<16xf32>, vector<16xi32>, vector<16xi32>, vector<16xi32>, vector<16xi32>, vector<16xi32>)  : i32 {
        %lt3A_269 = arith.cmpf olt, %scan3A_240, %scan3A_239 : vector<16xf32>
        %select_n3A = arith.select %lt3A_269, %scan3A_240, %scan3A_239 : vector<16xi1>, vector<16xf32>
        %select_n3A_270 = arith.select %lt3A_269, %broadcast_in_dim3A_139, %broadcast_in_dim3A_137 : vector<16xi1>, vector<16xi32>
        %lt3A_271 = arith.cmpf olt, %scan3A_242, %scan3A_241 : vector<16xf32>
        %select_n3A_272 = arith.select %lt3A_271, %scan3A_242, %scan3A_241 : vector<16xi1>, vector<16xf32>
        %select_n3A_273 = arith.select %lt3A_271, %broadcast_in_dim3A_143, %broadcast_in_dim3A_141 : vector<16xi1>, vector<16xi32>
        %lt3A_274 = arith.cmpf olt, %scan3A_244, %scan3A_243 : vector<16xf32>
        %select_n3A_275 = arith.select %lt3A_274, %scan3A_244, %scan3A_243 : vector<16xi1>, vector<16xf32>
        %select_n3A_276 = arith.select %lt3A_274, %broadcast_in_dim3A_147, %broadcast_in_dim3A_145 : vector<16xi1>, vector<16xi32>
        %lt3A_277 = arith.cmpf olt, %scan3A_246, %scan3A_245 : vector<16xf32>
        %select_n3A_278 = arith.select %lt3A_277, %scan3A_246, %scan3A_245 : vector<16xi1>, vector<16xf32>
        %select_n3A_279 = arith.select %lt3A_277, %broadcast_in_dim3A_151, %broadcast_in_dim3A_149 : vector<16xi1>, vector<16xi32>
        %lt3A_280 = arith.cmpf olt, %scan3A_248, %scan3A_247 : vector<16xf32>
        %select_n3A_281 = arith.select %lt3A_280, %scan3A_248, %scan3A_247 : vector<16xi1>, vector<16xf32>
        %select_n3A_282 = arith.select %lt3A_280, %broadcast_in_dim3A_155, %broadcast_in_dim3A_153 : vector<16xi1>, vector<16xi32>
        %lt3A_283 = arith.cmpf olt, %scan3A_250, %scan3A_249 : vector<16xf32>
        %select_n3A_284 = arith.select %lt3A_283, %scan3A_250, %scan3A_249 : vector<16xi1>, vector<16xf32>
        %select_n3A_285 = arith.select %lt3A_283, %broadcast_in_dim3A_159, %broadcast_in_dim3A_157 : vector<16xi1>, vector<16xi32>
        %lt3A_286 = arith.cmpf olt, %scan3A_252, %scan3A_251 : vector<16xf32>
        %select_n3A_287 = arith.select %lt3A_286, %scan3A_252, %scan3A_251 : vector<16xi1>, vector<16xf32>
        %select_n3A_288 = arith.select %lt3A_286, %broadcast_in_dim3A_163, %broadcast_in_dim3A_161 : vector<16xi1>, vector<16xi32>
        %lt3A_289 = arith.cmpf olt, %scan3A_254, %scan3A_253 : vector<16xf32>
        %select_n3A_290 = arith.select %lt3A_289, %scan3A_254, %scan3A_253 : vector<16xi1>, vector<16xf32>
        %select_n3A_291 = arith.select %lt3A_289, %broadcast_in_dim3A_167, %broadcast_in_dim3A_165 : vector<16xi1>, vector<16xi32>
        %lt3A_292 = arith.cmpf olt, %scan3A_256, %scan3A_255 : vector<16xf32>
        %select_n3A_293 = arith.select %lt3A_292, %scan3A_256, %scan3A_255 : vector<16xi1>, vector<16xf32>
        %select_n3A_294 = arith.select %lt3A_292, %broadcast_in_dim3A_171, %broadcast_in_dim3A_169 : vector<16xi1>, vector<16xi32>
        %lt3A_295 = arith.cmpf olt, %scan3A_258, %scan3A_257 : vector<16xf32>
        %select_n3A_296 = arith.select %lt3A_295, %scan3A_258, %scan3A_257 : vector<16xi1>, vector<16xf32>
        %select_n3A_297 = arith.select %lt3A_295, %broadcast_in_dim3A_175, %broadcast_in_dim3A_173 : vector<16xi1>, vector<16xi32>
        %lt3A_298 = arith.cmpf olt, %scan3A_260, %scan3A_259 : vector<16xf32>
        %select_n3A_299 = arith.select %lt3A_298, %scan3A_260, %scan3A_259 : vector<16xi1>, vector<16xf32>
        %select_n3A_300 = arith.select %lt3A_298, %broadcast_in_dim3A_179, %broadcast_in_dim3A_177 : vector<16xi1>, vector<16xi32>
        %lt3A_301 = arith.cmpf olt, %scan3A_262, %scan3A_261 : vector<16xf32>
        %select_n3A_302 = arith.select %lt3A_301, %scan3A_262, %scan3A_261 : vector<16xi1>, vector<16xf32>
        %select_n3A_303 = arith.select %lt3A_301, %broadcast_in_dim3A_183, %broadcast_in_dim3A_181 : vector<16xi1>, vector<16xi32>
        %lt3A_304 = arith.cmpf olt, %select_n3A_272, %select_n3A : vector<16xf32>
        %select_n3A_305 = arith.select %lt3A_304, %select_n3A_272, %select_n3A : vector<16xi1>, vector<16xf32>
        %select_n3A_306 = arith.select %lt3A_304, %select_n3A_273, %select_n3A_270 : vector<16xi1>, vector<16xi32>
        %lt3A_307 = arith.cmpf olt, %select_n3A_278, %select_n3A_275 : vector<16xf32>
        %select_n3A_308 = arith.select %lt3A_307, %select_n3A_278, %select_n3A_275 : vector<16xi1>, vector<16xf32>
        %select_n3A_309 = arith.select %lt3A_307, %select_n3A_279, %select_n3A_276 : vector<16xi1>, vector<16xi32>
        %lt3A_310 = arith.cmpf olt, %select_n3A_284, %select_n3A_281 : vector<16xf32>
        %select_n3A_311 = arith.select %lt3A_310, %select_n3A_284, %select_n3A_281 : vector<16xi1>, vector<16xf32>
        %select_n3A_312 = arith.select %lt3A_310, %select_n3A_285, %select_n3A_282 : vector<16xi1>, vector<16xi32>
        %lt3A_313 = arith.cmpf olt, %select_n3A_290, %select_n3A_287 : vector<16xf32>
        %select_n3A_314 = arith.select %lt3A_313, %select_n3A_290, %select_n3A_287 : vector<16xi1>, vector<16xf32>
        %select_n3A_315 = arith.select %lt3A_313, %select_n3A_291, %select_n3A_288 : vector<16xi1>, vector<16xi32>
        %lt3A_316 = arith.cmpf olt, %select_n3A_296, %select_n3A_293 : vector<16xf32>
        %select_n3A_317 = arith.select %lt3A_316, %select_n3A_296, %select_n3A_293 : vector<16xi1>, vector<16xf32>
        %select_n3A_318 = arith.select %lt3A_316, %select_n3A_297, %select_n3A_294 : vector<16xi1>, vector<16xi32>
        %lt3A_319 = arith.cmpf olt, %select_n3A_302, %select_n3A_299 : vector<16xf32>
        %select_n3A_320 = arith.select %lt3A_319, %select_n3A_302, %select_n3A_299 : vector<16xi1>, vector<16xf32>
        %select_n3A_321 = arith.select %lt3A_319, %select_n3A_303, %select_n3A_300 : vector<16xi1>, vector<16xi32>
        %lt3A_322 = arith.cmpf olt, %select_n3A_308, %select_n3A_305 : vector<16xf32>
        %select_n3A_323 = arith.select %lt3A_322, %select_n3A_308, %select_n3A_305 : vector<16xi1>, vector<16xf32>
        %select_n3A_324 = arith.select %lt3A_322, %select_n3A_309, %select_n3A_306 : vector<16xi1>, vector<16xi32>
        %lt3A_325 = arith.cmpf olt, %select_n3A_314, %select_n3A_311 : vector<16xf32>
        %select_n3A_326 = arith.select %lt3A_325, %select_n3A_314, %select_n3A_311 : vector<16xi1>, vector<16xf32>
        %select_n3A_327 = arith.select %lt3A_325, %select_n3A_315, %select_n3A_312 : vector<16xi1>, vector<16xi32>
        %lt3A_328 = arith.cmpf olt, %select_n3A_320, %select_n3A_317 : vector<16xf32>
        %select_n3A_329 = arith.select %lt3A_328, %select_n3A_320, %select_n3A_317 : vector<16xi1>, vector<16xf32>
        %select_n3A_330 = arith.select %lt3A_328, %select_n3A_321, %select_n3A_318 : vector<16xi1>, vector<16xi32>
        %lt3A_331 = arith.cmpf olt, %select_n3A_326, %select_n3A_323 : vector<16xf32>
        %select_n3A_332 = arith.select %lt3A_331, %select_n3A_326, %select_n3A_323 : vector<16xi1>, vector<16xf32>
        %select_n3A_333 = arith.select %lt3A_331, %select_n3A_327, %select_n3A_324 : vector<16xi1>, vector<16xi32>
        %lt3A_334 = arith.cmpf olt, %scan3A_263, %select_n3A_329 : vector<16xf32>
        %select_n3A_335 = arith.select %lt3A_334, %scan3A_263, %select_n3A_329 : vector<16xi1>, vector<16xf32>
        %select_n3A_336 = arith.select %lt3A_334, %broadcast_in_dim3A_185, %select_n3A_330 : vector<16xi1>, vector<16xi32>
        %lt3A_337 = arith.cmpf olt, %select_n3A_335, %select_n3A_332 : vector<16xf32>
        %select_n3A_338 = arith.select %lt3A_337, %select_n3A_335, %select_n3A_332 : vector<16xi1>, vector<16xf32>
        %select_n3A_339 = arith.select %lt3A_337, %select_n3A_336, %select_n3A_333 : vector<16xi1>, vector<16xi32>
        %jit3A = arith.constant 5 : i32
        %div3A = vector.broadcast %jit3A : i32 to vector<16xi32>
        %div3A_340 = arith.divsi %select_n3A_339, %div3A : vector<16xi32>
        %sign3A = arith.constant 0 : i32
        %sign3A_341 = vector.broadcast %sign3A : i32 to vector<16xi32>
        %sign3A_342 = arith.cmpi sgt, %select_n3A_339, %sign3A_341 : vector<16xi32>
        %sign3A_343 = arith.extui %sign3A_342 : vector<16xi1> to vector<16xi32>
        %sign3A_344 = arith.constant 0 : i32
        %sign3A_345 = vector.broadcast %sign3A_344 : i32 to vector<16xi32>
        %sign3A_346 = arith.cmpi slt, %select_n3A_339, %sign3A_345 : vector<16xi32>
        %sign3A_347 = arith.extui %sign3A_346 : vector<16xi1> to vector<16xi32>
        %sign3A_348 = arith.subi %sign3A_343, %sign3A_347 : vector<16xi32>
        %sign3A_349 = arith.constant 0 : i32
        %sign3A_350 = arith.cmpi sgt, %jit3A, %sign3A_349 : i32
        %sign3A_351 = arith.extui %sign3A_350 : i1 to i32
        %sign3A_352 = arith.constant 0 : i32
        %sign3A_353 = arith.cmpi slt, %jit3A, %sign3A_352 : i32
        %sign3A_354 = arith.extui %sign3A_353 : i1 to i32
        %sign3A_355 = arith.subi %sign3A_351, %sign3A_354 : i32
        %ne3A = vector.broadcast %sign3A_355 : i32 to vector<16xi32>
        %ne3A_356 = arith.cmpi ne, %sign3A_348, %ne3A : vector<16xi32>
        %rem3A = vector.broadcast %jit3A : i32 to vector<16xi32>
        %rem3A_357 = arith.remsi %select_n3A_339, %rem3A : vector<16xi32>
        %ne3A_358 = arith.constant 0 : i32
        %ne3A_359 = vector.broadcast %ne3A_358 : i32 to vector<16xi32>
        %ne3A_360 = arith.cmpi ne, %rem3A_357, %ne3A_359 : vector<16xi32>
        %and3A = arith.andi %ne3A_356, %ne3A_360 : vector<16xi1>
        %sub3A_361 = arith.constant 1 : i32
        %sub3A_362 = vector.broadcast %sub3A_361 : i32 to vector<16xi32>
        %sub3A_363 = arith.subi %div3A_340, %sub3A_362 : vector<16xi32>
        %select_n3A_364 = arith.select %and3A, %sub3A_363, %div3A_340 : vector<16xi1>, vector<16xi32>
        %mul3A_365 = arith.constant 5 : i32
        %mul3A_366 = vector.broadcast %mul3A_365 : i32 to vector<16xi32>
        %mul3A_367 = arith.muli %mul3A_366, %select_n3A_364 : vector<16xi32>
        %sub3A_368 = arith.subi %select_n3A_339, %mul3A_367 : vector<16xi32>
        %eq3A_369 = arith.constant 0 : i32
        %eq3A_370 = vector.broadcast %eq3A_369 : i32 to vector<16xi32>
        %eq3A_371 = arith.cmpi eq, %select_n3A_364, %eq3A_370 : vector<16xi32>
        %select_n3A_372 = arith.select %eq3A_371, %sub3A_368, %scan3A_264 : vector<16xi1>, vector<16xi32>
        %eq3A_373 = arith.constant 1 : i32
        %eq3A_374 = vector.broadcast %eq3A_373 : i32 to vector<16xi32>
        %eq3A_375 = arith.cmpi eq, %select_n3A_364, %eq3A_374 : vector<16xi32>
        %select_n3A_376 = arith.select %eq3A_375, %sub3A_368, %scan3A_265 : vector<16xi1>, vector<16xi32>
        %eq3A_377 = arith.constant 2 : i32
        %eq3A_378 = vector.broadcast %eq3A_377 : i32 to vector<16xi32>
        %eq3A_379 = arith.cmpi eq, %select_n3A_364, %eq3A_378 : vector<16xi32>
        %select_n3A_380 = arith.select %eq3A_379, %sub3A_368, %scan3A_266 : vector<16xi1>, vector<16xi32>
        %eq3A_381 = arith.constant 3 : i32
        %eq3A_382 = vector.broadcast %eq3A_381 : i32 to vector<16xi32>
        %eq3A_383 = arith.cmpi eq, %select_n3A_364, %eq3A_382 : vector<16xi32>
        %select_n3A_384 = arith.select %eq3A_383, %sub3A_368, %scan3A_267 : vector<16xi1>, vector<16xi32>
        %eq3A_385 = arith.constant 4 : i32
        %eq3A_386 = vector.broadcast %eq3A_385 : i32 to vector<16xi32>
        %eq3A_387 = arith.cmpi eq, %select_n3A_364, %eq3A_386 : vector<16xi32>
        %select_n3A_388 = arith.select %eq3A_387, %sub3A_368, %scan3A_268 : vector<16xi1>, vector<16xi32>
        %eq3A_389 = arith.constant 0 : i32
        %eq3A_390 = vector.broadcast %eq3A_389 : i32 to vector<16xi32>
        %eq3A_391 = arith.cmpi eq, %select_n3A_364, %eq3A_390 : vector<16xi32>
        %eq3A_392 = arith.constant 0 : i32
        %eq3A_393 = vector.broadcast %eq3A_392 : i32 to vector<16xi32>
        %eq3A_394 = arith.cmpi eq, %sub3A_368, %eq3A_393 : vector<16xi32>
        %or3A = arith.ori %eq3A_391, %eq3A_394 : vector<16xi1>
        %select_n3A_395 = arith.select %or3A, %broadcast_in_dim3A_135, %scan3A_239 : vector<16xi1>, vector<16xf32>
        %eq3A_396 = arith.constant 0 : i32
        %eq3A_397 = vector.broadcast %eq3A_396 : i32 to vector<16xi32>
        %eq3A_398 = arith.cmpi eq, %select_n3A_364, %eq3A_397 : vector<16xi32>
        %eq3A_399 = arith.constant 1 : i32
        %eq3A_400 = vector.broadcast %eq3A_399 : i32 to vector<16xi32>
        %eq3A_401 = arith.cmpi eq, %sub3A_368, %eq3A_400 : vector<16xi32>
        %or3A_402 = arith.ori %eq3A_398, %eq3A_401 : vector<16xi1>
        %select_n3A_403 = arith.select %or3A_402, %broadcast_in_dim3A_135, %scan3A_240 : vector<16xi1>, vector<16xf32>
        %eq3A_404 = arith.constant 0 : i32
        %eq3A_405 = vector.broadcast %eq3A_404 : i32 to vector<16xi32>
        %eq3A_406 = arith.cmpi eq, %select_n3A_364, %eq3A_405 : vector<16xi32>
        %eq3A_407 = arith.constant 2 : i32
        %eq3A_408 = vector.broadcast %eq3A_407 : i32 to vector<16xi32>
        %eq3A_409 = arith.cmpi eq, %sub3A_368, %eq3A_408 : vector<16xi32>
        %or3A_410 = arith.ori %eq3A_406, %eq3A_409 : vector<16xi1>
        %select_n3A_411 = arith.select %or3A_410, %broadcast_in_dim3A_135, %scan3A_241 : vector<16xi1>, vector<16xf32>
        %eq3A_412 = arith.constant 0 : i32
        %eq3A_413 = vector.broadcast %eq3A_412 : i32 to vector<16xi32>
        %eq3A_414 = arith.cmpi eq, %select_n3A_364, %eq3A_413 : vector<16xi32>
        %eq3A_415 = arith.constant 3 : i32
        %eq3A_416 = vector.broadcast %eq3A_415 : i32 to vector<16xi32>
        %eq3A_417 = arith.cmpi eq, %sub3A_368, %eq3A_416 : vector<16xi32>
        %or3A_418 = arith.ori %eq3A_414, %eq3A_417 : vector<16xi1>
        %select_n3A_419 = arith.select %or3A_418, %broadcast_in_dim3A_135, %scan3A_242 : vector<16xi1>, vector<16xf32>
        %eq3A_420 = arith.constant 0 : i32
        %eq3A_421 = vector.broadcast %eq3A_420 : i32 to vector<16xi32>
        %eq3A_422 = arith.cmpi eq, %select_n3A_364, %eq3A_421 : vector<16xi32>
        %eq3A_423 = arith.constant 4 : i32
        %eq3A_424 = vector.broadcast %eq3A_423 : i32 to vector<16xi32>
        %eq3A_425 = arith.cmpi eq, %sub3A_368, %eq3A_424 : vector<16xi32>
        %or3A_426 = arith.ori %eq3A_422, %eq3A_425 : vector<16xi1>
        %select_n3A_427 = arith.select %or3A_426, %broadcast_in_dim3A_135, %scan3A_243 : vector<16xi1>, vector<16xf32>
        %eq3A_428 = arith.constant 1 : i32
        %eq3A_429 = vector.broadcast %eq3A_428 : i32 to vector<16xi32>
        %eq3A_430 = arith.cmpi eq, %select_n3A_364, %eq3A_429 : vector<16xi32>
        %eq3A_431 = arith.constant 0 : i32
        %eq3A_432 = vector.broadcast %eq3A_431 : i32 to vector<16xi32>
        %eq3A_433 = arith.cmpi eq, %sub3A_368, %eq3A_432 : vector<16xi32>
        %or3A_434 = arith.ori %eq3A_430, %eq3A_433 : vector<16xi1>
        %select_n3A_435 = arith.select %or3A_434, %broadcast_in_dim3A_135, %scan3A_244 : vector<16xi1>, vector<16xf32>
        %eq3A_436 = arith.constant 1 : i32
        %eq3A_437 = vector.broadcast %eq3A_436 : i32 to vector<16xi32>
        %eq3A_438 = arith.cmpi eq, %select_n3A_364, %eq3A_437 : vector<16xi32>
        %eq3A_439 = arith.constant 1 : i32
        %eq3A_440 = vector.broadcast %eq3A_439 : i32 to vector<16xi32>
        %eq3A_441 = arith.cmpi eq, %sub3A_368, %eq3A_440 : vector<16xi32>
        %or3A_442 = arith.ori %eq3A_438, %eq3A_441 : vector<16xi1>
        %select_n3A_443 = arith.select %or3A_442, %broadcast_in_dim3A_135, %scan3A_245 : vector<16xi1>, vector<16xf32>
        %eq3A_444 = arith.constant 1 : i32
        %eq3A_445 = vector.broadcast %eq3A_444 : i32 to vector<16xi32>
        %eq3A_446 = arith.cmpi eq, %select_n3A_364, %eq3A_445 : vector<16xi32>
        %eq3A_447 = arith.constant 2 : i32
        %eq3A_448 = vector.broadcast %eq3A_447 : i32 to vector<16xi32>
        %eq3A_449 = arith.cmpi eq, %sub3A_368, %eq3A_448 : vector<16xi32>
        %or3A_450 = arith.ori %eq3A_446, %eq3A_449 : vector<16xi1>
        %select_n3A_451 = arith.select %or3A_450, %broadcast_in_dim3A_135, %scan3A_246 : vector<16xi1>, vector<16xf32>
        %eq3A_452 = arith.constant 1 : i32
        %eq3A_453 = vector.broadcast %eq3A_452 : i32 to vector<16xi32>
        %eq3A_454 = arith.cmpi eq, %select_n3A_364, %eq3A_453 : vector<16xi32>
        %eq3A_455 = arith.constant 3 : i32
        %eq3A_456 = vector.broadcast %eq3A_455 : i32 to vector<16xi32>
        %eq3A_457 = arith.cmpi eq, %sub3A_368, %eq3A_456 : vector<16xi32>
        %or3A_458 = arith.ori %eq3A_454, %eq3A_457 : vector<16xi1>
        %select_n3A_459 = arith.select %or3A_458, %broadcast_in_dim3A_135, %scan3A_247 : vector<16xi1>, vector<16xf32>
        %eq3A_460 = arith.constant 1 : i32
        %eq3A_461 = vector.broadcast %eq3A_460 : i32 to vector<16xi32>
        %eq3A_462 = arith.cmpi eq, %select_n3A_364, %eq3A_461 : vector<16xi32>
        %eq3A_463 = arith.constant 4 : i32
        %eq3A_464 = vector.broadcast %eq3A_463 : i32 to vector<16xi32>
        %eq3A_465 = arith.cmpi eq, %sub3A_368, %eq3A_464 : vector<16xi32>
        %or3A_466 = arith.ori %eq3A_462, %eq3A_465 : vector<16xi1>
        %select_n3A_467 = arith.select %or3A_466, %broadcast_in_dim3A_135, %scan3A_248 : vector<16xi1>, vector<16xf32>
        %eq3A_468 = arith.constant 2 : i32
        %eq3A_469 = vector.broadcast %eq3A_468 : i32 to vector<16xi32>
        %eq3A_470 = arith.cmpi eq, %select_n3A_364, %eq3A_469 : vector<16xi32>
        %eq3A_471 = arith.constant 0 : i32
        %eq3A_472 = vector.broadcast %eq3A_471 : i32 to vector<16xi32>
        %eq3A_473 = arith.cmpi eq, %sub3A_368, %eq3A_472 : vector<16xi32>
        %or3A_474 = arith.ori %eq3A_470, %eq3A_473 : vector<16xi1>
        %select_n3A_475 = arith.select %or3A_474, %broadcast_in_dim3A_135, %scan3A_249 : vector<16xi1>, vector<16xf32>
        %eq3A_476 = arith.constant 2 : i32
        %eq3A_477 = vector.broadcast %eq3A_476 : i32 to vector<16xi32>
        %eq3A_478 = arith.cmpi eq, %select_n3A_364, %eq3A_477 : vector<16xi32>
        %eq3A_479 = arith.constant 1 : i32
        %eq3A_480 = vector.broadcast %eq3A_479 : i32 to vector<16xi32>
        %eq3A_481 = arith.cmpi eq, %sub3A_368, %eq3A_480 : vector<16xi32>
        %or3A_482 = arith.ori %eq3A_478, %eq3A_481 : vector<16xi1>
        %select_n3A_483 = arith.select %or3A_482, %broadcast_in_dim3A_135, %scan3A_250 : vector<16xi1>, vector<16xf32>
        %eq3A_484 = arith.constant 2 : i32
        %eq3A_485 = vector.broadcast %eq3A_484 : i32 to vector<16xi32>
        %eq3A_486 = arith.cmpi eq, %select_n3A_364, %eq3A_485 : vector<16xi32>
        %eq3A_487 = arith.constant 2 : i32
        %eq3A_488 = vector.broadcast %eq3A_487 : i32 to vector<16xi32>
        %eq3A_489 = arith.cmpi eq, %sub3A_368, %eq3A_488 : vector<16xi32>
        %or3A_490 = arith.ori %eq3A_486, %eq3A_489 : vector<16xi1>
        %select_n3A_491 = arith.select %or3A_490, %broadcast_in_dim3A_135, %scan3A_251 : vector<16xi1>, vector<16xf32>
        %eq3A_492 = arith.constant 2 : i32
        %eq3A_493 = vector.broadcast %eq3A_492 : i32 to vector<16xi32>
        %eq3A_494 = arith.cmpi eq, %select_n3A_364, %eq3A_493 : vector<16xi32>
        %eq3A_495 = arith.constant 3 : i32
        %eq3A_496 = vector.broadcast %eq3A_495 : i32 to vector<16xi32>
        %eq3A_497 = arith.cmpi eq, %sub3A_368, %eq3A_496 : vector<16xi32>
        %or3A_498 = arith.ori %eq3A_494, %eq3A_497 : vector<16xi1>
        %select_n3A_499 = arith.select %or3A_498, %broadcast_in_dim3A_135, %scan3A_252 : vector<16xi1>, vector<16xf32>
        %eq3A_500 = arith.constant 2 : i32
        %eq3A_501 = vector.broadcast %eq3A_500 : i32 to vector<16xi32>
        %eq3A_502 = arith.cmpi eq, %select_n3A_364, %eq3A_501 : vector<16xi32>
        %eq3A_503 = arith.constant 4 : i32
        %eq3A_504 = vector.broadcast %eq3A_503 : i32 to vector<16xi32>
        %eq3A_505 = arith.cmpi eq, %sub3A_368, %eq3A_504 : vector<16xi32>
        %or3A_506 = arith.ori %eq3A_502, %eq3A_505 : vector<16xi1>
        %select_n3A_507 = arith.select %or3A_506, %broadcast_in_dim3A_135, %scan3A_253 : vector<16xi1>, vector<16xf32>
        %eq3A_508 = arith.constant 3 : i32
        %eq3A_509 = vector.broadcast %eq3A_508 : i32 to vector<16xi32>
        %eq3A_510 = arith.cmpi eq, %select_n3A_364, %eq3A_509 : vector<16xi32>
        %eq3A_511 = arith.constant 0 : i32
        %eq3A_512 = vector.broadcast %eq3A_511 : i32 to vector<16xi32>
        %eq3A_513 = arith.cmpi eq, %sub3A_368, %eq3A_512 : vector<16xi32>
        %or3A_514 = arith.ori %eq3A_510, %eq3A_513 : vector<16xi1>
        %select_n3A_515 = arith.select %or3A_514, %broadcast_in_dim3A_135, %scan3A_254 : vector<16xi1>, vector<16xf32>
        %eq3A_516 = arith.constant 3 : i32
        %eq3A_517 = vector.broadcast %eq3A_516 : i32 to vector<16xi32>
        %eq3A_518 = arith.cmpi eq, %select_n3A_364, %eq3A_517 : vector<16xi32>
        %eq3A_519 = arith.constant 1 : i32
        %eq3A_520 = vector.broadcast %eq3A_519 : i32 to vector<16xi32>
        %eq3A_521 = arith.cmpi eq, %sub3A_368, %eq3A_520 : vector<16xi32>
        %or3A_522 = arith.ori %eq3A_518, %eq3A_521 : vector<16xi1>
        %select_n3A_523 = arith.select %or3A_522, %broadcast_in_dim3A_135, %scan3A_255 : vector<16xi1>, vector<16xf32>
        %eq3A_524 = arith.constant 3 : i32
        %eq3A_525 = vector.broadcast %eq3A_524 : i32 to vector<16xi32>
        %eq3A_526 = arith.cmpi eq, %select_n3A_364, %eq3A_525 : vector<16xi32>
        %eq3A_527 = arith.constant 2 : i32
        %eq3A_528 = vector.broadcast %eq3A_527 : i32 to vector<16xi32>
        %eq3A_529 = arith.cmpi eq, %sub3A_368, %eq3A_528 : vector<16xi32>
        %or3A_530 = arith.ori %eq3A_526, %eq3A_529 : vector<16xi1>
        %select_n3A_531 = arith.select %or3A_530, %broadcast_in_dim3A_135, %scan3A_256 : vector<16xi1>, vector<16xf32>
        %eq3A_532 = arith.constant 3 : i32
        %eq3A_533 = vector.broadcast %eq3A_532 : i32 to vector<16xi32>
        %eq3A_534 = arith.cmpi eq, %select_n3A_364, %eq3A_533 : vector<16xi32>
        %eq3A_535 = arith.constant 3 : i32
        %eq3A_536 = vector.broadcast %eq3A_535 : i32 to vector<16xi32>
        %eq3A_537 = arith.cmpi eq, %sub3A_368, %eq3A_536 : vector<16xi32>
        %or3A_538 = arith.ori %eq3A_534, %eq3A_537 : vector<16xi1>
        %select_n3A_539 = arith.select %or3A_538, %broadcast_in_dim3A_135, %scan3A_257 : vector<16xi1>, vector<16xf32>
        %eq3A_540 = arith.constant 3 : i32
        %eq3A_541 = vector.broadcast %eq3A_540 : i32 to vector<16xi32>
        %eq3A_542 = arith.cmpi eq, %select_n3A_364, %eq3A_541 : vector<16xi32>
        %eq3A_543 = arith.constant 4 : i32
        %eq3A_544 = vector.broadcast %eq3A_543 : i32 to vector<16xi32>
        %eq3A_545 = arith.cmpi eq, %sub3A_368, %eq3A_544 : vector<16xi32>
        %or3A_546 = arith.ori %eq3A_542, %eq3A_545 : vector<16xi1>
        %select_n3A_547 = arith.select %or3A_546, %broadcast_in_dim3A_135, %scan3A_258 : vector<16xi1>, vector<16xf32>
        %eq3A_548 = arith.constant 4 : i32
        %eq3A_549 = vector.broadcast %eq3A_548 : i32 to vector<16xi32>
        %eq3A_550 = arith.cmpi eq, %select_n3A_364, %eq3A_549 : vector<16xi32>
        %eq3A_551 = arith.constant 0 : i32
        %eq3A_552 = vector.broadcast %eq3A_551 : i32 to vector<16xi32>
        %eq3A_553 = arith.cmpi eq, %sub3A_368, %eq3A_552 : vector<16xi32>
        %or3A_554 = arith.ori %eq3A_550, %eq3A_553 : vector<16xi1>
        %select_n3A_555 = arith.select %or3A_554, %broadcast_in_dim3A_135, %scan3A_259 : vector<16xi1>, vector<16xf32>
        %eq3A_556 = arith.constant 4 : i32
        %eq3A_557 = vector.broadcast %eq3A_556 : i32 to vector<16xi32>
        %eq3A_558 = arith.cmpi eq, %select_n3A_364, %eq3A_557 : vector<16xi32>
        %eq3A_559 = arith.constant 1 : i32
        %eq3A_560 = vector.broadcast %eq3A_559 : i32 to vector<16xi32>
        %eq3A_561 = arith.cmpi eq, %sub3A_368, %eq3A_560 : vector<16xi32>
        %or3A_562 = arith.ori %eq3A_558, %eq3A_561 : vector<16xi1>
        %select_n3A_563 = arith.select %or3A_562, %broadcast_in_dim3A_135, %scan3A_260 : vector<16xi1>, vector<16xf32>
        %eq3A_564 = arith.constant 4 : i32
        %eq3A_565 = vector.broadcast %eq3A_564 : i32 to vector<16xi32>
        %eq3A_566 = arith.cmpi eq, %select_n3A_364, %eq3A_565 : vector<16xi32>
        %eq3A_567 = arith.constant 2 : i32
        %eq3A_568 = vector.broadcast %eq3A_567 : i32 to vector<16xi32>
        %eq3A_569 = arith.cmpi eq, %sub3A_368, %eq3A_568 : vector<16xi32>
        %or3A_570 = arith.ori %eq3A_566, %eq3A_569 : vector<16xi1>
        %select_n3A_571 = arith.select %or3A_570, %broadcast_in_dim3A_135, %scan3A_261 : vector<16xi1>, vector<16xf32>
        %eq3A_572 = arith.constant 4 : i32
        %eq3A_573 = vector.broadcast %eq3A_572 : i32 to vector<16xi32>
        %eq3A_574 = arith.cmpi eq, %select_n3A_364, %eq3A_573 : vector<16xi32>
        %eq3A_575 = arith.constant 3 : i32
        %eq3A_576 = vector.broadcast %eq3A_575 : i32 to vector<16xi32>
        %eq3A_577 = arith.cmpi eq, %sub3A_368, %eq3A_576 : vector<16xi32>
        %or3A_578 = arith.ori %eq3A_574, %eq3A_577 : vector<16xi1>
        %select_n3A_579 = arith.select %or3A_578, %broadcast_in_dim3A_135, %scan3A_262 : vector<16xi1>, vector<16xf32>
        %eq3A_580 = arith.constant 4 : i32
        %eq3A_581 = vector.broadcast %eq3A_580 : i32 to vector<16xi32>
        %eq3A_582 = arith.cmpi eq, %select_n3A_364, %eq3A_581 : vector<16xi32>
        %eq3A_583 = arith.constant 4 : i32
        %eq3A_584 = vector.broadcast %eq3A_583 : i32 to vector<16xi32>
        %eq3A_585 = arith.cmpi eq, %sub3A_368, %eq3A_584 : vector<16xi32>
        %or3A_586 = arith.ori %eq3A_582, %eq3A_585 : vector<16xi1>
        %select_n3A_587 = arith.select %or3A_586, %broadcast_in_dim3A_135, %scan3A_263 : vector<16xi1>, vector<16xf32>
        scf.yield %select_n3A_395, %select_n3A_403, %select_n3A_411, %select_n3A_419, %select_n3A_427, %select_n3A_435, %select_n3A_443, %select_n3A_451, %select_n3A_459, %select_n3A_467, %select_n3A_475, %select_n3A_483, %select_n3A_491, %select_n3A_499, %select_n3A_507, %select_n3A_515, %select_n3A_523, %select_n3A_531, %select_n3A_539, %select_n3A_547, %select_n3A_555, %select_n3A_563, %select_n3A_571, %select_n3A_579, %select_n3A_587, %select_n3A_372, %select_n3A_376, %select_n3A_380, %select_n3A_384, %select_n3A_388 : vector<16xf32>, vector<16xf32>, vector<16xf32>, vector<16xf32>, vector<16xf32>, vector<16xf32>, vector<16xf32>, vector<16xf32>, vector<16xf32>, vector<16xf32>, vector<16xf32>, vector<16xf32>, vector<16xf32>, vector<16xf32>, vector<16xf32>, vector<16xf32>, vector<16xf32>, vector<16xf32>, vector<16xf32>, vector<16xf32>, vector<16xf32>, vector<16xf32>, vector<16xf32>, vector<16xf32>, vector<16xf32>, vector<16xi32>, vector<16xi32>, vector<16xi32>, vector<16xi32>, vector<16xi32>
      }
      %scan3A_201 = arith.constant 5 : i32
      %add3A_202 = arith.constant 8 : i32
      %add3A_203 = vector.broadcast %add3A_202 : i32 to vector<16xi32>
      %add3A_204 = arith.addi %iota3A, %add3A_203 : vector<16xi32>
      tpu.vector_store_idx %arg10[%add3A_204], %scan3A_200#25 : memref<88xi32, #tpu.memory_space<vmem>>[vector<16xi32>], vector<16xi32>,
      %add3A_205 = arith.constant 24 : i32
      %add3A_206 = vector.broadcast %add3A_205 : i32 to vector<16xi32>
      %add3A_207 = arith.addi %iota3A, %add3A_206 : vector<16xi32>
      tpu.vector_store_idx %arg10[%add3A_207], %scan3A_200#26 : memref<88xi32, #tpu.memory_space<vmem>>[vector<16xi32>], vector<16xi32>,
      %add3A_208 = arith.constant 40 : i32
      %add3A_209 = vector.broadcast %add3A_208 : i32 to vector<16xi32>
      %add3A_210 = arith.addi %iota3A, %add3A_209 : vector<16xi32>
      tpu.vector_store_idx %arg10[%add3A_210], %scan3A_200#27 : memref<88xi32, #tpu.memory_space<vmem>>[vector<16xi32>], vector<16xi32>,
      %add3A_211 = arith.constant 56 : i32
      %add3A_212 = vector.broadcast %add3A_211 : i32 to vector<16xi32>
      %add3A_213 = arith.addi %iota3A, %add3A_212 : vector<16xi32>
      tpu.vector_store_idx %arg10[%add3A_213], %scan3A_200#28 : memref<88xi32, #tpu.memory_space<vmem>>[vector<16xi32>], vector<16xi32>,
      %add3A_214 = arith.constant 72 : i32
      %add3A_215 = vector.broadcast %add3A_214 : i32 to vector<16xi32>
      %add3A_216 = arith.addi %iota3A, %add3A_215 : vector<16xi32>
      tpu.vector_store_idx %arg10[%add3A_216], %scan3A_200#29 : memref<88xi32, #tpu.memory_space<vmem>>[vector<16xi32>], vector<16xi32>,
      %broadcast_in_dim3A_217 = arith.constant 0.000000e+00 : f32
      %broadcast_in_dim3A_218 = vector.broadcast %broadcast_in_dim3A_217 : f32 to vector<16xf32>
      %lt3A_219 = arith.constant 13 : i32
      %lt3A_220 = vector.broadcast %lt3A_219 : i32 to vector<16xi32>
      %lt3A_221 = arith.cmpi slt, %iota3A, %lt3A_220 : vector<16xi32>
      %scan3A_222 = arith.constant 0 : i32
      %scan3A_223 = arith.constant 0 : i32
      %scan3A_224 = arith.constant 16 : i32
      %scan3A_225 = arith.addi %scan3A_223, %scan3A_224 : i32
      %scan3A_226 = arith.constant 1 : i32
      scf.for %scan3A_238 = %scan3A_223 to %scan3A_225 step %scan3A_226  : i32 {
        %swap3A = arith.index_cast %scan3A_238 : i32 to index
        %swap3A_239 = arith.constant 0 : index
        %swap3A_240 = tpu.vector_load %arg11[%swap3A, %swap3A_239] {strides = array<i32>} : memref<16x320xf32, #tpu.memory_space<vmem>>, vector<16xf32>,
        tpu.vector_store %arg11[%swap3A, %swap3A_239], %broadcast_in_dim3A_218 {strides = array<i32>} : memref<16x320xf32, #tpu.memory_space<vmem>>, vector<16xf32>,
        %swap3A_241 = arith.index_cast %scan3A_238 : i32 to index
        %swap3A_242 = arith.constant 16 : index
        %swap3A_243 = tpu.vector_load %arg11[%swap3A_241, %swap3A_242] {strides = array<i32>} : memref<16x320xf32, #tpu.memory_space<vmem>>, vector<16xf32>,
        tpu.vector_store %arg11[%swap3A_241, %swap3A_242], %broadcast_in_dim3A_218 {strides = array<i32>} : memref<16x320xf32, #tpu.memory_space<vmem>>, vector<16xf32>,
        %swap3A_244 = arith.index_cast %scan3A_238 : i32 to index
        %swap3A_245 = arith.constant 32 : index
        %swap3A_246 = tpu.vector_load %arg11[%swap3A_244, %swap3A_245] {strides = array<i32>} : memref<16x320xf32, #tpu.memory_space<vmem>>, vector<16xf32>,
        tpu.vector_store %arg11[%swap3A_244, %swap3A_245], %broadcast_in_dim3A_218 {strides = array<i32>} : memref<16x320xf32, #tpu.memory_space<vmem>>, vector<16xf32>,
        %swap3A_247 = arith.index_cast %scan3A_238 : i32 to index
        %swap3A_248 = arith.constant 48 : index
        %swap3A_249 = tpu.vector_load %arg11[%swap3A_247, %swap3A_248] {strides = array<i32>} : memref<16x320xf32, #tpu.memory_space<vmem>>, vector<16xf32>,
        tpu.vector_store %arg11[%swap3A_247, %swap3A_248], %broadcast_in_dim3A_218 {strides = array<i32>} : memref<16x320xf32, #tpu.memory_space<vmem>>, vector<16xf32>,
        %swap3A_250 = arith.index_cast %scan3A_238 : i32 to index
        %swap3A_251 = arith.constant 64 : index
        %swap3A_252 = tpu.vector_load %arg11[%swap3A_250, %swap3A_251] {strides = array<i32>} : memref<16x320xf32, #tpu.memory_space<vmem>>, vector<16xf32>,
        tpu.vector_store %arg11[%swap3A_250, %swap3A_251], %broadcast_in_dim3A_218 {strides = array<i32>} : memref<16x320xf32, #tpu.memory_space<vmem>>, vector<16xf32>,
        %swap3A_253 = arith.index_cast %scan3A_238 : i32 to index
        %swap3A_254 = arith.constant 80 : index
        %swap3A_255 = tpu.vector_load %arg11[%swap3A_253, %swap3A_254] {strides = array<i32>} : memref<16x320xf32, #tpu.memory_space<vmem>>, vector<16xf32>,
        tpu.vector_store %arg11[%swap3A_253, %swap3A_254], %broadcast_in_dim3A_218 {strides = array<i32>} : memref<16x320xf32, #tpu.memory_space<vmem>>, vector<16xf32>,
        %swap3A_256 = arith.index_cast %scan3A_238 : i32 to index
        %swap3A_257 = arith.constant 96 : index
        %swap3A_258 = tpu.vector_load %arg11[%swap3A_256, %swap3A_257] {strides = array<i32>} : memref<16x320xf32, #tpu.memory_space<vmem>>, vector<16xf32>,
        tpu.vector_store %arg11[%swap3A_256, %swap3A_257], %broadcast_in_dim3A_218 {strides = array<i32>} : memref<16x320xf32, #tpu.memory_space<vmem>>, vector<16xf32>,
        %swap3A_259 = arith.index_cast %scan3A_238 : i32 to index
        %swap3A_260 = arith.constant 112 : index
        %swap3A_261 = tpu.vector_load %arg11[%swap3A_259, %swap3A_260] {strides = array<i32>} : memref<16x320xf32, #tpu.memory_space<vmem>>, vector<16xf32>,
        tpu.vector_store %arg11[%swap3A_259, %swap3A_260], %broadcast_in_dim3A_218 {strides = array<i32>} : memref<16x320xf32, #tpu.memory_space<vmem>>, vector<16xf32>,
        %swap3A_262 = arith.index_cast %scan3A_238 : i32 to index
        %swap3A_263 = arith.constant 128 : index
        %swap3A_264 = tpu.vector_load %arg11[%swap3A_262, %swap3A_263] {strides = array<i32>} : memref<16x320xf32, #tpu.memory_space<vmem>>, vector<16xf32>,
        tpu.vector_store %arg11[%swap3A_262, %swap3A_263], %broadcast_in_dim3A_218 {strides = array<i32>} : memref<16x320xf32, #tpu.memory_space<vmem>>, vector<16xf32>,
        %swap3A_265 = arith.index_cast %scan3A_238 : i32 to index
        %swap3A_266 = arith.constant 144 : index
        %swap3A_267 = tpu.vector_load %arg11[%swap3A_265, %swap3A_266] {strides = array<i32>} : memref<16x320xf32, #tpu.memory_space<vmem>>, vector<16xf32>,
        tpu.vector_store %arg11[%swap3A_265, %swap3A_266], %broadcast_in_dim3A_218 {strides = array<i32>} : memref<16x320xf32, #tpu.memory_space<vmem>>, vector<16xf32>,
        %swap3A_268 = arith.index_cast %scan3A_238 : i32 to index
        %swap3A_269 = arith.constant 160 : index
        %swap3A_270 = tpu.vector_load %arg11[%swap3A_268, %swap3A_269] {strides = array<i32>} : memref<16x320xf32, #tpu.memory_space<vmem>>, vector<16xf32>,
        tpu.vector_store %arg11[%swap3A_268, %swap3A_269], %broadcast_in_dim3A_218 {strides = array<i32>} : memref<16x320xf32, #tpu.memory_space<vmem>>, vector<16xf32>,
        %swap3A_271 = arith.index_cast %scan3A_238 : i32 to index
        %swap3A_272 = arith.constant 176 : index
        %swap3A_273 = tpu.vector_load %arg11[%swap3A_271, %swap3A_272] {strides = array<i32>} : memref<16x320xf32, #tpu.memory_space<vmem>>, vector<16xf32>,
        tpu.vector_store %arg11[%swap3A_271, %swap3A_272], %broadcast_in_dim3A_218 {strides = array<i32>} : memref<16x320xf32, #tpu.memory_space<vmem>>, vector<16xf32>,
        %swap3A_274 = arith.index_cast %scan3A_238 : i32 to index
        %swap3A_275 = arith.constant 192 : index
        %swap3A_276 = tpu.vector_load %arg11[%swap3A_274, %swap3A_275] {strides = array<i32>} : memref<16x320xf32, #tpu.memory_space<vmem>>, vector<16xf32>,
        tpu.vector_store %arg11[%swap3A_274, %swap3A_275], %broadcast_in_dim3A_218 {strides = array<i32>} : memref<16x320xf32, #tpu.memory_space<vmem>>, vector<16xf32>,
        %swap3A_277 = arith.index_cast %scan3A_238 : i32 to index
        %swap3A_278 = arith.constant 208 : index
        %swap3A_279 = tpu.vector_load %arg11[%swap3A_277, %swap3A_278] {strides = array<i32>} : memref<16x320xf32, #tpu.memory_space<vmem>>, vector<16xf32>,
        tpu.vector_store %arg11[%swap3A_277, %swap3A_278], %broadcast_in_dim3A_218 {strides = array<i32>} : memref<16x320xf32, #tpu.memory_space<vmem>>, vector<16xf32>,
        %swap3A_280 = arith.index_cast %scan3A_238 : i32 to index
        %swap3A_281 = arith.constant 224 : index
        %swap3A_282 = tpu.vector_load %arg11[%swap3A_280, %swap3A_281] {strides = array<i32>} : memref<16x320xf32, #tpu.memory_space<vmem>>, vector<16xf32>,
        tpu.vector_store %arg11[%swap3A_280, %swap3A_281], %broadcast_in_dim3A_218 {strides = array<i32>} : memref<16x320xf32, #tpu.memory_space<vmem>>, vector<16xf32>,
        %swap3A_283 = arith.index_cast %scan3A_238 : i32 to index
        %swap3A_284 = arith.constant 240 : index
        %swap3A_285 = tpu.vector_load %arg11[%swap3A_283, %swap3A_284] {strides = array<i32>} : memref<16x320xf32, #tpu.memory_space<vmem>>, vector<16xf32>,
        tpu.vector_store %arg11[%swap3A_283, %swap3A_284], %broadcast_in_dim3A_218 {strides = array<i32>} : memref<16x320xf32, #tpu.memory_space<vmem>>, vector<16xf32>,
        %swap3A_286 = arith.index_cast %scan3A_238 : i32 to index
        %swap3A_287 = arith.constant 256 : index
        %swap3A_288 = tpu.vector_load %arg11[%swap3A_286, %swap3A_287] {strides = array<i32>} : memref<16x320xf32, #tpu.memory_space<vmem>>, vector<16xf32>,
        tpu.vector_store %arg11[%swap3A_286, %swap3A_287], %broadcast_in_dim3A_218 {strides = array<i32>} : memref<16x320xf32, #tpu.memory_space<vmem>>, vector<16xf32>,
        %swap3A_289 = arith.index_cast %scan3A_238 : i32 to index
        %swap3A_290 = arith.constant 272 : index
        %swap3A_291 = tpu.vector_load %arg11[%swap3A_289, %swap3A_290] {strides = array<i32>} : memref<16x320xf32, #tpu.memory_space<vmem>>, vector<16xf32>,
        tpu.vector_store %arg11[%swap3A_289, %swap3A_290], %broadcast_in_dim3A_218 {strides = array<i32>} : memref<16x320xf32, #tpu.memory_space<vmem>>, vector<16xf32>,
        %swap3A_292 = arith.index_cast %scan3A_238 : i32 to index
        %swap3A_293 = arith.constant 288 : index
        %swap3A_294 = tpu.vector_load %arg11[%swap3A_292, %swap3A_293] {strides = array<i32>} : memref<16x320xf32, #tpu.memory_space<vmem>>, vector<16xf32>,
        tpu.vector_store %arg11[%swap3A_292, %swap3A_293], %broadcast_in_dim3A_218 {strides = array<i32>} : memref<16x320xf32, #tpu.memory_space<vmem>>, vector<16xf32>,
        %swap3A_295 = arith.index_cast %scan3A_238 : i32 to index
        %swap3A_296 = arith.constant 304 : index
        %swap3A_297 = tpu.vector_load %arg11[%swap3A_295, %swap3A_296] {strides = array<i32>} : memref<16x320xf32, #tpu.memory_space<vmem>>, vector<16xf32>,
        tpu.vector_store %arg11[%swap3A_295, %swap3A_296], %broadcast_in_dim3A_218 {strides = array<i32>} : memref<16x320xf32, #tpu.memory_space<vmem>>, vector<16xf32>,
        %broadcast_in_dim3A_298 = arith.constant 8 : i32
        %broadcast_in_dim3A_299 = vector.broadcast %broadcast_in_dim3A_298 : i32 to vector<16xi32>
        %add3A_300 = vector.broadcast %scan3A_238 : i32 to vector<16xi32>
        %add3A_301 = arith.addi %broadcast_in_dim3A_299, %add3A_300 : vector<16xi32>
        %gather3A = tpu.vector_load_idx %arg10[%add3A_301] : memref<88xi32, #tpu.memory_space<vmem>>[vector<16xi32>], vector<16xi32>,
        %mul3A_302 = arith.constant 13 : i32
        %mul3A_303 = vector.broadcast %mul3A_302 : i32 to vector<16xi32>
        %mul3A_304 = arith.muli %gather3A, %mul3A_303 : vector<16xi32>
        %add3A_305 = arith.constant 8 : i32
        %add3A_306 = vector.broadcast %add3A_305 : i32 to vector<16xi32>
        %add3A_307 = arith.addi %add3A_306, %iota3A : vector<16xi32>
        %add3A_308 = arith.addi %mul3A_304, %add3A_307 : vector<16xi32>
        %gather3A_309 = tpu.vector_load_idx %arg9[%add3A_308] : memref<80xf32, #tpu.memory_space<vmem>>[vector<16xi32>], vector<16xf32>,
        %broadcast_in_dim3A_310 = arith.constant 0 : i32
        %broadcast_in_dim3A_311 = vector.broadcast %broadcast_in_dim3A_310 : i32 to vector<16xi32>
        %add3A_312 = vector.broadcast %scan3A_238 : i32 to vector<16xi32>
        %add3A_313 = arith.addi %broadcast_in_dim3A_311, %add3A_312 : vector<16xi32>
        %add3A_314 = arith.constant 0 : i32
        %add3A_315 = vector.broadcast %add3A_314 : i32 to vector<16xi32>
        %add3A_316 = arith.addi %iota3A, %add3A_315 : vector<16xi32>
        tpu.vector_store_idx %arg11[%add3A_313, %add3A_316], %gather3A_309 masked %lt3A_221 : memref<16x320xf32, #tpu.memory_space<vmem>>[vector<16xi32>, vector<16xi32>], vector<16xf32>, vector<16xi1>
        %broadcast_in_dim3A_317 = arith.constant 24 : i32
        %broadcast_in_dim3A_318 = vector.broadcast %broadcast_in_dim3A_317 : i32 to vector<16xi32>
        %add3A_319 = vector.broadcast %scan3A_238 : i32 to vector<16xi32>
        %add3A_320 = arith.addi %broadcast_in_dim3A_318, %add3A_319 : vector<16xi32>
        %gather3A_321 = tpu.vector_load_idx %arg10[%add3A_320] : memref<88xi32, #tpu.memory_space<vmem>>[vector<16xi32>], vector<16xi32>,
        %mul3A_322 = arith.constant 13 : i32
        %mul3A_323 = vector.broadcast %mul3A_322 : i32 to vector<16xi32>
        %mul3A_324 = arith.muli %gather3A_321, %mul3A_323 : vector<16xi32>
        %add3A_325 = arith.constant 8 : i32
        %add3A_326 = vector.broadcast %add3A_325 : i32 to vector<16xi32>
        %add3A_327 = arith.addi %add3A_326, %iota3A : vector<16xi32>
        %add3A_328 = arith.addi %mul3A_324, %add3A_327 : vector<16xi32>
        %gather3A_329 = tpu.vector_load_idx %arg9[%add3A_328] : memref<80xf32, #tpu.memory_space<vmem>>[vector<16xi32>], vector<16xf32>,
        %broadcast_in_dim3A_330 = arith.constant 0 : i32
        %broadcast_in_dim3A_331 = vector.broadcast %broadcast_in_dim3A_330 : i32 to vector<16xi32>
        %add3A_332 = vector.broadcast %scan3A_238 : i32 to vector<16xi32>
        %add3A_333 = arith.addi %broadcast_in_dim3A_331, %add3A_332 : vector<16xi32>
        %add3A_334 = arith.constant 76 : i32
        %add3A_335 = vector.broadcast %add3A_334 : i32 to vector<16xi32>
        %add3A_336 = arith.addi %iota3A, %add3A_335 : vector<16xi32>
        tpu.vector_store_idx %arg11[%add3A_333, %add3A_336], %gather3A_329 masked %lt3A_221 : memref<16x320xf32, #tpu.memory_space<vmem>>[vector<16xi32>, vector<16xi32>], vector<16xf32>, vector<16xi1>
        %broadcast_in_dim3A_337 = arith.constant 40 : i32
        %broadcast_in_dim3A_338 = vector.broadcast %broadcast_in_dim3A_337 : i32 to vector<16xi32>
        %add3A_339 = vector.broadcast %scan3A_238 : i32 to vector<16xi32>
        %add3A_340 = arith.addi %broadcast_in_dim3A_338, %add3A_339 : vector<16xi32>
        %gather3A_341 = tpu.vector_load_idx %arg10[%add3A_340] : memref<88xi32, #tpu.memory_space<vmem>>[vector<16xi32>], vector<16xi32>,
        %mul3A_342 = arith.constant 13 : i32
        %mul3A_343 = vector.broadcast %mul3A_342 : i32 to vector<16xi32>
        %mul3A_344 = arith.muli %gather3A_341, %mul3A_343 : vector<16xi32>
        %add3A_345 = arith.constant 8 : i32
        %add3A_346 = vector.broadcast %add3A_345 : i32 to vector<16xi32>
        %add3A_347 = arith.addi %add3A_346, %iota3A : vector<16xi32>
        %add3A_348 = arith.addi %mul3A_344, %add3A_347 : vector<16xi32>
        %gather3A_349 = tpu.vector_load_idx %arg9[%add3A_348] : memref<80xf32, #tpu.memory_space<vmem>>[vector<16xi32>], vector<16xf32>,
        %broadcast_in_dim3A_350 = arith.constant 0 : i32
        %broadcast_in_dim3A_351 = vector.broadcast %broadcast_in_dim3A_350 : i32 to vector<16xi32>
        %add3A_352 = vector.broadcast %scan3A_238 : i32 to vector<16xi32>
        %add3A_353 = arith.addi %broadcast_in_dim3A_351, %add3A_352 : vector<16xi32>
        %add3A_354 = arith.constant 153 : i32
        %add3A_355 = vector.broadcast %add3A_354 : i32 to vector<16xi32>
        %add3A_356 = arith.addi %iota3A, %add3A_355 : vector<16xi32>
        tpu.vector_store_idx %arg11[%add3A_353, %add3A_356], %gather3A_349 masked %lt3A_221 : memref<16x320xf32, #tpu.memory_space<vmem>>[vector<16xi32>, vector<16xi32>], vector<16xf32>, vector<16xi1>
        %broadcast_in_dim3A_357 = arith.constant 56 : i32
        %broadcast_in_dim3A_358 = vector.broadcast %broadcast_in_dim3A_357 : i32 to vector<16xi32>
        %add3A_359 = vector.broadcast %scan3A_238 : i32 to vector<16xi32>
        %add3A_360 = arith.addi %broadcast_in_dim3A_358, %add3A_359 : vector<16xi32>
        %gather3A_361 = tpu.vector_load_idx %arg10[%add3A_360] : memref<88xi32, #tpu.memory_space<vmem>>[vector<16xi32>], vector<16xi32>,
        %mul3A_362 = arith.constant 13 : i32
        %mul3A_363 = vector.broadcast %mul3A_362 : i32 to vector<16xi32>
        %mul3A_364 = arith.muli %gather3A_361, %mul3A_363 : vector<16xi32>
        %add3A_365 = arith.constant 8 : i32
        %add3A_366 = vector.broadcast %add3A_365 : i32 to vector<16xi32>
        %add3A_367 = arith.addi %add3A_366, %iota3A : vector<16xi32>
        %add3A_368 = arith.addi %mul3A_364, %add3A_367 : vector<16xi32>
        %gather3A_369 = tpu.vector_load_idx %arg9[%add3A_368] : memref<80xf32, #tpu.memory_space<vmem>>[vector<16xi32>], vector<16xf32>,
        %broadcast_in_dim3A_370 = arith.constant 0 : i32
        %broadcast_in_dim3A_371 = vector.broadcast %broadcast_in_dim3A_370 : i32 to vector<16xi32>
        %add3A_372 = vector.broadcast %scan3A_238 : i32 to vector<16xi32>
        %add3A_373 = arith.addi %broadcast_in_dim3A_371, %add3A_372 : vector<16xi32>
        %add3A_374 = arith.constant 230 : i32
        %add3A_375 = vector.broadcast %add3A_374 : i32 to vector<16xi32>
        %add3A_376 = arith.addi %iota3A, %add3A_375 : vector<16xi32>
        tpu.vector_store_idx %arg11[%add3A_373, %add3A_376], %gather3A_369 masked %lt3A_221 : memref<16x320xf32, #tpu.memory_space<vmem>>[vector<16xi32>, vector<16xi32>], vector<16xf32>, vector<16xi1>
        %broadcast_in_dim3A_377 = arith.constant 72 : i32
        %broadcast_in_dim3A_378 = vector.broadcast %broadcast_in_dim3A_377 : i32 to vector<16xi32>
        %add3A_379 = vector.broadcast %scan3A_238 : i32 to vector<16xi32>
        %add3A_380 = arith.addi %broadcast_in_dim3A_378, %add3A_379 : vector<16xi32>
        %gather3A_381 = tpu.vector_load_idx %arg10[%add3A_380] : memref<88xi32, #tpu.memory_space<vmem>>[vector<16xi32>], vector<16xi32>,
        %mul3A_382 = arith.constant 13 : i32
        %mul3A_383 = vector.broadcast %mul3A_382 : i32 to vector<16xi32>
        %mul3A_384 = arith.muli %gather3A_381, %mul3A_383 : vector<16xi32>
        %add3A_385 = arith.constant 8 : i32
        %add3A_386 = vector.broadcast %add3A_385 : i32 to vector<16xi32>
        %add3A_387 = arith.addi %add3A_386, %iota3A : vector<16xi32>
        %add3A_388 = arith.addi %mul3A_384, %add3A_387 : vector<16xi32>
        %gather3A_389 = tpu.vector_load_idx %arg9[%add3A_388] : memref<80xf32, #tpu.memory_space<vmem>>[vector<16xi32>], vector<16xf32>,
        %broadcast_in_dim3A_390 = arith.constant 0 : i32
        %broadcast_in_dim3A_391 = vector.broadcast %broadcast_in_dim3A_390 : i32 to vector<16xi32>
        %add3A_392 = vector.broadcast %scan3A_238 : i32 to vector<16xi32>
        %add3A_393 = arith.addi %broadcast_in_dim3A_391, %add3A_392 : vector<16xi32>
        %add3A_394 = arith.constant 307 : i32
        %add3A_395 = vector.broadcast %add3A_394 : i32 to vector<16xi32>
        %add3A_396 = arith.addi %iota3A, %add3A_395 : vector<16xi32>
        tpu.vector_store_idx %arg11[%add3A_393, %add3A_396], %gather3A_389 masked %lt3A_221 : memref<16x320xf32, #tpu.memory_space<vmem>>[vector<16xi32>, vector<16xi32>], vector<16xf32>, vector<16xi1>
      }
      %scan3A_227 = arith.constant 16 : i32
      %lt3A_228 = arith.constant 23 : i32
      %lt3A_229 = arith.cmpi slt, %add3A, %lt3A_228 : i32
      %convert_element_type3A_230 = arith.extui %lt3A_229 : i1 to i32
      %cond3A_231 = arith.constant 0 : i32
      %cond3A_232 = arith.cmpi ne, %convert_element_type3A_230, %cond3A_231 : i32
      scf.if %cond3A_232 {
        %mul3A_238 = arith.constant 16 : i32
        %mul3A_239 = arith.muli %add3A, %mul3A_238 : i32
        "tpu.region"() ({
          %run_scoped3A = tpu.sem_alloc : memref<!tpu.dma_semaphore, #tpu.memory_space<semaphore_mem>>
          %dma_start3A = arith.constant 0 : i32
          %dma_start3A_240 = tpu.memref_slice %arg4[%mul3A_239, %dma_start3A] : memref<375x320xf32, #tpu.memory_space<hbm>> -> memref<16x320xf32, #tpu.memory_space<hbm>>
          %dma_start3A_241 = arith.constant 0 : i32
          %dma_start3A_242 = tpu.memref_slice %arg4[%mul3A_239, %dma_start3A_241] : memref<375x320xf32, #tpu.memory_space<hbm>> -> memref<16x320xf32, #tpu.memory_space<hbm>>
          tpu.enqueue_dma source(%arg11 : memref<16x320xf32, #tpu.memory_space<vmem>>) target(%dma_start3A_242 : memref<16x320xf32, #tpu.memory_space<hbm>>) target_semaphore(%run_scoped3A : memref<!tpu.dma_semaphore, #tpu.memory_space<semaphore_mem>>)
          %dma_wait3A = arith.constant 0 : i32
          %dma_wait3A_243 = tpu.memref_slice %arg4[%mul3A_239, %dma_wait3A] : memref<375x320xf32, #tpu.memory_space<hbm>> -> memref<16x320xf32, #tpu.memory_space<hbm>>
          %dma_wait3A_244 = arith.constant 0 : i32
          %dma_wait3A_245 = tpu.memref_slice %arg4[%mul3A_239, %dma_wait3A_244] : memref<375x320xf32, #tpu.memory_space<hbm>> -> memref<16x320xf32, #tpu.memory_space<hbm>>
          tpu.wait_dma2 semaphore(%run_scoped3A : memref<!tpu.dma_semaphore, #tpu.memory_space<semaphore_mem>>) src(%arg11 : memref<16x320xf32, #tpu.memory_space<vmem>>) dst(%dma_wait3A_245 : memref<16x320xf32, #tpu.memory_space<hbm>>)
          tpu.yield
        }) : () -> ()
      } else {
      }
      %eq3A_233 = arith.constant 23 : i32
      %eq3A_234 = arith.cmpi eq, %add3A, %eq3A_233 : i32
      %convert_element_type3A_235 = arith.extui %eq3A_234 : i1 to i32
      %cond3A_236 = arith.constant 0 : i32
      %cond3A_237 = arith.cmpi ne, %convert_element_type3A_235, %cond3A_236 : i32
      scf.if %cond3A_237 {
        "tpu.region"() ({
          %run_scoped3A = tpu.sem_alloc : memref<!tpu.dma_semaphore, #tpu.memory_space<semaphore_mem>>
          %dma_start3A = arith.constant 0 : i32
          %dma_start3A_238 = arith.constant 0 : i32
          %dma_start3A_239 = tpu.memref_slice %arg11[%dma_start3A, %dma_start3A_238] : memref<16x320xf32, #tpu.memory_space<vmem>> -> memref<7x320xf32, #tpu.memory_space<vmem>>
          %dma_start3A_240 = arith.constant 368 : i32
          %dma_start3A_241 = arith.constant 0 : i32
          %dma_start3A_242 = tpu.memref_slice %arg4[%dma_start3A_240, %dma_start3A_241] : memref<375x320xf32, #tpu.memory_space<hbm>> -> memref<7x320xf32, #tpu.memory_space<hbm>>
          %dma_start3A_243 = arith.constant 368 : i32
          %dma_start3A_244 = arith.constant 0 : i32
          %dma_start3A_245 = tpu.memref_slice %arg4[%dma_start3A_243, %dma_start3A_244] : memref<375x320xf32, #tpu.memory_space<hbm>> -> memref<7x320xf32, #tpu.memory_space<hbm>>
          %dma_start3A_246 = arith.constant 0 : i32
          %dma_start3A_247 = arith.constant 0 : i32
          %dma_start3A_248 = tpu.memref_slice %arg11[%dma_start3A_246, %dma_start3A_247] : memref<16x320xf32, #tpu.memory_space<vmem>> -> memref<7x320xf32, #tpu.memory_space<vmem>>
          tpu.enqueue_dma source(%dma_start3A_248 : memref<7x320xf32, #tpu.memory_space<vmem>>) target(%dma_start3A_245 : memref<7x320xf32, #tpu.memory_space<hbm>>) target_semaphore(%run_scoped3A : memref<!tpu.dma_semaphore, #tpu.memory_space<semaphore_mem>>)
          %dma_wait3A = arith.constant 0 : i32
          %dma_wait3A_249 = arith.constant 0 : i32
          %dma_wait3A_250 = tpu.memref_slice %arg11[%dma_wait3A, %dma_wait3A_249] : memref<16x320xf32, #tpu.memory_space<vmem>> -> memref<7x320xf32, #tpu.memory_space<vmem>>
          %dma_wait3A_251 = arith.constant 368 : i32
          %dma_wait3A_252 = arith.constant 0 : i32
          %dma_wait3A_253 = tpu.memref_slice %arg4[%dma_wait3A_251, %dma_wait3A_252] : memref<375x320xf32, #tpu.memory_space<hbm>> -> memref<7x320xf32, #tpu.memory_space<hbm>>
          %dma_wait3A_254 = arith.constant 368 : i32
          %dma_wait3A_255 = arith.constant 0 : i32
          %dma_wait3A_256 = tpu.memref_slice %arg4[%dma_wait3A_254, %dma_wait3A_255] : memref<375x320xf32, #tpu.memory_space<hbm>> -> memref<7x320xf32, #tpu.memory_space<hbm>>
          %dma_wait3A_257 = arith.constant 0 : i32
          %dma_wait3A_258 = arith.constant 0 : i32
          %dma_wait3A_259 = tpu.memref_slice %arg11[%dma_wait3A_257, %dma_wait3A_258] : memref<16x320xf32, #tpu.memory_space<vmem>> -> memref<7x320xf32, #tpu.memory_space<vmem>>
          tpu.wait_dma2 semaphore(%run_scoped3A : memref<!tpu.dma_semaphore, #tpu.memory_space<semaphore_mem>>) src(%dma_wait3A_259 : memref<7x320xf32, #tpu.memory_space<vmem>>) dst(%dma_wait3A_256 : memref<7x320xf32, #tpu.memory_space<hbm>>)
          tpu.yield
        }) : () -> ()
      } else {
      }
    } else {
    }
    return
  }
}

</mosaic_0001>

<sc_bundles>
// kernel: kernel.3.cloned.1.call-start
scs
__scs_entry_jumppad:
0x0: {  	(pc) =	sbr.rel $0x88, $3  }
0x1: {  	(tag) =	ssettag $0x0;
	lr =	simm.s32 $0x1  }
0x2: {  	[smem:$0x3F9F] =	sst lr;
	_ =	strace $0xD0000000  }
0x3: {  	_ = 	snop  }
0x4: {  	_ = 	snop  }
0x5: {  	_ = 	snop  }
0x6: {  	_ = 	snop  }
0x7: {  	_ = 	snop  }
__scs_overlays_trampoline_lowered:
0x8: {  	[smem:$0x3FAE] =	sst s0  }
0x9: {  	[smem:$0x3FAF] =	sst s1  }
0xa: {  	[smem:$0x3FB0] =	sst s2  }
0xb: {  	[smem:$0x3FB1] =	sst s3  }
0xc: {  	[smem:$0x3FB2] =	sst s4  }
0xd: {  	[smem:$0x3FB3] =	sst s5  }
0xe: {  	[smem:$0x3FB4] =	sst s6  }
0xf: {  	[smem:$0x3FB5] =	sst s7  }
0x10: {  	[smem:$0x3FB6] =	sst s8  }
0x11: {  	[smem:$0x3FB7] =	sst s9;
	s0 =	simm.s32 @!p0 $0x0  }
0x12: {  	s1 =	sld [smem:$0x3F9D];
	s0 =	simm.s32 @p0 $0x1  }
0x13: {  	[smem:$0x3FB8] =	sst s0;
	s0 =	simm.s32 @!p1 $0x0  }
0x14: {  	s2 =	sld [smem:$0x3F9C];
	s0 =	simm.s32 @p1 $0x1  }
0x15: {  	[smem:$0x3FB9] =	sst s0;
	s0 =	simm.s32 @!p2 $0x0  }
0x16: {  	s3 =	sld [smem:$0x3FDB];
	s0 =	simm.s32 @p2 $0x1  }
0x17: {  	s4 =	simm.s32 $0x1BF5;
	[smem:$0x3FBB] =	sst s0  }
0x18: {  	s0 =	sld [smem:$0x3F9E];
	_ =	swait.ge [sflag:s4], $0x0  }
0x19: {  	s7 =	sld [smem:$0x3F9F]  }
0x1a: {  	s8 =	sadd.s32 $0xFFFFE003, lr  }
0x1b: {  	s9 =	sadd.s32 $0xFFFFFEF7, lr;
	s5 =	simm.s32 $0xFFFFFFFF;
	p2 =	slt.u32 s8, $0xFFFFF086  }
0x1c: {  	p1 =	slt.u32 s9, $0xF7A;
	s5 =	simm.s32 @!p2 $0x0  }
0x1d: {  	s5 =	simm.s32 @p1 $0x1;
	p0 =	seq.s32 s7, s2  }
0x1e: {  	s7 =	smul.u32 @!p0 $0xF7A, s2;
	p2 =	seq.s32 @!p0 s5, $0x0  }
0x1f: {  	s9 =	smul.u32 $0xF7A, s1;
	s8 =	simm.s32 @!p0 $0x1BF5;
	p2 =	por !p2, p0  }
0x20: {  	[sflag:s8] =	ssyncset.s32 @!p0 $0xFFFFF086;
	s6 =	sadd.s32 @!p0 s3, s7;
	s7 =	simm.s32 @!p0 $0x108  }
0x21: {  	s3 =	sadd.s32 s3, s9;
	s6 =	sadd.s32 @!p0 $0x88, s6;
	s7 =	simm.s32 @p2 $0x1082  }
0x22: {  	[simem:s7], [sflag:s8] =	dma.local @!p0 [hbm:s6], $0xF7A  }
0x23: {  	s9 =	sor.u32 $0xD0000000, s2;
	s6 =	simm.s32 $0x108;
	_ =	swait.ge @!p0 [sflag:s8], $0x0  }
0x24: {  	s3 =	sadd.s32 $0x88, s3;
	s6 =	simm.s32 @!p1 $0x1082;
	[sflag:s4] =	ssyncset.s32 $0xFFFFF086  }
0x25: {  	[simem:s6], [sflag:s4] =	dma.local [hbm:s3], $0xF7A  }
0x26: {  	[smem:$0x3F9F] =	sst s1;
	(tag) =	ssettag s2;
	_ =	strace s9  }
0x27: {  	s1 =	sld [smem:$0x3FAF]  }
0x28: {  	s2 =	sld [smem:$0x3FB0]  }
0x29: {  	s4 =	sld [smem:$0x3FB2]  }
0x2a: {  	p0 =	seq.s32 s5, $0x0;
	s5 =	sld [smem:$0x3FB3]  }
0x2b: {  	s6 =	sld [smem:$0x3FB4]  }
0x2c: {  	s7 =	sld [smem:$0x3FB5]  }
0x2d: {  	s3 =	simm.s32 $0x108;
	s8 =	sld [smem:$0x3FB6]  }
0x2e: {  	s3 =	simm.s32 @!p0 $0x1082;
	s9 =	sld [smem:$0x3FB7]  }
0x2f: {  	lr =	sadd.s32 s0, s3;
	s0 =	sld [smem:$0x3FAE]  }
0x30: {  	s3 =	sld [smem:$0x3FB1]  }
0x31: {  	[smem:$0x3FBA] =	sst s10  }
0x32: {  	s10 =	sld [smem:$0x3FB8];
	_ =	sdelay $0x3  }
0x33: {  	p0 =	seq.s32 s10, $0x1;
	s10 =	sld [smem:$0x3FBA];
	_ =	sdelay $0x3  }
0x34: {  	[smem:$0x3FBA] =	sst s10  }
0x35: {  	s10 =	sld [smem:$0x3FB9];
	_ =	sdelay $0x3  }
0x36: {  	p1 =	seq.s32 s10, $0x1;
	s10 =	sld [smem:$0x3FBA];
	_ =	sdelay $0x3  }
0x37: {  	[smem:$0x3FBA] =	sst s10  }
0x38: {  	s10 =	sld [smem:$0x3FBB]  }
0x39: {  	_ = 	snop;
	(pc) =	sbr.ind lr, $3  }
0x3a: {  	_ = 	snop  }
0x3b: {  	_ = 	snop  }
0x3c: {  	p2 =	seq.s32 s10, $0x1;
	s10 =	sld [smem:$0x3FBA]  }
0x3d: {  	_ =	shalt  }
0x3e: {  	_ =	shalt  }
0x3f: {  	_ =	shalt  }
0x40: {  	_ =	shalt  }
0x41: {  	_ =	shalt  }
0x42: {  	_ =	shalt  }
0x43: {  	_ =	shalt  }
0x44: {  	_ =	shalt  }
0x45: {  	_ =	shalt  }
0x46: {  	_ =	shalt  }
0x47: {  	_ =	shalt  }
0x48: {  	_ =	shalt  }
0x49: {  	_ =	shalt  }
0x4a: {  	_ =	shalt  }
0x4b: {  	_ =	shalt  }
0x4c: {  	_ =	shalt  }
0x4d: {  	_ =	shalt  }
0x4e: {  	_ =	shalt  }
0x4f: {  	_ =	shalt  }
0x50: {  	_ =	shalt  }
0x51: {  	_ =	shalt  }
0x52: {  	_ =	shalt  }
0x53: {  	_ =	shalt  }
0x54: {  	_ =	shalt  }
0x55: {  	_ =	shalt  }
0x56: {  	_ =	shalt  }
0x57: {  	_ =	shalt  }
0x58: {  	_ =	shalt  }
0x59: {  	_ =	shalt  }
0x5a: {  	_ =	shalt  }
0x5b: {  	_ =	shalt  }
0x5c: {  	_ =	shalt  }
0x5d: {  	_ =	shalt  }
0x5e: {  	_ =	shalt  }
0x5f: {  	_ =	shalt  }
0x60: {  	_ =	shalt  }
0x61: {  	_ =	shalt  }
0x62: {  	_ =	shalt  }
0x63: {  	_ =	shalt  }
0x64: {  	_ =	shalt  }
0x65: {  	_ =	shalt  }
0x66: {  	_ =	shalt  }
0x67: {  	_ =	shalt  }
0x68: {  	_ =	shalt  }
0x69: {  	_ =	shalt  }
0x6a: {  	_ =	shalt  }
0x6b: {  	_ =	shalt  }
0x6c: {  	_ =	shalt  }
0x6d: {  	_ =	shalt  }
0x6e: {  	_ =	shalt  }
0x6f: {  	_ =	shalt  }
0x70: {  	_ =	shalt  }
0x71: {  	_ =	shalt  }
0x72: {  	_ =	shalt  }
0x73: {  	_ =	shalt  }
0x74: {  	_ =	shalt  }
0x75: {  	_ =	shalt  }
0x76: {  	_ =	shalt  }
0x77: {  	_ =	shalt  }
0x78: {  	_ =	shalt  }
0x79: {  	_ =	shalt  }
0x7a: {  	_ =	shalt  }
0x7b: {  	_ =	shalt  }
0x7c: {  	_ =	shalt  }
0x7d: {  	_ =	shalt  }
0x7e: {  	_ =	shalt  }
0x7f: {  	_ =	shalt  }
0x80: {  	_ =	shalt  }
0x81: {  	_ =	shalt  }
0x82: {  	_ =	shalt  }
0x83: {  	_ =	shalt  }
0x84: {  	_ =	shalt  }
0x85: {  	_ =	shalt  }
0x86: {  	_ =	shalt  }
0x87: {  	_ =	shalt  }
.Lfunc_end0:
.L_simem_size_0:
called_computation_lowered:
.L_overlay_start_0:
0x88: {  	s2 =	sld [smem:$0x3FD9]  }
0x89: {  	s3 =	sld [smem:$0x3FFE];
	_ =	sdelay $0x1  }
0x8a: {  	s1 =	srdreg.scid  }
0x8b: {  	s0 =	sand.u32 $0x1, s1  }
0x8c: {  	s17 =	sshll.u32 s0, $0xA;
	s2 =	sadd.s32 s3, s2  }
0x8d: {  	s2 =	sadd.s32 s2, s17  }
0x8e: {  	[smem:$0x3FC6] =	sst s2  }
0x8f: {  	_ = 	snop  }
0x90: {  	s2 =	sld [smem:$0x3FD0];
	(tm) =	ssettm $0x1  }
0x91: {  	s18 =	sld [smem:$0x3FFB];
	_ =	sdelay $0x3  }
0x92: {  	_ =	strace s18  }
0x93: {  	s3 =	sld [smem:$0x3FFC];
	_ =	sdelay $0x3  }
0x94: {  	_ =	strace s3  }
0x95: {  	s3 =	sld [smem:$0x3FFD];
	_ =	sdelay $0x3  }
0x96: {  	_ =	strace s3  }
0x97: {  	_ =	strace $0x8FFFFFFF  }
0x98: {  	s19 =	sld [smem:$0x3FDB];
	_ =	sdelay $0x1  }
0x99: {  	s4 =	simm.s32 $_scs_section_size  }
0x9a: {  	s5 =	simm.s32 $_size__tile_overlayer_lowered;
	s6 =	simm.s32 $_tile_overlayer_lowered  }
0x9b: {  	s22 =	simm.s32 $0x1BFF;
	s21 =	sshll.u32 s6, $0x1;
	s3 =	sadd.s32 s4, s19  }
0x9c: {  	s7 =	simm.s32 $0x0;
	s20 =	sshll.u32 s5, $0x1;
	s5 =	sadd.s32 s21, s3  }
0x9d: {  	[timem:s7], [sflag:s22] =	dma.local [hbm:s5], s20  }
0x9e: {  	_ =	swait.ge [sflag:s22], s20  }
0x9f: {  	s4 =	ssub.s32 $0x0, s20;
	[sflag:s22] =	ssyncset.done $0x0  }
0xa0: {  	[sflag:s22] =	ssyncadd.s32 s4;
	_ =	sdelay $0x1  }
0xa1: {  	s23 =	simm.s32 $0x1B8B  }
0xa2: {  	_ =	swait.ge [sflag:s23], $0x1  }
0xa3: {  	[sflag:s23] =	ssyncset.done $0x0  }
0xa4: {  	s25 =	simm.s32 $0x1B8E;
	s24 =	sld [smem:$0x3FFE];
	[sflag:s23] =	ssyncadd.s32 $0xFFFFFFFF  }
0xa5: {  	s26 =	simm.s32 $execute0_lowered;
	[smem:$0x3FD2] =	sst s25  }
0xa6: {  	s5 =	sshll.u32 s26, $0x1;
	_ =	strace $0x80000046;
	[dreg:$0x1] =	wrdreg $0xFFFFFFFF  }
0xa7: {  	s28 =	simm.s32 $_size_execute0_lowered;
	s3 =	sadd.s32 s3, s5;
	[dreg:$0x0] =	wrdreg $0x0  }
0xa8: {  	s5 =	sshll.u32 s28, $0x1;
	[dreg:$0x2] =	wrdreg s3  }
0xa9: {  	[dreg:$0x3] =	wrdreg s5  }
0xaa: {  	[dreg:$0x4] =	wrdreg $0xC0  }
0xab: {  	_ =	task [dreg:s7], $0x5FFFF  }
0xac: {  	[dreg:$0x1] =	wrdreg $0xFFFFFFFF  }
0xad: {  	[dreg:$0x0] =	wrdreg $0x60  }
0xae: {  	[dreg:$0x2] =	wrdreg s24  }
0xaf: {  	[dreg:$0x3] =	wrdreg s2  }
0xb0: {  	[dreg:$0x4] =	wrdreg $0x9  }
0xb1: {  	_ =	task.clear_ibuf [dreg:s7], $0x5FFFF;
	_ =	strace $0x90000046  }
0xb2: {  	s29 =	simm.s32 $0x9;
	_ =	strace $0x80000048  }
0xb3: {  	_ =	swait.ge [sflag:s29], $0x1  }
0xb4: {  	[sflag:s29] =	ssyncadd.s32 $0xFFFFFFFF  }
0xb5: {  	_ =	strace $0x90000048  }
0xb6: {  	_ =	sfence  }
0xb7: {  	s30 =	sld [smem:$0x0];
	_ =	sdelay $0x2  }
0xb8: {  	s31 =	sshll.u32 s1, $0xD;
	s1 =	sshrl.u32 s1, $0x2  }
0xb9: {  	s3 =	sand.u32 $0x4000, s31;
	s1 =	sadd.s32 s1, s30  }
0xba: {  	s0 =	sor.u32 s3, s0;
	s1 =	sshll.u32 s1, $0x11  }
0xbb: {  	s0 =	sor.u32 s1, s0  }
0xbc: {  	s0 =	sadd.s32 $0x8F2B, s0  }
0xbd: {  	[sflag:s0] =	ssyncadd.remote.s32 $0x1  }
0xbe: {  	_ =	sfence.sel $0xFFFF  }
0xbf: {  	[dreg:$0x0] =	wrdreg $0xFFFFFFFF;
	(pc) =	sbr.abs _section_cstart, $3  }
0xc0: {  	[dreg:$0x1] =	wrdreg $0xFFFFFFFF  }
0xc1: {  	_ =	task.clear_ibuf [dreg:s7], $0x2FFFF;
	_ =	strace $0x9FFFFFFF  }
0xc2: {  	(tm) =	ssettm $0x7FFFFFFF  }
0xc3: {  	_ =	shalt  }
tec
execute0_lowered:
.L_overlay_start_1:
0x0: {  	(tag) =	ssettag $0x1  }
0x1: {  	s1 =	stileid.u32  }
0x2: {  	p0 =	sgt.u32 s1, $0xB  }
.Ltmp0:
0x3: {  	_ = 	snop;
	(pc) =	sbr.rel @p0 .LBB2_21-.Ltmp0, $4  }
0x4: {  	s7 =	rddreg [dreg:$0x0]  }
0x5: {  	s2 =	rddreg [dreg:$0x1];
	s3 =	simm.s32 $0x0  }
0x6: {  	[smem:$0x7FF] =	sst s3  }
0x7: {  	s0 =	rddreg [dreg:$0x2];
	_ =	strace $0x80000047  }
0x8: {  	v0 =	vlaneseq.u32  }
0x9: {  	v25 =	vadd.s32 $0xCC, v0  }
0xa: {  	v26 =	vadd.s32 $0x50C, v0;
	[tilespmem:$0x1FFD0] =	vst v25  }
0xb: {  	v3 =	vmul.u32 $0x11, v0;
	v27 =	vadd.s32 $0x94C, v0;
	[tilespmem:$0x1FFE0] =	vst v26  }
0xc: {  	[tilespmem:$0x1FFF0] =	vst v27  }
0xd: {  	v4 =	vadd.s32 $0x110, v3;
	[tilespmem:$0x1FE90] =	vst v3  }
0xe: {  	v5 =	vadd.s32 $0x220, v3;
	[tilespmem:$0x1FEA0] =	vst v4  }
0xf: {  	v6 =	vadd.s32 $0x330, v3;
	[tilespmem:$0x1FEB0] =	vst v5  }
0x10: {  	v7 =	vadd.s32 $0x440, v3;
	[tilespmem:$0x1FEC0] =	vst v6  }
0x11: {  	v8 =	vadd.s32 $0x550, v3;
	[tilespmem:$0x1FED0] =	vst v7  }
0x12: {  	v9 =	vadd.s32 $0x660, v3;
	[tilespmem:$0x1FEE0] =	vst v8  }
0x13: {  	v10 =	vadd.s32 $0x770, v3;
	[tilespmem:$0x1FEF0] =	vst v9  }
0x14: {  	v11 =	vadd.s32 $0x880, v3;
	[tilespmem:$0x1FF00] =	vst v10  }
0x15: {  	v12 =	vadd.s32 $0x990, v3;
	[tilespmem:$0x1FF10] =	vst v11  }
0x16: {  	v35 =	vadd.s32 $0xAA0, v3;
	[tilespmem:$0x1FF20] =	vst v12  }
0x17: {  	v36 =	vadd.s32 $0xBB0, v3;
	[tilespmem:$0x1FF30] =	vst v35  }
0x18: {  	v13 =	vadd.s32 $0xCC0, v3;
	[tilespmem:$0x1FF40] =	vst v36  }
0x19: {  	s4 =	srdreg.scid;
	s31 =	sshll.u32 s1, $0x1;
	v14 =	vadd.s32 $0xDD0, v3;
	[tilespmem:$0x1FF50] =	vst v13  }
0x1a: {  	s12 =	simm.s32 $0x1;
	s13 =	simm.s32 $0x1800;
	s14 =	simm.s32 $0x2E00;
	v15 =	vadd.s32 $0xEE0, v3;
	[tilespmem:$0x1FF60] =	vst v14  }
0x1b: {  	s15 =	simm.s32 $0x2E80;
	s16 =	simm.s32 $0x0;
	s5 =	sand.u32 $0x1, s4;
	v21 =	vor.u32 $0x440, v0;
	v16 =	vadd.s32 $0xFF0, v3;
	[tilespmem:$0x1FF70] =	vst v15  }
0x1c: {  	v22 =	vor.u32 $0x880, v0;
	v23 =	vor.u32 $0xCC0, v0;
	s8 =	sor.u32 s5, s31;
	s9 =	ssub.s32 $0x2, s5;
	s5 =	sadd.s32 $0x4900, s7;
	v17 =	vor.u32 $0x1100, v3;
	[tilespmem:$0x1FF80] =	vst v16  }
0x1d: {  	v24 =	vor.u32 $0x1100, v0;
	v28 =	vadd.s32 $0xD8C, v0;
	v18 =	vadd.s32 $0x1210, v3;
	s4 =	smul.u32 $0x300, s8;
	s10 =	sshrl.u32 s9, $0x1;
	p0 =	seq.s32 s8, $0x17;
	[tilespmem:$0x1FF90] =	vst v17  }
0x1e: {  	v29 =	vadd.s32 $0x11CC, v0;
	v30 =	vadd.s32 $0x1A9, v0;
	v19 =	vadd.s32 $0x1320, v3;
	s9 =	ssub.s32 s9, s10;
	s10 =	sadd.s32 @p0 $0x80, s5;
	s11 =	sadd.s32 @p0 $0x100, s5;
	[tilespmem:$0x1FFA0] =	vst v18  }
0x1f: {  	v31 =	vadd.s32 $0x5E9, v0;
	v32 =	vadd.s32 $0xA29, v0;
	v20 =	vadd.s32 $0x1430, v3;
	[tilespmem:$0x1FFB0] =	vst v19;
	s6 =	sadd.s32 s4, s7;
	s7 =	sadd.s32 $0x9100, s7;
	s8 =	smax.u32 s9, $0x1  }
0x20: {  	v33 =	vadd.s32 $0xE69, v0;
	v34 =	vadd.s32 $0x12A9, v0;
	[tilespmem:$0x1FFC0] =	vst v20;
	s9 =	simm.s32 $0x2D80;
	s4 =	sadd.s32 $0x400, s6;
	s6 =	sadd.s32 $0x4C00, s6  }
.LBB2_2:
0x21: {  	[tilespmem:s9], [sflag:$0x1] =	stream.linear.gather [hbm4b:s2+s3], $0x80, $0x38;
	[tilespmem:$0x4680] =	vst v63  }
0x22: {  	s17 =	simm.s32 @p0 $0x0  }
0x23: {  	[tilespmem:s17], [sflag:$0x2] =	stream.linear.gather @p0 [hbm4b:s5+s17], $0x380, $0x38;
	[tilespmem:$0x4680] =	vst v63  }
0x24: {  	s18 =	simm.s32 @p0 $0x400  }
0x25: {  	[tilespmem:s18], [sflag:$0x2] =	stream.linear.gather @p0 [hbm4b:s10+s17], $0x380, $0x38;
	[tilespmem:$0x4680] =	vst v63  }
0x26: {  	s18 =	simm.s32 @p0 $0x800  }
0x27: {  	[tilespmem:s18], [sflag:$0x2] =	stream.linear.gather @p0 [hbm4b:s11+s17], $0x380, $0x38;
	[tilespmem:$0x4680] =	vst v63  }
0x28: {  	s17 =	simm.s32 @p0 $0x2  }
0x29: {  	_ =	swait.ge @p0 [sflag:s17], $0xA80  }
0x2a: {  	[sflag:s17] =	ssyncset.done @p0 $0x0  }
0x2b: {  	[sflag:s17] =	ssyncadd.s32 @p0 $0xFFFFF580;
	s17 =	simm.s32 @!p0 $0x0  }
0x2c: {  	[tilespmem:s17], [sflag:$0x2] =	stream.linear.gather @!p0 [hbm4b:s4+s17], $0x1800, $0x38;
	[tilespmem:$0x4680] =	vst v63  }
0x2d: {  	s17 =	simm.s32 @!p0 $0x2  }
0x2e: {  	_ =	swait.ge @!p0 [sflag:s17], $0x1800  }
0x2f: {  	s31 =	simm.s32 $0x0;
	[sflag:s17] =	ssyncset.done @!p0 $0x0  }
0x30: {  	s18 =	smul.u32 $0x3000, s31;
	[sflag:s17] =	ssyncadd.s32 @!p0 $0xFFFFE800  }
0x31: {  	s17 =	simm.s32 $0x0;
	_ =	swait.ge [sflag:s12], $0x80  }
0x32: {  	s18 =	sshra.s32 s18, $0x2;
	s19 =	sand.u32 $0x380, s17;
	[sflag:s12] =	ssyncset.done $0x0  }
0x33: {  	s19 =	sor.u32 s19, s18;
	[sflag:s12] =	ssyncadd.s32 $0xFFFFFF80  }
0x34: {  	v2 =	vadd.s32 s17, v3;
	v1 =	vld [tilespmem:s19+$0x0];
	_ =	sdelay $0x4  }
0x35: {  	[tilespmem:v2+s13+$0x0] =	vst.idx.msk $0xffff, v1  }
0x36: {  	v2 =	vadd.s32 s17, v4;
	v1 =	vld [tilespmem:s19+$0x10];
	_ =	sdelay $0x4  }
0x37: {  	[tilespmem:v2+s13+$0x0] =	vst.idx.msk $0xffff, v1  }
0x38: {  	v2 =	vadd.s32 s17, v5;
	v1 =	vld [tilespmem:s19+$0x20];
	_ =	sdelay $0x4  }
0x39: {  	[tilespmem:v2+s13+$0x0] =	vst.idx.msk $0xffff, v1  }
0x3a: {  	v2 =	vadd.s32 s17, v6;
	v1 =	vld [tilespmem:s19+$0x30];
	_ =	sdelay $0x4  }
0x3b: {  	[tilespmem:v2+s13+$0x0] =	vst.idx.msk $0xffff, v1  }
0x3c: {  	v2 =	vadd.s32 s17, v7;
	v1 =	vld [tilespmem:s19+$0x40];
	_ =	sdelay $0x4  }
0x3d: {  	[tilespmem:v2+s13+$0x0] =	vst.idx.msk $0xffff, v1  }
0x3e: {  	v2 =	vadd.s32 s17, v8;
	v1 =	vld [tilespmem:s19+$0x50];
	_ =	sdelay $0x4  }
0x3f: {  	[tilespmem:v2+s13+$0x0] =	vst.idx.msk $0xffff, v1  }
0x40: {  	v2 =	vadd.s32 s17, v9;
	v1 =	vld [tilespmem:s19+$0x60];
	_ =	sdelay $0x4  }
0x41: {  	[tilespmem:v2+s13+$0x0] =	vst.idx.msk $0xffff, v1  }
0x42: {  	v2 =	vadd.s32 s17, v10;
	v1 =	vld [tilespmem:s19+$0x70];
	_ =	sdelay $0x4  }
0x43: {  	[tilespmem:v2+s13+$0x0] =	vst.idx.msk $0xffff, v1  }
0x44: {  	v2 =	vadd.s32 s17, v11;
	v1 =	vld [tilespmem:s19+$0x400];
	_ =	sdelay $0x4  }
0x45: {  	[tilespmem:v2+s13+$0x0] =	vst.idx.msk $0xffff, v1  }
0x46: {  	v2 =	vadd.s32 s17, v12;
	v1 =	vld [tilespmem:s19+$0x410];
	_ =	sdelay $0x4  }
0x47: {  	[tilespmem:v2+s13+$0x0] =	vst.idx.msk $0xffff, v1  }
0x48: {  	v2 =	vadd.s32 s17, v35;
	v1 =	vld [tilespmem:s19+$0x420];
	_ =	sdelay $0x4  }
0x49: {  	[tilespmem:v2+s13+$0x0] =	vst.idx.msk $0xffff, v1  }
0x4a: {  	v2 =	vadd.s32 s17, v36;
	v1 =	vld [tilespmem:s19+$0x430];
	_ =	sdelay $0x4  }
0x4b: {  	[tilespmem:v2+s13+$0x0] =	vst.idx.msk $0xffff, v1  }
0x4c: {  	v2 =	vadd.s32 s17, v13;
	v1 =	vld [tilespmem:s19+$0x440];
	_ =	sdelay $0x4  }
0x4d: {  	[tilespmem:v2+s13+$0x0] =	vst.idx.msk $0xffff, v1  }
0x4e: {  	v2 =	vadd.s32 s17, v14;
	v1 =	vld [tilespmem:s19+$0x450];
	_ =	sdelay $0x4  }
0x4f: {  	[tilespmem:v2+s13+$0x0] =	vst.idx.msk $0xffff, v1  }
0x50: {  	v2 =	vadd.s32 s17, v15;
	v1 =	vld [tilespmem:s19+$0x460];
	_ =	sdelay $0x4  }
0x51: {  	[tilespmem:v2+s13+$0x0] =	vst.idx.msk $0xffff, v1  }
0x52: {  	v2 =	vadd.s32 s17, v16;
	v1 =	vld [tilespmem:s19+$0x470];
	_ =	sdelay $0x4  }
0x53: {  	[tilespmem:v2+s13+$0x0] =	vst.idx.msk $0xffff, v1  }
0x54: {  	v2 =	vadd.s32 s17, v17;
	v1 =	vld [tilespmem:s19+$0x800];
	_ =	sdelay $0x4  }
0x55: {  	[tilespmem:v2+s13+$0x0] =	vst.idx.msk $0xffff, v1  }
0x56: {  	v2 =	vadd.s32 s17, v18;
	v1 =	vld [tilespmem:s19+$0x810];
	_ =	sdelay $0x4  }
0x57: {  	[tilespmem:v2+s13+$0x0] =	vst.idx.msk $0xffff, v1  }
0x58: {  	v2 =	vadd.s32 s17, v19;
	v1 =	vld [tilespmem:s19+$0x820];
	_ =	sdelay $0x4  }
0x59: {  	[tilespmem:v2+s13+$0x0] =	vst.idx.msk $0xffff, v1  }
0x5a: {  	s21 =	simm.s32 $0x0;
	v2 =	vadd.s32 s17, v20;
	v1 =	vld [tilespmem:s19+$0x830]  }
0x5b: {  	s20 =	simm.s32 $0x2;
	s18 =	simm.s32 $0x1;
	s19 =	simm.s32 $0x0  }
.LBB2_3:
0x5c: {  	p1 =	sne.s32 s20, $0xF;
	s21 =	smul.u32 $0x3000, s21  }
0x5d: {  	s19 =	sadd.s32 $0x80, s19  }
0x5e: {  	s22 =	sand.u32 $0x380, s19;
	s21 =	sshra.s32 s21, $0x2  }
0x5f: {  	s21 =	sor.u32 s22, s21;
	[tilespmem:v2+s13+$0x0] =	vst.idx.msk $0xffff, v1  }
0x60: {  	v2 =	vadd.s32 s18, v3;
	v1 =	vld [tilespmem:s21+$0x0];
	_ =	sdelay $0x4  }
0x61: {  	[tilespmem:v2+s13+$0x0] =	vst.idx.msk $0xffff, v1  }
0x62: {  	v2 =	vadd.s32 s18, v4;
	v1 =	vld [tilespmem:s21+$0x10];
	_ =	sdelay $0x4  }
0x63: {  	[tilespmem:v2+s13+$0x0] =	vst.idx.msk $0xffff, v1  }
0x64: {  	v2 =	vadd.s32 s18, v5;
	v1 =	vld [tilespmem:s21+$0x20];
	_ =	sdelay $0x4  }
0x65: {  	[tilespmem:v2+s13+$0x0] =	vst.idx.msk $0xffff, v1  }
0x66: {  	v2 =	vadd.s32 s18, v6;
	v1 =	vld [tilespmem:s21+$0x30];
	_ =	sdelay $0x4  }
0x67: {  	[tilespmem:v2+s13+$0x0] =	vst.idx.msk $0xffff, v1  }
0x68: {  	v2 =	vadd.s32 s18, v7;
	v1 =	vld [tilespmem:s21+$0x40];
	_ =	sdelay $0x4  }
0x69: {  	[tilespmem:v2+s13+$0x0] =	vst.idx.msk $0xffff, v1  }
0x6a: {  	v2 =	vadd.s32 s18, v8;
	v1 =	vld [tilespmem:s21+$0x50];
	_ =	sdelay $0x4  }
0x6b: {  	[tilespmem:v2+s13+$0x0] =	vst.idx.msk $0xffff, v1  }
0x6c: {  	v2 =	vadd.s32 s18, v9;
	v1 =	vld [tilespmem:s21+$0x60];
	_ =	sdelay $0x4  }
0x6d: {  	[tilespmem:v2+s13+$0x0] =	vst.idx.msk $0xffff, v1  }
0x6e: {  	v2 =	vadd.s32 s18, v10;
	v1 =	vld [tilespmem:s21+$0x70];
	_ =	sdelay $0x4  }
0x6f: {  	[tilespmem:v2+s13+$0x0] =	vst.idx.msk $0xffff, v1  }
0x70: {  	v2 =	vadd.s32 s18, v11;
	v1 =	vld [tilespmem:s21+$0x400];
	_ =	sdelay $0x4  }
0x71: {  	[tilespmem:v2+s13+$0x0] =	vst.idx.msk $0xffff, v1  }
0x72: {  	v2 =	vadd.s32 s18, v12;
	v1 =	vld [tilespmem:s21+$0x410];
	_ =	sdelay $0x4  }
0x73: {  	[tilespmem:v2+s13+$0x0] =	vst.idx.msk $0xffff, v1  }
0x74: {  	v2 =	vadd.s32 s18, v35;
	v1 =	vld [tilespmem:s21+$0x420];
	_ =	sdelay $0x4  }
0x75: {  	[tilespmem:v2+s13+$0x0] =	vst.idx.msk $0xffff, v1  }
0x76: {  	v2 =	vadd.s32 s18, v36;
	v1 =	vld [tilespmem:s21+$0x430];
	_ =	sdelay $0x4  }
0x77: {  	[tilespmem:v2+s13+$0x0] =	vst.idx.msk $0xffff, v1  }
0x78: {  	v2 =	vadd.s32 s18, v13;
	v1 =	vld [tilespmem:s21+$0x440];
	_ =	sdelay $0x4  }
0x79: {  	[tilespmem:v2+s13+$0x0] =	vst.idx.msk $0xffff, v1  }
0x7a: {  	v2 =	vadd.s32 s18, v14;
	v1 =	vld [tilespmem:s21+$0x450];
	_ =	sdelay $0x4  }
0x7b: {  	[tilespmem:v2+s13+$0x0] =	vst.idx.msk $0xffff, v1  }
0x7c: {  	v2 =	vadd.s32 s18, v15;
	v1 =	vld [tilespmem:s21+$0x460];
	_ =	sdelay $0x4  }
0x7d: {  	[tilespmem:v2+s13+$0x0] =	vst.idx.msk $0xffff, v1  }
0x7e: {  	v2 =	vadd.s32 s18, v16;
	v1 =	vld [tilespmem:s21+$0x470];
	_ =	sdelay $0x4  }
0x7f: {  	[tilespmem:v2+s13+$0x0] =	vst.idx.msk $0xffff, v1  }
0x80: {  	v2 =	vadd.s32 s18, v17;
	v1 =	vld [tilespmem:s21+$0x800];
	_ =	sdelay $0x4  }
0x81: {  	[tilespmem:v2+s13+$0x0] =	vst.idx.msk $0xffff, v1  }
0x82: {  	v2 =	vadd.s32 s18, v18;
	v1 =	vld [tilespmem:s21+$0x810];
	_ =	sdelay $0x4  }
0x83: {  	[tilespmem:v2+s13+$0x0] =	vst.idx.msk $0xffff, v1  }
0x84: {  	v2 =	vadd.s32 s18, v19;
	v1 =	vld [tilespmem:s21+$0x820];
	_ =	sdelay $0x2  }
.Ltmp1:
0x85: {  	(pc) =	sbr.rel @p1 .LBB2_3-.Ltmp1, $4  }
0x86: {  	_ = 	snop  }
0x87: {  	[tilespmem:v2+s13+$0x0] =	vst.idx.msk $0xffff, v1  }
0x88: {  	v2 =	vadd.s32 s18, v20;
	s18 =	smov.u32 s20;
	v1 =	vld [tilespmem:s21+$0x830]  }
0x89: {  	s20 =	sadd.s32 $0x1, s20;
	s21 =	sshrl.u32 s18, $0x3  }
0x8a: {  	_ = 	snop  }
0x8b: {  	s20 =	smul.u32 $0x3000, s21  }
0x8c: {  	s19 =	sadd.s32 $0x80, s19  }
0x8d: {  	s19 =	sand.u32 $0x380, s19;
	s20 =	sshra.s32 s20, $0x2  }
0x8e: {  	s19 =	sor.u32 s19, s20;
	[tilespmem:v2+s13+$0x0] =	vst.idx.msk $0xffff, v1  }
0x8f: {  	v2 =	vadd.s32 s18, v3;
	v1 =	vld [tilespmem:s19+$0x0];
	_ =	sdelay $0x4  }
0x90: {  	[tilespmem:v2+s13+$0x0] =	vst.idx.msk $0xffff, v1  }
0x91: {  	v2 =	vadd.s32 s18, v4;
	v1 =	vld [tilespmem:s19+$0x10];
	_ =	sdelay $0x4  }
0x92: {  	[tilespmem:v2+s13+$0x0] =	vst.idx.msk $0xffff, v1  }
0x93: {  	v2 =	vadd.s32 s18, v5;
	v1 =	vld [tilespmem:s19+$0x20];
	_ =	sdelay $0x4  }
0x94: {  	[tilespmem:v2+s13+$0x0] =	vst.idx.msk $0xffff, v1  }
0x95: {  	v2 =	vadd.s32 s18, v6;
	v1 =	vld [tilespmem:s19+$0x30];
	_ =	sdelay $0x4  }
0x96: {  	[tilespmem:v2+s13+$0x0] =	vst.idx.msk $0xffff, v1  }
0x97: {  	v2 =	vadd.s32 s18, v7;
	v1 =	vld [tilespmem:s19+$0x40];
	_ =	sdelay $0x4  }
0x98: {  	[tilespmem:v2+s13+$0x0] =	vst.idx.msk $0xffff, v1  }
0x99: {  	v2 =	vadd.s32 s18, v8;
	v1 =	vld [tilespmem:s19+$0x50];
	_ =	sdelay $0x4  }
0x9a: {  	[tilespmem:v2+s13+$0x0] =	vst.idx.msk $0xffff, v1  }
0x9b: {  	v2 =	vadd.s32 s18, v9;
	v1 =	vld [tilespmem:s19+$0x60];
	_ =	sdelay $0x4  }
0x9c: {  	[tilespmem:v2+s13+$0x0] =	vst.idx.msk $0xffff, v1  }
0x9d: {  	v2 =	vadd.s32 s18, v10;
	v1 =	vld [tilespmem:s19+$0x70];
	_ =	sdelay $0x4  }
0x9e: {  	[tilespmem:v2+s13+$0x0] =	vst.idx.msk $0xffff, v1  }
0x9f: {  	v2 =	vadd.s32 s18, v11;
	v1 =	vld [tilespmem:s19+$0x400];
	_ =	sdelay $0x4  }
0xa0: {  	[tilespmem:v2+s13+$0x0] =	vst.idx.msk $0xffff, v1  }
0xa1: {  	v2 =	vadd.s32 s18, v12;
	v1 =	vld [tilespmem:s19+$0x410];
	_ =	sdelay $0x4  }
0xa2: {  	[tilespmem:v2+s13+$0x0] =	vst.idx.msk $0xffff, v1  }
0xa3: {  	v2 =	vadd.s32 s18, v35;
	v1 =	vld [tilespmem:s19+$0x420];
	_ =	sdelay $0x4  }
0xa4: {  	[tilespmem:v2+s13+$0x0] =	vst.idx.msk $0xffff, v1  }
0xa5: {  	v2 =	vadd.s32 s18, v36;
	v1 =	vld [tilespmem:s19+$0x430];
	_ =	sdelay $0x4  }
0xa6: {  	[tilespmem:v2+s13+$0x0] =	vst.idx.msk $0xffff, v1  }
0xa7: {  	v2 =	vadd.s32 s18, v13;
	v1 =	vld [tilespmem:s19+$0x440];
	_ =	sdelay $0x4  }
0xa8: {  	[tilespmem:v2+s13+$0x0] =	vst.idx.msk $0xffff, v1  }
0xa9: {  	v2 =	vadd.s32 s18, v14;
	v1 =	vld [tilespmem:s19+$0x450];
	_ =	sdelay $0x4  }
0xaa: {  	[tilespmem:v2+s13+$0x0] =	vst.idx.msk $0xffff, v1  }
0xab: {  	v2 =	vadd.s32 s18, v15;
	v1 =	vld [tilespmem:s19+$0x460];
	_ =	sdelay $0x4  }
0xac: {  	[tilespmem:v2+s13+$0x0] =	vst.idx.msk $0xffff, v1  }
0xad: {  	v2 =	vadd.s32 s18, v16;
	v1 =	vld [tilespmem:s19+$0x470];
	_ =	sdelay $0x4  }
0xae: {  	[tilespmem:v2+s13+$0x0] =	vst.idx.msk $0xffff, v1  }
0xaf: {  	v2 =	vadd.s32 s18, v17;
	v1 =	vld [tilespmem:s19+$0x800];
	_ =	sdelay $0x4  }
0xb0: {  	[tilespmem:v2+s13+$0x0] =	vst.idx.msk $0xffff, v1  }
0xb1: {  	v2 =	vadd.s32 s18, v18;
	v1 =	vld [tilespmem:s19+$0x810];
	_ =	sdelay $0x4  }
0xb2: {  	[tilespmem:v2+s13+$0x0] =	vst.idx.msk $0xffff, v1  }
0xb3: {  	v2 =	vadd.s32 s18, v19;
	v1 =	vld [tilespmem:s19+$0x820];
	_ =	sdelay $0x4  }
0xb4: {  	[tilespmem:v2+s13+$0x0] =	vst.idx.msk $0xffff, v1  }
0xb5: {  	v2 =	vadd.s32 s18, v20;
	v1 =	vld [tilespmem:s19+$0x830]  }
0xb6: {  	v3 =	vadd.s32 s17, v24  }
0xb7: {  	v4 =	vadd.s32 s17, v23  }
0xb8: {  	v5 =	vadd.s32 s17, v22  }
0xb9: {  	v6 =	vadd.s32 s17, v21  }
0xba: {  	s31 =	simm.s32 $0x11;
	v7 =	vadd.s32 s17, v0;
	[tilespmem:v2+s13+$0x0] =	vst.idx.msk $0xffff, v1  }
0xbb: {  	v63 =	vadd.s32 s31, v24;
	v8 =	vld.idx.msk [tilespmem:v3+s13+$0x0], $0xffff  }
0xbc: {  	v40 =	vadd.s32 s31, v23;
	v2 =	vld.idx.msk [tilespmem:v4+s13+$0x0], $0xffff  }
0xbd: {  	v41 =	vadd.s32 s31, v22;
	v37 =	vld.idx.msk [tilespmem:v5+s13+$0x0], $0xffff  }
0xbe: {  	v43 =	vimm.f32 $0.0e+00;
	v38 =	vadd.s32 s31, v21;
	v42 =	vadd.s32 s31, v0;
	v3 =	vld.idx.msk [tilespmem:v6+s13+$0x0], $0xffff  }
0xbf: {  	v35 =	vimm.f32 $0.0e+00;
	v36 =	vimm.f32 $0.0e+00;
	v1 =	vimm.f32 $0.0e+00;
	v39 =	vld.idx.msk [tilespmem:v7+s13+$0x0], $0xffff  }
0xc0: {  	s17 =	simm.s32 $0x22;
	v6 =	vld.idx.msk [tilespmem:v63+s13+$0x0], $0xffff;
	v5 =	vimm.f32 $0.0e+00;
	v4 =	vimm.f32 $0.0e+00;
	v7 =	vmul.f32 v8, v8  }
.LBB2_5:
0xc1: {  	v8 =	vadd.s32 s17, v24;
	v44 =	vmov v2;
	v2 =	vld.idx.msk [tilespmem:v40+s13+$0x0], $0xffff;
	p1 =	sne.s32 s17, $0x42F  }
.Ltmp2:
0xc2: {  	v40 =	vadd.s32 s17, v23;
	v43 =	vadd.f32 v7, v43;
	v7 =	vmov v37;
	v37 =	vld.idx.msk [tilespmem:v41+s13+$0x0], $0xffff;
	(pc) =	sbr.rel @p1 .LBB2_5-.Ltmp2, $4  }
0xc3: {  	v41 =	vadd.s32 s17, v22;
	v44 =	vmul.f32 v44, v44;
	v45 =	vmovc v3;
	v7 =	vmul.f32 v7, v7;
	v3 =	vld.idx.msk [tilespmem:v38+s13+$0x0], $0xffff  }
0xc4: {  	v38 =	vadd.s32 s17, v21;
	v46 =	vmul.f32 v39, v39;
	v45 =	vmul.f32 v45, v45;
	v39 =	vld.idx.msk [tilespmem:v42+s13+$0x0], $0xffff  }
0xc5: {  	v42 =	vadd.s32 s17, v0;
	s17 =	sadd.s32 $0x11, s17;
	v5 =	vadd.f32 v44, v5;
	v36 =	vadd.f32 v7, v36  }
0xc6: {  	v7 =	vmul.f32 v6, v6;
	v35 =	vadd.f32 v46, v35;
	v4 =	vadd.f32 v45, v4;
	v6 =	vld.idx.msk [tilespmem:v8+s13+$0x0], $0xffff  }
0xc7: {  	_ =	sdelay $0x2  }
0xc8: {  	s18 =	simm.s32 $0x0  }
0xc9: {  	v40 =	vld.idx.msk [tilespmem:v40+s13+$0x0], $0xffff;
	v37 =	vmul.f32 v37, v37;
	v8 =	vmov s18  }
0xca: {  	v2 =	vmul.f32 v2, v2;
	v42 =	vld.idx.msk [tilespmem:v42+s13+$0x0], $0xffff;
	v44 =	vadd.s32 s18, v24;
	v8 =	vadd.s32 $0x8, v8  }
0xcb: {  	v41 =	vld.idx.msk [tilespmem:v41+s13+$0x0], $0xffff;
	v7 =	vadd.f32 v7, v43;
	v49 =	vadd.s32 s18, v0;
	v8 =	vbroadcast v8, $0x0  }
0xcc: {  	v38 =	vld.idx.msk [tilespmem:v38+s13+$0x0], $0xffff;
	v3 =	vmul.f32 v3, v3;
	v45 =	vadd.s32 s18, v21;
	v6 =	vmul.f32 v6, v6  }
0xcd: {  	v50 =	vadd.s32 s18, v22;
	v39 =	vmul.f32 v39, v39;
	v2 =	vadd.f32 v2, v5  }
0xce: {  	v3 =	vadd.f32 v3, v4;
	v4 =	vadd.f32 v6, v7;
	v6 =	vmul.f32 v40, v40  }
0xcf: {  	v36 =	vadd.f32 v37, v36;
	v5 =	vadd.f32 v39, v35;
	v52 =	vld.idx.msk [tilespmem:v44+s13+$0x0], $0xffff;
	v7 =	vmul.f32 v42, v42  }
0xd0: {  	v51 =	vadd.s32 s18, v23;
	v53 =	vld.idx.msk [tilespmem:v49+s13+$0x0], $0xffff;
	[tilespmem:$0x1FE40] =	vst v4;
	v4 =	vmul.f32 v41, v41;
	v2 =	vadd.f32 v6, v2  }
0xd1: {  	v38 =	vmul.f32 v38, v38;
	v8 =	vld.idx.msk [tilespmem:v8+s9+$0x0], $0xffff  }
0xd2: {  	s19 =	simm.s32 $0x1;
	s20 =	simm.s32 $0x11;
	v4 =	vadd.f32 v4, v36;
	[tilespmem:$0x1FE60] =	vst v2;
	v2 =	vadd.f32 v7, v5;
	v5 =	vld.idx.msk [tilespmem:v50+s13+$0x0], $0xffff  }
0xd3: {  	v54 =	vmov s19;
	v56 =	vadd.s32 s20, v24  }
0xd4: {  	v57 =	vadd.s32 s20, v21;
	v55 =	vadd.s32 $0x8, v54;
	v3 =	vadd.f32 v38, v3;
	[tilespmem:$0x1FE50] =	vst v4;
	v4 =	vld.idx.msk [tilespmem:v45+s13+$0x0], $0xffff  }
0xd5: {  	v58 =	vadd.s32 s20, v22;
	v59 =	vadd.s32 s20, v23;
	v6 =	vld.idx.msk [tilespmem:v51+s13+$0x0], $0xffff;
	[tilespmem:$0x1FE70] =	vst v2;
	v2 =	vbroadcast v55, $0x0  }
0xd6: {  	[tilespmem:$0x1FE80] =	vst v3;
	v40 =	vmul.f32 v53, v53;
	v3 =	vsub.f32 v52, v8;
	v60 =	vsub.f32 v53, v8  }
0xd7: {  	v7 =	vadd.s32 s20, v0;
	v39 =	vmul.f32 v52, v52;
	v48 =	vmul.f32 v5, v5  }
0xd8: {  	v35 =	vadd.f32 v40, v1;
	v3 =	vmul.f32 v3, v3;
	v36 =	vmul.f32 v60, v60  }
0xd9: {  	v44 =	vld.idx.msk [tilespmem:v56+s13+$0x0], $0xffff;
	v61 =	vsub.f32 v4, v8;
	v62 =	vmul.f32 v4, v4;
	v4 =	vsub.f32 v5, v8  }
0xda: {  	v46 =	vld.idx.msk [tilespmem:v58+s13+$0x0], $0xffff;
	v8 =	vsub.f32 v6, v8;
	v6 =	vmul.f32 v6, v6;
	v42 =	vadd.f32 v48, v1  }
0xdb: {  	v3 =	vadd.f32 v3, v1;
	v2 =	vld.idx.msk [tilespmem:v2+s9+$0x0], $0xffff;
	v41 =	vmul.f32 v61, v61;
	v63 =	vmul.f32 v4, v4  }
0xdc: {  	s17 =	simm.s32 $0x2;
	v45 =	vld.idx.msk [tilespmem:v59+s13+$0x0], $0xffff;
	v36 =	vadd.f32 v36, v1;
	v5 =	vmul.f32 v8, v8;
	v43 =	vadd.f32 v6, v1  }
0xdd: {  	v47 =	vld.idx.msk [tilespmem:v7+s13+$0x0], $0xffff;
	v7 =	vmov s17;
	v40 =	vadd.f32 v41, v1;
	v37 =	vadd.f32 v63, v1  }
0xde: {  	s21 =	simm.s32 $0x3;
	v4 =	vld.idx.msk [tilespmem:v57+s13+$0x0], $0xffff;
	v41 =	vadd.f32 v62, v1;
	v38 =	vadd.f32 v5, v1;
	v5 =	vadd.s32 $0x8, v7  }
.LBB2_7:
0xdf: {  	p1 =	sne.s32 s21, $0xC;
	v5 =	vbroadcast v5, $0x0;
	v1 =	vadd.f32 v39, v1  }
0xe0: {  	v6 =	vsub.f32 v44, v2;
	v39 =	vmul.f32 v44, v44;
	s20 =	sadd.s32 $0x11, s20  }
0xe1: {  	v7 =	vadd.s32 s20, v0;
	v8 =	vadd.s32 s20, v21;
	v44 =	vadd.s32 s20, v24  }
0xe2: {  	v48 =	vadd.s32 s20, v22;
	v49 =	vadd.s32 s20, v23;
	v6 =	vmul.f32 v6, v6  }
0xe3: {  	v50 =	vsub.f32 v47, v2;
	v47 =	vmul.f32 v47, v47;
	v53 =	vsub.f32 v4, v2  }
0xe4: {  	v54 =	vmul.f32 v4, v4;
	v4 =	vsub.f32 v46, v2;
	v3 =	vadd.f32 v6, v3  }
0xe5: {  	v6 =	vmul.f32 v50, v50;
	v50 =	vmul.f32 v53, v53;
	v53 =	vsub.f32 v45, v2;
	v2 =	vld.idx.msk [tilespmem:v5+s9+$0x0], $0xffff  }
.Ltmp3:
0xe6: {  	v35 =	vadd.f32 v47, v35;
	v55 =	vmul.f32 v46, v46;
	v5 =	vmul.f32 v4, v4;
	v44 =	vld.idx.msk [tilespmem:v44+s13+$0x0], $0xffff;
	(pc) =	sbr.rel @p1 .LBB2_7-.Ltmp3, $4  }
0xe7: {  	v36 =	vadd.f32 v6, v36;
	v6 =	vmul.f32 v45, v45;
	v47 =	vld.idx.msk [tilespmem:v7+s13+$0x0], $0xffff;
	v7 =	vmul.f32 v53, v53  }
0xe8: {  	v40 =	vadd.f32 v50, v40;
	v37 =	vadd.f32 v5, v37;
	v4 =	vld.idx.msk [tilespmem:v8+s13+$0x0], $0xffff  }
0xe9: {  	v41 =	vadd.f32 v54, v41;
	v5 =	vmov s21;
	v46 =	vld.idx.msk [tilespmem:v48+s13+$0x0], $0xffff;
	v38 =	vadd.f32 v7, v38  }
0xea: {  	v42 =	vadd.f32 v55, v42;
	s21 =	sadd.s32 $0x1, s21;
	v43 =	vadd.f32 v6, v43;
	v5 =	vadd.s32 $0x8, v5;
	v45 =	vld.idx.msk [tilespmem:v49+s13+$0x0], $0xffff  }
0xeb: {  	v5 =	vbroadcast v5, $0x0  }
0xec: {  	s20 =	sadd.s32 $0x11, s20  }
0xed: {  	v6 =	vadd.s32 s20, v24  }
0xee: {  	v8 =	vadd.s32 s20, v0  }
0xef: {  	v7 =	vsub.f32 v44, v2;
	v57 =	vadd.s32 s20, v21  }
0xf0: {  	v1 =	vadd.f32 v39, v1;
	v12 =	vmul.f32 v44, v44;
	v48 =	vadd.s32 s20, v22  }
0xf1: {  	v18 =	vadd.s32 s18, v28;
	v19 =	vmov s18;
	v49 =	vadd.s32 s20, v23;
	v5 =	vld.idx.msk [tilespmem:v5+s9+$0x0], $0xffff  }
0xf2: {  	v52 =	vadd.s32 s18, v26;
	v56 =	vadd.s32 s18, v25;
	v50 =	vsub.f32 v47, v2;
	v6 =	vld.idx.msk [tilespmem:v6+s13+$0x0], $0xffff  }
0xf3: {  	v58 =	vmul.f32 v47, v47;
	v47 =	vadd.s32 $0x15, v19;
	v7 =	vmul.f32 v7, v7;
	v8 =	vld.idx.msk [tilespmem:v8+s13+$0x0], $0xffff  }
0xf4: {  	v53 =	vsub.f32 v4, v2;
	v4 =	vmul.f32 v4, v4;
	v54 =	vsub.f32 v46, v2;
	v62 =	vld.idx.msk [tilespmem:v57+s13+$0x0], $0xffff  }
0xf5: {  	v35 =	vadd.f32 v58, v35;
	v60 =	vmul.f32 v46, v46;
	v2 =	vsub.f32 v45, v2;
	v13 =	vld.idx.msk [tilespmem:v48+s13+$0x0], $0xffff  }
0xf6: {  	v3 =	vadd.f32 v7, v3;
	v7 =	vmul.f32 v50, v50;
	v59 =	vmul.f32 v53, v53;
	v15 =	vld.idx.msk [tilespmem:v49+s13+$0x0], $0xffff  }
0xf7: {  	v4 =	vadd.f32 v4, v41;
	v41 =	vadd.f32 v12, v1;
	v2 =	vmul.f32 v2, v2  }
0xf8: {  	v61 =	vmul.f32 v54, v54;
	v42 =	vadd.f32 v60, v42;
	v14 =	vsub.f32 v6, v5  }
0xf9: {  	v54 =	vadd.s32 s18, v29;
	v7 =	vadd.f32 v7, v36;
	v2 =	vadd.f32 v2, v38  }
0xfa: {  	v16 =	vsub.f32 v8, v5;
	v17 =	vsub.f32 v62, v5;
	v1 =	vmul.f32 v14, v14  }
0xfb: {  	v63 =	vmul.f32 v45, v45;
	v53 =	vsub.f32 v13, v5;
	v5 =	vsub.f32 v15, v5  }
0xfc: {  	v38 =	vmul.f32 v16, v16;
	v1 =	vadd.f32 v1, v3;
	v3 =	vadd.s32 s18, v27  }
0xfd: {  	v46 =	vld.idx.msk [tilespmem:v18+s13+$0x0], $0xffff;
	v40 =	vadd.f32 v59, v40;
	v43 =	vadd.f32 v63, v43;
	v5 =	vmul.f32 v5, v5  }
0xfe: {  	v39 =	vld.idx.msk [tilespmem:v52+s13+$0x0], $0xffff;
	v37 =	vadd.f32 v61, v37;
	v8 =	vmul.f32 v8, v8;
	v7 =	vadd.f32 v38, v7  }
0xff: {  	v58 =	vld.idx.msk [tilespmem:v54+s13+$0x0], $0xffff;
	v44 =	vmul.f32 v13, v13;
	v2 =	vadd.f32 v5, v2;
	[tilespmem:$0x1FDA0] =	vst v1;
	v1 =	vbroadcast v47, $0x0  }
0x100: {  	v36 =	vmul.f32 v62, v62;
	v55 =	vmul.f32 v17, v17;
	v8 =	vadd.f32 v8, v35;
	[tilespmem:$0x1FDC0] =	vst v7  }
0x101: {  	v45 =	vimm.f32 $0.0e+00;
	v7 =	vmul.f32 v15, v15;
	[tilespmem:$0x1FE00] =	vst v2;
	v2 =	vld.idx.msk [tilespmem:v3+s13+$0x0], $0xffff;
	v3 =	vadd.f32 v44, v42  }
0x102: {  	v6 =	vmul.f32 v6, v6;
	v4 =	vadd.f32 v36, v4;
	[tilespmem:$0x1FDB0] =	vst v8;
	v8 =	vmul.f32 v53, v53  }
0x103: {  	v35 =	vimm.f32 $0.0e+00;
	v57 =	vadd.f32 v55, v40;
	[tilespmem:$0x1FE10] =	vst v3;
	v3 =	vadd.f32 v7, v43  }
0x104: {  	[tilespmem:$0x1FDF0] =	vst v4;
	s18 =	simm.s32 $0x11;
	v4 =	vmul.f32 v39, v39;
	v49 =	vmul.f32 v58, v58;
	v8 =	vadd.f32 v8, v37  }
0x105: {  	v59 =	vadd.s32 s18, v28;
	v60 =	vadd.s32 s18, v26;
	v1 =	vld.idx.msk [tilespmem:v1+s9+$0x0], $0xffff;
	[tilespmem:$0x1FE20] =	vst v3;
	v3 =	vadd.f32 v6, v41  }
0x106: {  	v61 =	vadd.s32 s18, v29;
	v47 =	vimm.f32 $0.0e+00;
	[tilespmem:$0x1FDE0] =	vst v8;
	v8 =	vmul.f32 v46, v46;
	v7 =	vld.idx.msk [tilespmem:v56+s13+$0x0], $0xffff  }
0x107: {  	v44 =	vimm.f32 $0.0e+00;
	v42 =	vimm.f32 $0.0e+00;
	[tilespmem:$0x1FE30] =	vst v3;
	v3 =	vmov s19  }
0x108: {  	v36 =	vadd.f32 v8, v35;
	v43 =	vimm.f32 $0.0e+00;
	v3 =	vadd.s32 $0x15, v3  }
0x109: {  	v6 =	vadd.s32 s18, v27;
	v41 =	vimm.f32 $0.0e+00;
	v5 =	vbroadcast v3, $0x0  }
0x10a: {  	v48 =	vmul.f32 v2, v2;
	v3 =	vadd.f32 v4, v35;
	v62 =	vsub.f32 v58, v1  }
0x10b: {  	v40 =	vld.idx.msk [tilespmem:v59+s13+$0x0], $0xffff;
	v4 =	vadd.s32 s18, v25;
	v63 =	vsub.f32 v2, v1;
	v2 =	vmul.f32 v7, v7  }
0x10c: {  	v38 =	vld.idx.msk [tilespmem:v60+s13+$0x0], $0xffff;
	v8 =	vsub.f32 v46, v1;
	v7 =	vsub.f32 v7, v1;
	v53 =	vmul.f32 v62, v62  }
0x10d: {  	[tilespmem:$0x1FDD0] =	vst v57;
	v37 =	vld.idx.msk [tilespmem:v61+s13+$0x0], $0xffff;
	v46 =	vimm.f32 $0.0e+00;
	v2 =	vadd.f32 v2, v35;
	v50 =	vmul.f32 v63, v63  }
.LBB2_9:
0x10e: {  	p1 =	sne.s32 s17, $0xC;
	v54 =	vld.idx.msk [tilespmem:v6+s13+$0x0], $0xffff;
	v6 =	vsub.f32 v39, v1;
	v8 =	vmul.f32 v8, v8;
	v47 =	vadd.f32 v53, v47;
	s19 =	smov.u32 s17;
	s17 =	sadd.s32 $0x1, s17  }
0x10f: {  	v45 =	vadd.f32 v48, v45;
	v1 =	vld.idx.msk [tilespmem:v5+s9+$0x0], $0xffff;
	v5 =	vmul.f32 v7, v7;
	v46 =	vadd.f32 v50, v46  }
0x110: {  	s18 =	sadd.s32 $0x11, s18;
	v44 =	vadd.f32 v49, v44;
	v7 =	vld.idx.msk [tilespmem:v4+s13+$0x0], $0xffff;
	v4 =	vmul.f32 v6, v6;
	v43 =	vadd.f32 v8, v43  }
0x111: {  	v8 =	vadd.s32 s18, v28;
	v49 =	vmul.f32 v40, v40;
	v50 =	vmovc v40;
	v41 =	vadd.f32 v5, v41  }
0x112: {  	v53 =	vadd.s32 s18, v26;
	v5 =	vmov s19;
	v40 =	vmul.f32 v38, v38;
	v39 =	vmovc v38  }
0x113: {  	v55 =	vadd.s32 s18, v29;
	v5 =	vadd.s32 $0x15, v5;
	v42 =	vadd.f32 v4, v42  }
.Ltmp4:
0x114: {  	v6 =	vadd.s32 s18, v27;
	v5 =	vbroadcast v5, $0x0;
	v48 =	vmul.f32 v54, v54;
	(pc) =	sbr.rel @p1 .LBB2_9-.Ltmp4, $4  }
0x115: {  	v4 =	vadd.s32 s18, v25;
	v3 =	vadd.f32 v40, v3;
	v56 =	vsub.f32 v37, v1  }
0x116: {  	v36 =	vadd.f32 v49, v36;
	v54 =	vsub.f32 v54, v1;
	v57 =	vmul.f32 v7, v7;
	v40 =	vld.idx.msk [tilespmem:v8+s13+$0x0], $0xffff  }
0x117: {  	v49 =	vmul.f32 v37, v37;
	v8 =	vsub.f32 v50, v1;
	v38 =	vld.idx.msk [tilespmem:v53+s13+$0x0], $0xffff;
	v53 =	vmul.f32 v56, v56  }
0x118: {  	v7 =	vsub.f32 v7, v1;
	v50 =	vmul.f32 v54, v54;
	v2 =	vadd.f32 v57, v2;
	v37 =	vld.idx.msk [tilespmem:v55+s13+$0x0], $0xffff  }
0x119: {  	_ =	sdelay $0x3  }
0x11a: {  	v39 =	vsub.f32 v39, v1;
	v8 =	vmul.f32 v8, v8;
	v47 =	vadd.f32 v53, v47;
	v4 =	vld.idx.msk [tilespmem:v4+s13+$0x0], $0xffff  }
0x11b: {  	v6 =	vld.idx.msk [tilespmem:v6+s13+$0x0], $0xffff;
	s17 =	simm.s32 $0x0;
	v45 =	vadd.f32 v48, v45;
	v44 =	vadd.f32 v49, v44;
	v7 =	vmul.f32 v7, v7  }
0x11c: {  	v5 =	vld.idx.msk [tilespmem:v5+s9+$0x0], $0xffff;
	v46 =	vadd.f32 v50, v46;
	v1 =	vmov s17;
	v16 =	vadd.s32 s17, v30  }
0x11d: {  	s19 =	simm.s32 $0x11;
	v18 =	vadd.s32 s17, v31;
	v19 =	vadd.s32 s17, v32;
	v10 =	vmul.f32 v38, v38  }
0x11e: {  	v56 =	vadd.s32 s19, v30;
	v8 =	vadd.f32 v8, v43;
	v9 =	vadd.s32 $0x22, v1  }
0x11f: {  	v43 =	vbroadcast v9, $0x0;
	v3 =	vadd.f32 v10, v3;
	v14 =	vmul.f32 v4, v4  }
0x120: {  	v57 =	vadd.s32 s19, v34;
	v58 =	vadd.s32 s19, v31;
	v12 =	vmul.f32 v6, v6  }
0x121: {  	v6 =	vsub.f32 v6, v5;
	[tilespmem:$0x1FD00] =	vst v3;
	v3 =	vadd.s32 s17, v34;
	v2 =	vadd.f32 v14, v2  }
0x122: {  	v39 =	vmul.f32 v39, v39;
	v11 =	vmul.f32 v40, v40;
	v7 =	vadd.f32 v7, v41  }
0x123: {  	v13 =	vsub.f32 v37, v5;
	v4 =	vsub.f32 v4, v5;
	[tilespmem:$0x1FD20] =	vst v2;
	v2 =	vmul.f32 v6, v6  }
0x124: {  	v17 =	vmul.f32 v37, v37;
	v15 =	vsub.f32 v40, v5;
	v5 =	vsub.f32 v38, v5;
	v53 =	vld.idx.msk [tilespmem:v16+s13+$0x0], $0xffff  }
0x125: {  	v4 =	vmul.f32 v4, v4;
	v43 =	vld.idx.msk [tilespmem:v43+s9+$0x0], $0xffff;
	v6 =	vadd.s32 s17, v33;
	v2 =	vadd.f32 v2, v46  }
0x126: {  	s18 =	simm.s32 $0x1;
	v39 =	vadd.f32 v39, v42;
	v36 =	vadd.f32 v11, v36;
	v5 =	vmul.f32 v5, v5;
	v3 =	vld.idx.msk [tilespmem:v3+s13+$0x0], $0xffff  }
0x127: {  	v54 =	vld.idx.msk [tilespmem:v18+s13+$0x0], $0xffff;
	v37 =	vadd.f32 v17, v44;
	v4 =	vadd.f32 v4, v7;
	[tilespmem:$0x1FD50] =	vst v2;
	v2 =	vmov s18  }
0x128: {  	[tilespmem:$0x1FD10] =	vst v36;
	v36 =	vmul.f32 v15, v15;
	v5 =	vadd.f32 v5, v39;
	v55 =	vadd.s32 $0x22, v2  }
0x129: {  	v42 =	vmul.f32 v13, v13;
	v52 =	vadd.f32 v12, v45;
	v7 =	vld.idx.msk [tilespmem:v19+s13+$0x0], $0xffff;
	[tilespmem:$0x1FD80] =	vst v4;
	v4 =	vbroadcast v55, $0x0  }
0x12a: {  	v59 =	vadd.s32 s19, v32;
	v8 =	vadd.f32 v36, v8;
	[tilespmem:$0x1FD90] =	vst v5;
	v38 =	vmul.f32 v53, v53;
	v5 =	vld.idx.msk [tilespmem:v6+s13+$0x0], $0xffff  }
0x12b: {  	v60 =	vadd.s32 s19, v33;
	v51 =	vadd.f32 v42, v47;
	v6 =	vsub.f32 v3, v43  }
0x12c: {  	[tilespmem:$0x1FD60] =	vst v8;
	v8 =	vmul.f32 v54, v54;
	v36 =	vadd.f32 v38, v35;
	v61 =	vsub.f32 v54, v43  }
0x12d: {  	v48 =	vld.idx.msk [tilespmem:v56+s13+$0x0], $0xffff;
	v44 =	vmul.f32 v3, v3;
	v3 =	vmul.f32 v6, v6;
	v6 =	vsub.f32 v53, v43  }
0x12e: {  	[tilespmem:$0x1FD70] =	vst v37;
	v62 =	vsub.f32 v7, v43;
	v7 =	vmul.f32 v7, v7;
	v42 =	vmul.f32 v61, v61  }
0x12f: {  	v41 =	vadd.f32 v8, v35;
	v43 =	vsub.f32 v5, v43;
	v37 =	vld.idx.msk [tilespmem:v4+s9+$0x0], $0xffff;
	v6 =	vmul.f32 v6, v6  }
0x130: {  	v46 =	vmul.f32 v62, v62;
	v45 =	vadd.f32 v7, v35;
	v39 =	vadd.f32 v42, v35;
	v4 =	vld.idx.msk [tilespmem:v57+s13+$0x0], $0xffff  }
0x131: {  	v49 =	vld.idx.msk [tilespmem:v58+s13+$0x0], $0xffff;
	s18 =	simm.s32 $0x2;
	v63 =	vmul.f32 v5, v5;
	v38 =	vadd.f32 v6, v35;
	v6 =	vmul.f32 v43, v43  }
0x132: {  	[tilespmem:$0x1FD40] =	vst v52;
	v47 =	vld.idx.msk [tilespmem:v60+s13+$0x0], $0xffff;
	v40 =	vadd.f32 v46, v35;
	v5 =	vmov s18;
	v3 =	vadd.f32 v3, v35  }
0x133: {  	s20 =	simm.s32 $0x3;
	[tilespmem:$0x1FD30] =	vst v51;
	v46 =	vld.idx.msk [tilespmem:v59+s13+$0x0], $0xffff;
	v5 =	vadd.s32 $0x22, v5;
	v43 =	vadd.f32 v63, v35;
	v42 =	vadd.f32 v6, v35  }
.LBB2_11:
0x134: {  	p1 =	sne.s32 s20, $0xC;
	v5 =	vbroadcast v5, $0x0;
	v35 =	vadd.f32 v44, v35  }
0x135: {  	v6 =	vsub.f32 v4, v37;
	v44 =	vmul.f32 v4, v4;
	s19 =	sadd.s32 $0x11, s19  }
0x136: {  	v7 =	vadd.s32 s19, v30;
	v8 =	vadd.s32 s19, v31;
	v4 =	vadd.s32 s19, v34  }
0x137: {  	v50 =	vadd.s32 s19, v32;
	v53 =	vadd.s32 s19, v33;
	v6 =	vmul.f32 v6, v6  }
0x138: {  	v54 =	vsub.f32 v48, v37;
	v48 =	vmul.f32 v48, v48;
	v55 =	vsub.f32 v49, v37  }
0x139: {  	v56 =	vmul.f32 v49, v49;
	v49 =	vsub.f32 v46, v37;
	v3 =	vadd.f32 v6, v3  }
0x13a: {  	v6 =	vmul.f32 v54, v54;
	v54 =	vmul.f32 v55, v55;
	v55 =	vsub.f32 v47, v37;
	v37 =	vld.idx.msk [tilespmem:v5+s9+$0x0], $0xffff  }
.Ltmp5:
0x13b: {  	v36 =	vadd.f32 v48, v36;
	v57 =	vmul.f32 v46, v46;
	v5 =	vmul.f32 v49, v49;
	v4 =	vld.idx.msk [tilespmem:v4+s13+$0x0], $0xffff;
	(pc) =	sbr.rel @p1 .LBB2_11-.Ltmp5, $4  }
0x13c: {  	v38 =	vadd.f32 v6, v38;
	v6 =	vmul.f32 v47, v47;
	v48 =	vld.idx.msk [tilespmem:v7+s13+$0x0], $0xffff;
	v7 =	vmul.f32 v55, v55  }
0x13d: {  	v39 =	vadd.f32 v54, v39;
	v40 =	vadd.f32 v5, v40;
	v49 =	vld.idx.msk [tilespmem:v8+s13+$0x0], $0xffff  }
0x13e: {  	v41 =	vadd.f32 v56, v41;
	v5 =	vmov s20;
	v46 =	vld.idx.msk [tilespmem:v50+s13+$0x0], $0xffff;
	v42 =	vadd.f32 v7, v42  }
0x13f: {  	v45 =	vadd.f32 v57, v45;
	s20 =	sadd.s32 $0x1, s20;
	v43 =	vadd.f32 v6, v43;
	v5 =	vadd.s32 $0x22, v5;
	v47 =	vld.idx.msk [tilespmem:v53+s13+$0x0], $0xffff  }
0x140: {  	v5 =	vbroadcast v5, $0x0  }
0x141: {  	s19 =	sadd.s32 $0x11, s19  }
0x142: {  	v6 =	vadd.s32 s19, v34;
	_ =	sdelay $0x3  }
0x143: {  	v60 =	vadd.s32 s19, v30;
	v5 =	vld.idx.msk [tilespmem:v5+s9+$0x0], $0xffff  }
0x144: {  	v7 =	vadd.f32 v44, v35;
	v8 =	vsub.f32 v4, v37;
	v4 =	vmul.f32 v4, v4;
	v6 =	vld.idx.msk [tilespmem:v6+s13+$0x0], $0xffff  }
0x145: {  	v1 =	vadd.s32 $0x2F, v1;
	v61 =	vadd.s32 s19, v31;
	v50 =	vadd.s32 s19, v32  }
0x146: {  	v53 =	vadd.s32 s19, v33;
	v54 =	vsub.f32 v48, v37;
	v62 =	vmul.f32 v48, v48  }
0x147: {  	v1 =	vbroadcast v1, $0x0;
	v48 =	vimm.f32 $0.0e+00;
	v8 =	vmul.f32 v8, v8  }
0x148: {  	v55 =	vsub.f32 v49, v37;
	v63 =	vmul.f32 v49, v49;
	v4 =	vadd.f32 v4, v7;
	v35 =	vld.idx.msk [tilespmem:v60+s13+$0x0], $0xffff  }
0x149: {  	v56 =	vsub.f32 v46, v37;
	v54 =	vmul.f32 v54, v54;
	v19 =	vsub.f32 v6, v5  }
0x14a: {  	v36 =	vadd.f32 v62, v36;
	v15 =	vmul.f32 v46, v46;
	v12 =	vsub.f32 v47, v37  }
0x14b: {  	v3 =	vadd.f32 v8, v3;
	v13 =	vmul.f32 v55, v55;
	v7 =	vmul.f32 v19, v19  }
0x14c: {  	v16 =	vmul.f32 v47, v47;
	v41 =	vadd.f32 v63, v41;
	v38 =	vadd.f32 v54, v38;
	v44 =	vld.idx.msk [tilespmem:v61+s13+$0x0], $0xffff  }
0x14d: {  	v14 =	vmul.f32 v56, v56;
	v18 =	vld.idx.msk [tilespmem:v53+s13+$0x0], $0xffff;
	v53 =	vsub.f32 v35, v5;
	v3 =	vadd.f32 v7, v3  }
0x14e: {  	v45 =	vadd.f32 v15, v45;
	v37 =	vmul.f32 v12, v12;
	v8 =	vadd.f32 v13, v39;
	v17 =	vld.idx.msk [tilespmem:v50+s13+$0x0], $0xffff  }
0x14f: {  	v52 =	vadd.f32 v16, v43;
	v39 =	vadd.s32 $0xB06, v0;
	[tilespmem:$0x1FC60] =	vst v3;
	v3 =	vmul.f32 v53, v53  }
0x150: {  	v40 =	vadd.f32 v14, v40;
	v42 =	vadd.f32 v37, v42;
	v37 =	vadd.s32 $0x286, v0  }
0x151: {  	v61 =	vadd.s32 s17, v39;
	v59 =	vadd.s32 s17, v37;
	v3 =	vadd.f32 v3, v38  }
0x152: {  	v35 =	vmul.f32 v35, v35;
	v54 =	vsub.f32 v44, v5;
	v44 =	vmul.f32 v44, v44  }
0x153: {  	v55 =	vsub.f32 v17, v5;
	v5 =	vsub.f32 v18, v5;
	[tilespmem:$0x1FC80] =	vst v3;
	v3 =	vadd.s32 $0x1386, v0  }
0x154: {  	v35 =	vadd.f32 v35, v36;
	v7 =	vmul.f32 v54, v54;
	v58 =	vadd.s32 s17, v3  }
0x155: {  	v6 =	vmul.f32 v6, v6;
	v5 =	vmul.f32 v5, v5;
	v62 =	vadd.f32 v44, v41  }
0x156: {  	v47 =	vmul.f32 v17, v17;
	v36 =	vadd.s32 $0xF46, v0;
	[tilespmem:$0x1FC70] =	vst v35;
	v7 =	vadd.f32 v7, v8  }
0x157: {  	v63 =	vadd.s32 s17, v36;
	v35 =	vadd.s32 $0x6C6, v0;
	[tilespmem:$0x1FCB0] =	vst v62;
	v5 =	vadd.f32 v5, v42  }
0x158: {  	v43 =	vld.idx.msk [tilespmem:v1+s9+$0x0], $0xffff;
	v56 =	vmul.f32 v55, v55;
	v4 =	vadd.f32 v6, v4;
	[tilespmem:$0x1FC90] =	vst v7;
	v7 =	vadd.s32 s17, v35  }
0x159: {  	v46 =	vimm.f32 $0.0e+00;
	v57 =	vmul.f32 v18, v18;
	[tilespmem:$0x1FCC0] =	vst v5;
	v5 =	vadd.f32 v47, v45;
	v53 =	vld.idx.msk [tilespmem:v58+s13+$0x0], $0xffff  }
0x15a: {  	v1 =	vimm.f32 $0.0e+00;
	v44 =	vimm.f32 $0.0e+00;
	v60 =	vadd.f32 v56, v40;
	[tilespmem:$0x1FCF0] =	vst v4;
	v4 =	vld.idx.msk [tilespmem:v59+s13+$0x0], $0xffff  }
0x15b: {  	v49 =	vld.idx.msk [tilespmem:v61+s13+$0x0], $0xffff;
	v41 =	vimm.f32 $0.0e+00;
	v42 =	vimm.f32 $0.0e+00;
	[tilespmem:$0x1FCD0] =	vst v5;
	v5 =	vadd.f32 v57, v52  }
0x15c: {  	v40 =	vimm.f32 $0.0e+00;
	[tilespmem:$0x1FCA0] =	vst v60;
	v47 =	vimm.f32 $0.0e+00;
	v45 =	vimm.f32 $0.0e+00;
	v54 =	vld.idx.msk [tilespmem:v63+s13+$0x0], $0xffff  }
0x15d: {  	v38 =	vimm.f32 $0.0e+00;
	[tilespmem:$0x1FCE0] =	vst v5;
	v5 =	vadd.s32 $0x2F, v2;
	v2 =	vimm.f32 $0.0e+00;
	v55 =	vld.idx.msk [tilespmem:v7+s13+$0x0], $0xffff  }
.LBB2_13:
0x15e: {  	p1 =	sne.s32 s18, $0xC;
	v5 =	vbroadcast v5, $0x0;
	v6 =	vsub.f32 v53, v43;
	v7 =	vmul.f32 v53, v53  }
0x15f: {  	v8 =	vsub.f32 v4, v43;
	v4 =	vmul.f32 v4, v4;
	s17 =	sadd.s32 $0x11, s17  }
0x160: {  	v50 =	vadd.s32 s17, v37;
	v53 =	vadd.s32 s17, v3;
	v6 =	vmul.f32 v6, v6  }
0x161: {  	v56 =	vadd.s32 s17, v35;
	v57 =	vadd.s32 s17, v39;
	v58 =	vadd.s32 s17, v36  }
0x162: {  	v59 =	vsub.f32 v55, v43;
	v8 =	vmul.f32 v8, v8;
	v48 =	vadd.f32 v6, v48  }
0x163: {  	v60 =	vsub.f32 v54, v43;
	v6 =	vmul.f32 v55, v55;
	v55 =	vsub.f32 v49, v43  }
0x164: {  	v47 =	vadd.f32 v8, v47;
	v8 =	vmul.f32 v49, v49;
	v43 =	vld.idx.msk [tilespmem:v5+s9+$0x0], $0xffff;
	v5 =	vmul.f32 v59, v59  }
0x165: {  	v46 =	vadd.f32 v4, v46;
	v49 =	vmul.f32 v55, v55;
	v59 =	vmul.f32 v60, v60;
	v53 =	vld.idx.msk [tilespmem:v53+s13+$0x0], $0xffff  }
.Ltmp6:
0x166: {  	v44 =	vadd.f32 v6, v44;
	v4 =	vld.idx.msk [tilespmem:v50+s13+$0x0], $0xffff;
	v45 =	vadd.f32 v5, v45;
	v5 =	vmul.f32 v54, v54;
	(pc) =	sbr.rel @p1 .LBB2_13-.Ltmp6, $4  }
0x167: {  	v41 =	vadd.f32 v49, v41;
	v42 =	vadd.f32 v59, v42;
	v55 =	vld.idx.msk [tilespmem:v56+s13+$0x0], $0xffff  }
0x168: {  	v40 =	vadd.f32 v8, v40;
	v49 =	vld.idx.msk [tilespmem:v57+s13+$0x0], $0xffff;
	v38 =	vadd.f32 v5, v38  }
0x169: {  	v2 =	vadd.f32 v7, v2;
	v5 =	vmov s18;
	v54 =	vld.idx.msk [tilespmem:v58+s13+$0x0], $0xffff  }
0x16a: {  	s18 =	sadd.s32 $0x1, s18;
	v5 =	vadd.s32 $0x2F, v5  }
0x16b: {  	v5 =	vbroadcast v5, $0x0  }
0x16c: {  	s17 =	sadd.s32 $0x11, s17  }
0x16d: {  	v3 =	vadd.s32 s17, v3;
	_ =	sdelay $0x1  }
0x16e: {  	v6 =	vsub.f32 v53, v43;
	v8 =	vsub.f32 v4, v43;
	v7 =	vadd.s32 s17, v37  }
0x16f: {  	v4 =	vmul.f32 v4, v4;
	v59 =	vmul.f32 v53, v53;
	v35 =	vadd.s32 s17, v35  }
0x170: {  	v61 =	vadd.s32 s17, v39;
	v62 =	vsub.f32 v55, v43;
	v36 =	vadd.s32 s17, v36;
	v5 =	vld.idx.msk [tilespmem:v5+s9+$0x0], $0xffff  }
0x171: {  	v50 =	vmul.f32 v55, v55;
	v55 =	vimm.f32 $0.0e+00;
	v6 =	vmul.f32 v6, v6;
	v3 =	vld.idx.msk [tilespmem:v3+s13+$0x0], $0xffff  }
0x172: {  	v8 =	vmul.f32 v8, v8;
	v63 =	vsub.f32 v49, v43;
	v4 =	vadd.f32 v4, v46  }
0x173: {  	v57 =	vmul.f32 v49, v49;
	v49 =	vadd.f32 v59, v2;
	v59 =	vimm.f32 $0.0e+00;
	v7 =	vld.idx.msk [tilespmem:v7+s13+$0x0], $0xffff  }
0x174: {  	v52 =	vsub.f32 v54, v43;
	v39 =	vmul.f32 v62, v62;
	v44 =	vadd.f32 v50, v44  }
0x175: {  	v58 =	vmul.f32 v54, v54;
	v6 =	vadd.f32 v6, v48;
	v8 =	vadd.f32 v8, v47  }
0x176: {  	v56 =	vmul.f32 v63, v63;
	v46 =	vadd.f32 v57, v40;
	v35 =	vld.idx.msk [tilespmem:v35+s13+$0x0], $0xffff;
	v60 =	vsub.f32 v3, v5  }
0x177: {  	v43 =	vmul.f32 v52, v52;
	v48 =	vadd.f32 v39, v45;
	v47 =	vadd.f32 v58, v38;
	v37 =	vld.idx.msk [tilespmem:v61+s13+$0x0], $0xffff  }
0x178: {  	v45 =	vadd.s32 $0x7A3, v0;
	v40 =	vld.idx.msk [tilespmem:v36+s13+$0x0], $0xffff;
	v61 =	vsub.f32 v7, v5;
	v2 =	vmul.f32 v60, v60  }
0x179: {  	s17 =	simm.s32 $0x0;
	v41 =	vadd.f32 v56, v41;
	v50 =	vmul.f32 v3, v3;
	v3 =	vmul.f32 v7, v7  }
0x17a: {  	v7 =	vmul.f32 v61, v61;
	v15 =	vadd.f32 v2, v6;
	v2 =	vmov s17  }
0x17b: {  	v56 =	vadd.s32 $0xBE3, v0;
	v62 =	vsub.f32 v35, v5;
	v2 =	vadd.s32 $0x3C, v2  }
0x17c: {  	v63 =	vsub.f32 v37, v5;
	v16 =	vadd.f32 v7, v8;
	v8 =	vbroadcast v2, $0x0  }
0x17d: {  	v5 =	vsub.f32 v40, v5;
	v17 =	vadd.f32 v3, v4;
	v2 =	vadd.s32 $0x1463, v0  }
0x17e: {  	v4 =	vmul.f32 v63, v63;
	v3 =	vadd.s32 $0x363, v0;
	v11 =	vadd.s32 s17, v2  }
0x17f: {  	v63 =	vadd.s32 $0x1023, v0;
	v6 =	vmul.f32 v35, v35;
	v35 =	vadd.s32 s17, v3  }
0x180: {  	v10 =	vmul.f32 v37, v37;
	v37 =	vadd.s32 s17, v63;
	v7 =	vmul.f32 v62, v62  }
0x181: {  	v36 =	vmul.f32 v40, v40;
	v39 =	vadd.f32 v6, v44;
	v6 =	vadd.s32 s17, v45  }
0x182: {  	v57 =	vimm.f32 $0.0e+00;
	v38 =	vadd.f32 v7, v48;
	v7 =	vadd.s32 s17, v56;
	v62 =	vld.idx.msk [tilespmem:v8+s9+$0x0], $0xffff  }
0x183: {  	v42 =	vadd.f32 v43, v42;
	v5 =	vmul.f32 v5, v5;
	v43 =	vadd.f32 v36, v47;
	v60 =	vld.idx.msk [tilespmem:v11+s13+$0x0], $0xffff  }
0x184: {  	v58 =	vimm.f32 $0.0e+00;
	v54 =	vadd.f32 v50, v49;
	v19 =	vadd.f32 v4, v41;
	v4 =	vld.idx.msk [tilespmem:v35+s13+$0x0], $0xffff  }
0x185: {  	s18 =	simm.s32 $0x1;
	v61 =	vimm.f32 $0.0e+00;
	v47 =	vimm.f32 $0.0e+00;
	v40 =	vadd.f32 v5, v42;
	v48 =	vld.idx.msk [tilespmem:v37+s13+$0x0], $0xffff  }
0x186: {  	v41 =	vadd.f32 v10, v46;
	v5 =	vmov s18;
	v46 =	vimm.f32 $0.0e+00;
	v50 =	vld.idx.msk [tilespmem:v6+s13+$0x0], $0xffff  }
0x187: {  	v42 =	vimm.f32 $0.0e+00;
	s18 =	simm.s32 $0x2;
	v5 =	vadd.s32 $0x3C, v5;
	v44 =	vimm.f32 $0.0e+00;
	v49 =	vld.idx.msk [tilespmem:v7+s13+$0x0], $0xffff  }
.LBB2_15:
0x188: {  	p1 =	sne.s32 s18, $0xC;
	v5 =	vbroadcast v5, $0x0;
	v6 =	vsub.f32 v60, v62;
	v7 =	vmul.f32 v60, v60  }
0x189: {  	v8 =	vsub.f32 v4, v62;
	v4 =	vmul.f32 v4, v4;
	s17 =	sadd.s32 $0x11, s17  }
0x18a: {  	v51 =	vadd.s32 s17, v3;
	v60 =	vadd.s32 s17, v2;
	v6 =	vmul.f32 v6, v6  }
0x18b: {  	v52 =	vadd.s32 s17, v45;
	v53 =	vadd.s32 s17, v56;
	v35 =	vadd.s32 s17, v63  }
0x18c: {  	v36 =	vsub.f32 v50, v62;
	v8 =	vmul.f32 v8, v8;
	v1 =	vadd.f32 v6, v1  }
0x18d: {  	v37 =	vsub.f32 v48, v62;
	v6 =	vmul.f32 v50, v50;
	v50 =	vsub.f32 v49, v62  }
0x18e: {  	v59 =	vadd.f32 v8, v59;
	v8 =	vmul.f32 v49, v49;
	v62 =	vld.idx.msk [tilespmem:v5+s9+$0x0], $0xffff;
	v5 =	vmul.f32 v36, v36  }
0x18f: {  	v46 =	vadd.f32 v4, v46;
	v37 =	vmul.f32 v37, v37;
	v36 =	vmul.f32 v50, v50;
	v60 =	vld.idx.msk [tilespmem:v60+s13+$0x0], $0xffff  }
.Ltmp7:
0x190: {  	v58 =	vadd.f32 v6, v58;
	v4 =	vld.idx.msk [tilespmem:v51+s13+$0x0], $0xffff;
	v61 =	vadd.f32 v5, v61;
	v5 =	vmul.f32 v48, v48;
	(pc) =	sbr.rel @p1 .LBB2_15-.Ltmp7, $4  }
0x191: {  	v57 =	vadd.f32 v37, v57;
	v42 =	vadd.f32 v36, v42;
	v50 =	vld.idx.msk [tilespmem:v52+s13+$0x0], $0xffff  }
0x192: {  	v55 =	vadd.f32 v8, v55;
	v49 =	vld.idx.msk [tilespmem:v53+s13+$0x0], $0xffff;
	v47 =	vadd.f32 v5, v47  }
0x193: {  	v44 =	vadd.f32 v7, v44;
	v5 =	vmov s18;
	v48 =	vld.idx.msk [tilespmem:v35+s13+$0x0], $0xffff  }
0x194: {  	s18 =	sadd.s32 $0x1, s18;
	v5 =	vadd.s32 $0x3C, v5  }
0x195: {  	v5 =	vbroadcast v5, $0x0  }
0x196: {  	s17 =	sadd.s32 $0x11, s17  }
0x197: {  	v6 =	vsub.f32 v60, v62;
	v13 =	vld [tilespmem:$0x1FE70];
	v2 =	vadd.s32 s17, v2  }
0x198: {  	v8 =	vsub.f32 v4, v62;
	v9 =	vld [tilespmem:$0x1FDB0]  }
0x199: {  	v6 =	vmul.f32 v6, v6  }
0x19a: {  	v10 =	vld [tilespmem:$0x1FE50];
	v8 =	vmul.f32 v8, v8  }
0x19b: {  	v1 =	vadd.f32 v6, v1;
	v6 =	vadd.s32 s17, v56;
	v56 =	vsub.f32 v48, v62;
	v5 =	vld.idx.msk [tilespmem:v5+s9+$0x0], $0xffff  }
0x19c: {  	v36 =	vsub.f32 v50, v62;
	v2 =	vld.idx.msk [tilespmem:v2+s13+$0x0], $0xffff  }
0x19d: {  	v8 =	vadd.f32 v8, v59;
	v59 =	vmul.f32 v56, v56;
	v56 =	vsub.f32 v13, v9;
	v9 =	vld [tilespmem:$0x1FE10]  }
0x19e: {  	v37 =	vmul.f32 v50, v50  }
0x19f: {  	v35 =	vadd.s32 s17, v63;
	v36 =	vmul.f32 v36, v36  }
0x1a0: {  	v63 =	vmul.f32 v60, v60;
	v53 =	vsub.f32 v49, v62;
	v37 =	vadd.f32 v37, v58  }
0x1a1: {  	v11 =	vld [tilespmem:$0x1FE60];
	v58 =	vmul.f32 v49, v49;
	v36 =	vadd.f32 v36, v61;
	v62 =	vsub.f32 v2, v5  }
0x1a2: {  	v61 =	vmul.f32 v48, v48;
	v49 =	vadd.f32 v59, v57;
	v57 =	vsub.f32 v10, v9;
	v9 =	vld [tilespmem:$0x1FE20]  }
0x1a3: {  	v44 =	vadd.f32 v63, v44;
	v2 =	vmul.f32 v2, v2;
	v48 =	vmul.f32 v62, v62  }
0x1a4: {  	v4 =	vmul.f32 v4, v4  }
0x1a5: {  	v1 =	vadd.f32 v48, v1;
	v48 =	vadd.f32 v2, v44;
	v2 =	vld [tilespmem:$0x1FDC0]  }
0x1a6: {  	v14 =	vld [tilespmem:$0x1FE30];
	v3 =	vadd.s32 s17, v3;
	v4 =	vadd.f32 v4, v46  }
0x1a7: {  	v46 =	vadd.f32 v58, v55;
	v58 =	vsub.f32 v11, v9;
	v9 =	vld [tilespmem:$0x1FE40]  }
0x1a8: {  	v7 =	vadd.s32 s17, v45  }
0x1a9: {  	v12 =	vld [tilespmem:$0x1FE80]  }
0x1aa: {  	v18 =	vadd.f32 v2, v56;
	v2 =	vld [tilespmem:$0x1FDF0]  }
0x1ab: {  	v3 =	vld.idx.msk [tilespmem:v3+s13+$0x0], $0xffff  }
0x1ac: {  	v59 =	vsub.f32 v9, v14;
	v14 =	vld [tilespmem:$0x1FDD0]  }
0x1ad: {  	v7 =	vld.idx.msk [tilespmem:v7+s13+$0x0], $0xffff  }
0x1ae: {  	v35 =	vld.idx.msk [tilespmem:v35+s13+$0x0], $0xffff  }
0x1af: {  	v6 =	vld.idx.msk [tilespmem:v6+s13+$0x0], $0xffff;
	v2 =	vsub.f32 v12, v2;
	_ =	sdelay $0x1  }
0x1b0: {  	v44 =	vadd.f32 v14, v2;
	v2 =	vld [tilespmem:$0x1FDE0];
	_ =	sdelay $0x1  }
0x1b1: {  	v45 =	vmul.f32 v53, v53;
	v52 =	vsub.f32 v3, v5;
	v53 =	vsub.f32 v7, v5;
	v14 =	vld [tilespmem:$0x1FD00]  }
0x1b2: {  	v55 =	vsub.f32 v6, v5;
	v5 =	vsub.f32 v35, v5;
	_ =	sdelay $0x1  }
0x1b3: {  	v5 =	vmul.f32 v5, v5;
	v62 =	vadd.f32 v2, v57;
	v2 =	vld [tilespmem:$0x1FE00];
	_ =	sdelay $0x1  }
0x1b4: {  	v5 =	vadd.f32 v5, v49;
	v49 =	vsub.f32 v12, v14;
	v14 =	vld [tilespmem:$0x1FD40];
	_ =	sdelay $0x1  }
0x1b5: {  	v7 =	vmul.f32 v7, v7  }
0x1b6: {  	v50 =	vmul.f32 v53, v53;
	v63 =	vadd.f32 v2, v58;
	v2 =	vld [tilespmem:$0x1FDA0]  }
0x1b7: {  	v7 =	vadd.f32 v7, v37  }
0x1b8: {  	v37 =	vadd.f32 v50, v36;
	v50 =	vsub.f32 v10, v14;
	v14 =	vld [tilespmem:$0x1FD10];
	_ =	sdelay $0x2  }
0x1b9: {  	v56 =	vadd.f32 v2, v59;
	v2 =	vld [tilespmem:$0x1FD20];
	_ =	sdelay $0x1  }
0x1ba: {  	v51 =	vsub.f32 v11, v14;
	v14 =	vld [tilespmem:$0x1FD80];
	_ =	sdelay $0x1  }
0x1bb: {  	v42 =	vadd.f32 v45, v42  }
0x1bc: {  	v45 =	vadd.f32 v61, v47;
	v35 =	vmul.f32 v35, v35;
	v2 =	vsub.f32 v13, v2;
	_ =	sdelay $0x1  }
0x1bd: {  	v35 =	vadd.f32 v35, v45;
	v45 =	vadd.f32 v14, v2;
	v14 =	vld [tilespmem:$0x1FD60];
	_ =	sdelay $0x4  }
0x1be: {  	v57 =	vadd.f32 v14, v51;
	v14 =	vld [tilespmem:$0x1FD70];
	_ =	sdelay $0x4  }
0x1bf: {  	v47 =	vmul.f32 v52, v52;
	v52 =	vsub.f32 v9, v14;
	v14 =	vld [tilespmem:$0x1FC70];
	_ =	sdelay $0x4  }
0x1c0: {  	v53 =	vsub.f32 v13, v14;
	v14 =	vld [tilespmem:$0x1FCB0];
	_ =	sdelay $0x2  }
0x1c1: {  	v3 =	vmul.f32 v3, v3;
	_ =	sdelay $0x1  }
0x1c2: {  	v3 =	vadd.f32 v3, v4;
	v4 =	vmul.f32 v55, v55;
	v55 =	vsub.f32 v12, v14;
	v14 =	vld [tilespmem:$0x1FCD0];
	_ =	sdelay $0x4  }
0x1c3: {  	v58 =	vsub.f32 v10, v14;
	v14 =	vld [tilespmem:$0x1FD30];
	_ =	sdelay $0x4  }
0x1c4: {  	v60 =	vadd.f32 v14, v52;
	v14 =	vld [tilespmem:$0x1FC80];
	_ =	sdelay $0x2  }
0x1c5: {  	v6 =	vmul.f32 v6, v6;
	_ =	sdelay $0x1  }
0x1c6: {  	v6 =	vadd.f32 v6, v46;
	v46 =	vadd.f32 v14, v53;
	v14 =	vld [tilespmem:$0x1FC90];
	_ =	sdelay $0x4  }
0x1c7: {  	v55 =	vadd.f32 v14, v55;
	v14 =	vld [tilespmem:$0x1FCA0];
	_ =	sdelay $0x4  }
0x1c8: {  	v61 =	vadd.f32 v14, v58;
	v14 =	vld [tilespmem:$0x1FCE0];
	_ =	sdelay $0x3  }
0x1c9: {  	v2 =	vld [tilespmem:$0x1FD90]  }
0x1ca: {  	v39 =	vsub.f32 v12, v39;
	v59 =	vsub.f32 v11, v14;
	v14 =	vld [tilespmem:$0x1FCF0]  }
0x1cb: {  	v4 =	vadd.f32 v4, v42;
	v6 =	vsub.f32 v10, v6  }
0x1cc: {  	v8 =	vadd.f32 v47, v8;
	v36 =	vadd.f32 v38, v39  }
0x1cd: {  	v3 =	vsub.f32 v13, v3;
	v4 =	vadd.f32 v4, v6  }
0x1ce: {  	v20 =	vimm.s32 $0xE;
	v47 =	vadd.f32 v2, v49;
	v51 =	vsub.f32 v10, v41  }
0x1cf: {  	v25 =	vimm.s32 $0x12;
	v41 =	vadd.f32 v8, v3;
	v52 =	vsub.f32 v9, v14;
	v14 =	vld [tilespmem:$0x1FCC0]  }
0x1d0: {  	v26 =	vimm.s32 $0x14;
	v2 =	vld [tilespmem:$0x1FD50];
	v3 =	vsub.f32 v12, v7;
	v7 =	vsub.f32 v11, v35  }
0x1d1: {  	v27 =	vimm.s32 $0x16;
	v8 =	vsub.f32 v9, v48;
	v38 =	vadd.f32 v19, v51  }
0x1d2: {  	vm0 =	vlt.f32 v45, v18;
	v3 =	vadd.f32 v37, v3;
	v53 =	vsub.f32 v13, v17  }
0x1d3: {  	v6 =	vsel vm0, v45, v18;
	v5 =	vadd.f32 v5, v7;
	v1 =	vadd.f32 v1, v8  }
0x1d4: {  	vm1 =	vlt.f32 v44, v41;
	v42 =	vadd.f32 v16, v53;
	v58 =	vadd.f32 v14, v59;
	v14 =	vld [tilespmem:$0x1FC60]  }
0x1d5: {  	v19 =	vimm.s32 $0xC;
	v2 =	vadd.f32 v2, v50;
	v13 =	vimm.s32 $0x0  }
0x1d6: {  	v12 =	vimm.s32 $0x10;
	v7 =	vsel vm0, $0x1, v13;
	vm0 =	vlt.f32 v42, v46  }
0x1d7: {  	v17 =	vimm.s32 $0x8;
	v53 =	vsub.f32 v9, v54;
	v8 =	vsel vm0, v42, v46  }
0x1d8: {  	v54 =	vsel vm1, v44, v41;
	v16 =	vimm.s32 $0x6;
	vm3 =	vlt.f32 v8, v6  }
0x1d9: {  	vm2 =	vlt.f32 v55, v47;
	v50 =	vadd.f32 v14, v52;
	v52 =	vsub.f32 v11, v43  }
0x1da: {  	v6 =	vsel vm3, v8, v6;
	v9 =	vmovc v18;
	v18 =	vimm.s32 $0xA;
	v59 =	vsel vm2, v55, v47  }
0x1db: {  	v14 =	vimm.s32 $0x2;
	v39 =	vadd.f32 v40, v52;
	v40 =	vadd.f32 v15, v53  }
0x1dc: {  	v52 =	vsel vm0, $0x3, v14;
	vm0 =	vlt.f32 v59, v54;
	v15 =	vimm.s32 $0x4  }
0x1dd: {  	v53 =	vsel vm2, $0x7, v16;
	vm2 =	vlt.f32 v2, v62;
	v8 =	vsel vm1, $0x5, v15  }
0x1de: {  	v35 =	vsel vm0, v59, v54;
	v7 =	vsel vm3, v52, v7;
	vm1 =	vlt.f32 v3, v36  }
0x1df: {  	v43 =	vsel vm2, $0xB, v18;
	v54 =	vsel vm2, v2, v62;
	vm2 =	vlt.f32 v63, v4  }
0x1e0: {  	v8 =	vsel vm0, v53, v8;
	vm0 =	vlt.f32 v35, v6;
	v37 =	vsel vm1, $0x9, v17  }
0x1e1: {  	v51 =	vsel vm2, v63, v4;
	vm4 =	vlt.f32 v40, v50;
	v7 =	vsel vm0, v8, v7  }
0x1e2: {  	v8 =	vsel vm1, v3, v36;
	vm1 =	vlt.f32 v38, v61;
	v6 =	vsel vm0, v35, v6  }
0x1e3: {  	vm0 =	vlt.f32 v5, v39;
	v59 =	vsel vm1, v38, v61;
	vm3 =	vlt.f32 v54, v8  }
0x1e4: {  	v53 =	vsel vm1, $0xD, v19;
	vm1 =	vlt.f32 v58, v57;
	v8 =	vsel vm3, v54, v8  }
0x1e5: {  	v37 =	vsel vm3, v43, v37;
	vm3 =	vlt.f32 v51, v59;
	v54 =	vsel vm2, $0xF, v20  }
0x1e6: {  	v48 =	vsel vm1, v58, v57;
	v49 =	vsel vm3, v51, v59;
	v43 =	vsel vm3, v54, v53  }
0x1e7: {  	vm3 =	vlt.f32 v60, v56;
	v54 =	vsel vm4, v40, v50;
	vm2 =	vlt.f32 v49, v8  }
0x1e8: {  	v59 =	vsel vm3, v60, v56;
	v35 =	vsel vm2, v43, v37;
	v37 =	vsel vm0, v5, v39  }
0x1e9: {  	v52 =	vsel vm4, $0x17, v27;
	vm6 =	vlt.f32 v54, v59;
	vm5 =	vlt.f32 v37, v48  }
0x1ea: {  	v51 =	vsel vm3, $0x15, v26;
	v43 =	vsel vm6, v54, v59;
	v37 =	vsel vm5, v37, v48  }
0x1eb: {  	v8 =	vsel vm2, v49, v8;
	v59 =	vsel vm0, $0x13, v25;
	vm0 =	vlt.f32 v43, v37  }
0x1ec: {  	vm2 =	vlt.f32 v8, v6;
	v48 =	vsel vm1, $0x11, v12;
	v37 =	vsel vm0, v43, v37  }
0x1ed: {  	v53 =	vsel vm6, v52, v51;
	v59 =	vsel vm5, v59, v48;
	vm1 =	vlt.f32 v1, v37  }
0x1ee: {  	v6 =	vsel vm2, v8, v6;
	v43 =	vsel vm0, v53, v59;
	v8 =	vsel vm1, v1, v37  }
0x1ef: {  	v7 =	vsel vm2, v35, v7;
	v54 =	vsel vm1, $0x18, v43;
	vm0 =	vlt.f32 v8, v6  }
0x1f0: {  	v6 =	vsel vm0, v54, v7  }
0x1f1: {  	v7 =	vmulhi.u32 $0xCCCCCCCD, v6  }
0x1f2: {  	v48 =	vimm.s32 $0x0  }
0x1f3: {  	v8 =	vadd.s32 $0xFFFFFFF6, v6;
	v35 =	vadd.s32 $0xFFFFFFF1, v6;
	v7 =	vshrl.u32 v7, $0x2  }
0x1f4: {  	v59 =	vadd.s32 $0xFFFFFFFB, v6;
	vm4 =	vlt.u32 v6, $0x5;
	v7 =	vmul.u32 $0x5, v7  }
0x1f5: {  	vm2 =	vlt.u32 v8, $0x5;
	vm1 =	vlt.u32 v35, $0x5;
	v8 =	vadd.s32 $0xFFFFFFEC, v6  }
0x1f6: {  	vm3 =	vlt.u32 v59, $0x5;
	vm0 =	vlt.u32 v8, $0x5;
	v49 =	vsub.s32 v6, v7  }
0x1f7: {  	vm6 =	veq.s32 v49, $0x2;
	vm7 =	veq.s32 v49, $0x3;
	vm5 =	veq.s32 v49, $0x0  }
0x1f8: {  	vm8 =	vmor vm0, vm6;
	vm9 =	vmor vm0, vm7;
	vm10 =	vmor vm0, vm5  }
0x1f9: {  	vm11 =	vmor vm1, vm7;
	vm15 =	vmor vm2, vm6;
	vm13 =	vmor vm2, vm5  }
0x1fa: {  	vm14 =	vmor vm2, vm7;
	v50 =	vsel vm8, $0x7F800000, v50;
	v51 =	vsel vm9, $0x7F800000, v40  }
0x1fb: {  	vm9 =	veq.s32 v49, $0x1;
	v52 =	vsel vm10, $0x7F800000, v56;
	vm8 =	veq.s32 v49, $0x4  }
0x1fc: {  	v53 =	vsel vm11, $0x7F800000, v39;
	v61 =	vsel vm15, $0x7F800000, v61;
	v62 =	vsel vm13, $0x7F800000, v62  }
0x1fd: {  	vm10 =	vmor vm0, vm9;
	vm11 =	vmor vm1, vm9;
	vm12 =	vmor vm1, vm8  }
0x1fe: {  	vm15 =	vmor vm3, vm9;
	v54 =	vsel vm10, $0x7F800000, v60;
	v56 =	vsel vm11, $0x7F800000, v57  }
0x1ff: {  	vm10 =	vmor vm1, vm6;
	v57 =	vsel vm12, $0x7F800000, v5;
	vm11 =	vmor vm2, vm8  }
0x200: {  	vm12 =	vmor vm1, vm5;
	v58 =	vsel vm10, $0x7F800000, v58;
	v59 =	vsel vm11, $0x7F800000, v4  }
0x201: {  	v60 =	vsel vm12, $0x7F800000, v63;
	vm11 =	vmor vm2, vm9;
	v63 =	vsel vm14, $0x7F800000, v38  }
0x202: {  	vm10 =	vmor vm3, vm7;
	vm12 =	vmor vm3, vm8;
	v38 =	vsel vm15, $0x7F800000, v47  }
0x203: {  	vm7 =	vmor vm4, vm7;
	vm9 =	vmor vm4, vm9;
	v35 =	vsel vm11, $0x7F800000, v2  }
0x204: {  	v36 =	vsel vm10, $0x7F800000, v36;
	v37 =	vsel vm12, $0x7F800000, v3;
	vm10 =	vmor vm3, vm5  }
0x205: {  	vm11 =	vmor vm3, vm6;
	vm12 =	vmor vm4, vm8;
	vm6 =	vmor vm4, vm6  }
0x206: {  	vm5 =	vmor vm4, vm5;
	v39 =	vsel vm10, $0x7F800000, v44;
	v40 =	vsel vm11, $0x7F800000, v55  }
0x207: {  	v41 =	vsel vm12, $0x7F800000, v41;
	v43 =	vsel vm6, $0x7F800000, v46;
	v44 =	vsel vm7, $0x7F800000, v42  }
0x208: {  	v46 =	vsel vm9, $0x7F800000, v45;
	vm6 =	vmor vm0, vm8;
	v2 =	vsel vm5, $0x7F800000, v9  }
0x209: {  	v55 =	vsel vm4, v49, v48;
	v47 =	vsel vm6, $0x7F800000, v1;
	vm4 =	vlt.f32 v46, v2  }
0x20a: {  	vm5 =	vlt.f32 v39, v41;
	vm6 =	vlt.f32 v40, v38;
	v1 =	vsel vm4, v46, v2  }
0x20b: {  	v3 =	vsel vm4, $0x1, v13;
	vm4 =	vlt.f32 v44, v43;
	v5 =	vsel vm5, v39, v41  }
0x20c: {  	v6 =	vsel vm6, v40, v38;
	v8 =	vsel vm6, $0x7, v16;
	vm6 =	vlt.f32 v35, v62  }
0x20d: {  	v4 =	vsel vm4, v44, v43;
	v7 =	vsel vm4, $0x3, v14;
	vm4 =	vlt.f32 v6, v5  }
0x20e: {  	vm7 =	vlt.f32 v4, v1;
	v5 =	vsel vm4, v6, v5;
	v6 =	vsel vm6, v35, v62  }
0x20f: {  	v9 =	vsel vm7, v4, v1;
	v4 =	vsel vm5, $0x5, v15;
	v3 =	vsel vm7, v7, v3  }
0x210: {  	vm5 =	vlt.f32 v37, v36;
	v4 =	vsel vm4, v8, v4;
	vm4 =	vlt.f32 v5, v9  }
0x211: {  	v7 =	vsel vm5, $0x9, v17;
	v8 =	vsel vm6, $0xB, v18;
	vm6 =	vlt.f32 v60, v59  }
0x212: {  	v3 =	vsel vm4, v4, v3;
	v4 =	vsel vm5, v37, v36;
	vm5 =	vlt.f32 v63, v61  }
0x213: {  	v45 =	vsel vm6, v60, v59;
	v1 =	vsel vm6, $0xF, v20;
	v5 =	vsel vm4, v5, v9  }
0x214: {  	vm4 =	vlt.f32 v51, v50;
	v42 =	vsel vm5, v63, v61;
	vm7 =	vlt.f32 v6, v4  }
0x215: {  	v6 =	vsel vm7, v6, v4;
	v4 =	vsel vm7, v8, v7;
	vm7 =	vlt.f32 v45, v42  }
0x216: {  	v8 =	vsel vm5, $0xD, v19;
	vm5 =	vlt.f32 v57, v53;
	v7 =	vsel vm7, v45, v42  }
0x217: {  	v45 =	vsel vm3, v49, v48;
	v1 =	vsel vm7, v1, v8;
	v42 =	vsel vm2, v49, v48  }
0x218: {  	vm2 =	vlt.f32 v58, v56;
	vm3 =	vlt.f32 v54, v52;
	vm6 =	vlt.f32 v7, v6  }
0x219: {  	s17 =	simm.s32 $0x3;
	v8 =	vsel vm2, v58, v56;
	v4 =	vsel vm6, v1, v4;
	v1 =	vimm.s32 $0x0  }
.LBB2_17:
0x21a: {  	v9 =	vsel vm5, v57, v53;
	v10 =	vsel vm3, v54, v52;
	v11 =	vsel vm4, v51, v50  }
0x21b: {  	p1 =	sne.s32 s17, $0x1;
	v6 =	vsel vm6, v7, v6;
	vm7 =	vlt.f32 v9, v8;
	vm8 =	vlt.f32 v11, v10  }
0x21c: {  	vm6 =	vlt.f32 v6, v5;
	v7 =	vsel vm7, v9, v8;
	v8 =	vsel vm8, v11, v10  }
0x21d: {  	v9 =	vsel vm2, $0x11, v12;
	v10 =	vsel vm5, $0x13, v25;
	vm2 =	vlt.f32 v8, v7  }
0x21e: {  	v11 =	vsel vm3, $0x15, v26;
	v12 =	vsel vm4, $0x17, v27;
	v7 =	vsel vm2, v8, v7  }
0x21f: {  	v8 =	vsel vm7, v10, v9;
	v9 =	vsel vm8, v12, v11;
	vm3 =	vlt.f32 v47, v7  }
0x220: {  	v5 =	vsel vm6, v6, v5;
	v8 =	vsel vm2, v9, v8;
	v6 =	vsel vm3, v47, v7  }
0x221: {  	v3 =	vsel vm6, v4, v3;
	v4 =	vsel vm3, $0x18, v8;
	vm2 =	vlt.f32 v6, v5  }
0x222: {  	v3 =	vsel vm2, v4, v3  }
0x223: {  	v48 =	vsel vm1, v49, v48;
	v1 =	vsel vm0, v49, v1;
	v4 =	vmulhi.u32 $0xCCCCCCCD, v3  }
0x224: {  	v5 =	vadd.s32 $0xFFFFFFF6, v3;
	v6 =	vadd.s32 $0xFFFFFFF1, v3;
	v7 =	vadd.s32 $0xFFFFFFFB, v3  }
0x225: {  	vm2 =	vlt.u32 v5, $0x5;
	vm1 =	vlt.u32 v6, $0x5;
	v4 =	vshrl.u32 v4, $0x2  }
0x226: {  	vm4 =	vlt.u32 v3, $0x5;
	vm3 =	vlt.u32 v7, $0x5;
	v4 =	vmul.u32 $0x5, v4;
	_ =	sdelay $0x1  }
0x227: {  	v49 =	vsub.s32 v3, v4;
	v3 =	vadd.s32 $0xFFFFFFEC, v3  }
0x228: {  	vm0 =	vlt.u32 v3, $0x5;
	vm6 =	veq.s32 v49, $0x2  }
0x229: {  	vm7 =	veq.s32 v49, $0x3;
	vm5 =	veq.s32 v49, $0x0;
	v55 =	vsel vm4, v49, v55  }
0x22a: {  	v45 =	vsel vm3, v49, v45;
	vm8 =	vmor vm0, vm6;
	vm9 =	vmor vm0, vm7  }
0x22b: {  	vm10 =	vmor vm0, vm5;
	v50 =	vsel vm8, $0x7F800000, v50;
	v51 =	vsel vm9, $0x7F800000, v51  }
0x22c: {  	vm11 =	vmor vm1, vm7;
	vm9 =	veq.s32 v49, $0x1;
	v52 =	vsel vm10, $0x7F800000, v52  }
0x22d: {  	vm8 =	veq.s32 v49, $0x4;
	v53 =	vsel vm11, $0x7F800000, v53;
	vm10 =	vmor vm0, vm9  }
0x22e: {  	vm11 =	vmor vm1, vm9;
	vm12 =	vmor vm1, vm8;
	v54 =	vsel vm10, $0x7F800000, v54  }
0x22f: {  	v56 =	vsel vm11, $0x7F800000, v56;
	vm10 =	vmor vm1, vm6;
	v57 =	vsel vm12, $0x7F800000, v57  }
0x230: {  	vm11 =	vmor vm2, vm8;
	vm12 =	vmor vm1, vm5;
	v58 =	vsel vm10, $0x7F800000, v58  }
0x231: {  	vm10 =	vmor vm2, vm6;
	v59 =	vsel vm11, $0x7F800000, v59;
	v60 =	vsel vm12, $0x7F800000, v60  }
0x232: {  	vm11 =	vmor vm2, vm5;
	v61 =	vsel vm10, $0x7F800000, v61;
	vm10 =	vmor vm2, vm7  }
0x233: {  	v62 =	vsel vm11, $0x7F800000, v62;
	vm11 =	vmor vm2, vm9;
	v63 =	vsel vm10, $0x7F800000, v63  }
0x234: {  	vm12 =	vmor vm3, vm8;
	vm10 =	vmor vm3, vm7;
	v35 =	vsel vm11, $0x7F800000, v35  }
0x235: {  	v37 =	vsel vm12, $0x7F800000, v37;
	vm11 =	vmor vm3, vm9;
	v36 =	vsel vm10, $0x7F800000, v36  }
0x236: {  	vm10 =	vmor vm3, vm5;
	v38 =	vsel vm11, $0x7F800000, v38;
	vm11 =	vmor vm3, vm6  }
0x237: {  	vm12 =	vmor vm4, vm8;
	v39 =	vsel vm10, $0x7F800000, v39;
	v40 =	vsel vm11, $0x7F800000, v40  }
0x238: {  	vm7 =	vmor vm4, vm7;
	v41 =	vsel vm12, $0x7F800000, v41;
	vm6 =	vmor vm4, vm6  }
0x239: {  	vm9 =	vmor vm4, vm9;
	v44 =	vsel vm7, $0x7F800000, v44;
	v43 =	vsel vm6, $0x7F800000, v43  }
0x23a: {  	vm5 =	vmor vm4, vm5;
	v46 =	vsel vm9, $0x7F800000, v46;
	vm6 =	vmor vm0, vm8  }
0x23b: {  	v42 =	vsel vm2, v49, v42;
	v2 =	vsel vm5, $0x7F800000, v2;
	v47 =	vsel vm6, $0x7F800000, v47  }
0x23c: {  	vm4 =	vlt.f32 v46, v2;
	vm2 =	vlt.f32 v44, v43;
	vm3 =	vlt.f32 v39, v41  }
0x23d: {  	v3 =	vsel vm4, v46, v2;
	v4 =	vsel vm4, $0x1, v13;
	v5 =	vsel vm2, v44, v43  }
0x23e: {  	vm4 =	vlt.f32 v40, v38;
	v6 =	vsel vm3, v39, v41;
	v8 =	vsel vm2, $0x3, v14  }
0x23f: {  	v7 =	vsel vm4, v40, v38;
	vm5 =	vlt.f32 v5, v3;
	v9 =	vsel vm4, $0x7, v16  }
0x240: {  	vm4 =	vlt.f32 v35, v62;
	v5 =	vsel vm5, v5, v3;
	vm2 =	vlt.f32 v7, v6  }
0x241: {  	v3 =	vsel vm3, $0x5, v15;
	v4 =	vsel vm5, v8, v4;
	v10 =	vsel vm2, v7, v6  }
0x242: {  	v8 =	vsel vm4, $0xB, v18;
	v3 =	vsel vm2, v9, v3;
	vm3 =	vlt.f32 v10, v5  }
0x243: {  	vm2 =	vlt.f32 v37, v36;
	v6 =	vsel vm4, v35, v62;
	v3 =	vsel vm3, v3, v4  }
0x244: {  	vm4 =	vlt.f32 v60, v59;
	v7 =	vsel vm2, $0x9, v17;
	v4 =	vsel vm2, v37, v36  }
0x245: {  	v11 =	vsel vm4, v60, v59;
	vm2 =	vlt.f32 v63, v61  }
0x246: {  	v12 =	vsel vm4, $0xF, v20;
	v9 =	vsel vm2, v63, v61;
	vm5 =	vlt.f32 v6, v4  }
.Ltmp8:
0x247: {  	v6 =	vsel vm5, v6, v4;
	v4 =	vsel vm5, v8, v7;
	vm5 =	vlt.f32 v11, v9;
	(pc) =	sbr.rel @p1 .LBB2_17-.Ltmp8, $4  }
0x248: {  	v8 =	vsel vm2, $0xD, v19;
	vm2 =	vlt.f32 v58, v56;
	v7 =	vsel vm5, v11, v9  }
0x249: {  	v9 =	vsel vm5, v12, v8;
	v12 =	vimm.s32 $0x10;
	vm6 =	vlt.f32 v7, v6  }
0x24a: {  	v5 =	vsel vm3, v10, v5;
	v8 =	vsel vm2, v58, v56;
	v4 =	vsel vm6, v9, v4  }
0x24b: {  	s17 =	sadd.s32 $0xFFFFFFFF, s17;
	vm4 =	vlt.f32 v51, v50;
	vm3 =	vlt.f32 v54, v52;
	vm5 =	vlt.f32 v57, v53  }
0x24c: {  	v2 =	vsel vm5, v57, v53;
	v9 =	vsel vm3, v54, v52;
	v10 =	vsel vm4, v51, v50  }
0x24d: {  	v6 =	vsel vm6, v7, v6;
	vm7 =	vlt.f32 v2, v8;
	vm8 =	vlt.f32 v10, v9  }
0x24e: {  	v11 =	vsel vm4, $0x17, v27;
	v2 =	vsel vm7, v2, v8;
	v7 =	vsel vm8, v10, v9  }
0x24f: {  	vm6 =	vlt.f32 v6, v5;
	v8 =	vsel vm2, $0x11, v12;
	vm15 =	vlt.f32 v7, v2  }
0x250: {  	v9 =	vsel vm5, $0x13, v25;
	v10 =	vsel vm3, $0x15, v26;
	v2 =	vsel vm15, v7, v2  }
0x251: {  	v7 =	vsel vm7, v9, v8;
	v8 =	vsel vm8, v11, v10;
	vm9 =	vlt.f32 v47, v2  }
0x252: {  	v5 =	vsel vm6, v6, v5;
	v7 =	vsel vm15, v8, v7;
	v2 =	vsel vm9, v47, v2  }
0x253: {  	v3 =	vsel vm6, v4, v3;
	v60 =	vsel vm9, $0x18, v7;
	vm10 =	vlt.f32 v2, v5  }
0x254: {  	v3 =	vsel vm10, v60, v3  }
0x255: {  	v2 =	vmulhi.u32 $0xCCCCCCCD, v3;
	_ =	sdelay $0x1  }
0x256: {  	v61 =	vshrl.u32 v2, $0x2;
	v2 =	vadd.s32 $0x8, v0  }
0x257: {  	v62 =	vsel vm1, v49, v48;
	v6 =	vadd.s32 $0x18, v0;
	v4 =	vmul.u32 $0x5, v61  }
0x258: {  	v9 =	vadd.s32 $0x28, v0;
	v10 =	vadd.s32 $0x38, v0;
	v11 =	vadd.s32 $0x48, v0  }
0x259: {  	v8 =	vadd.s32 $0xFFFFFFFB, v3;
	vm11 =	vlt.u32 v3, $0x5;
	v4 =	vsub.s32 v3, v4  }
0x25a: {  	v7 =	vadd.s32 $0xFFFFFFF6, v3;
	vm12 =	vlt.u32 v8, $0x5;
	v8 =	vsel vm11, v4, v55  }
0x25b: {  	v63 =	vadd.s32 $0xFFFFFFF1, v3;
	vm13 =	vlt.u32 v7, $0x5;
	v7 =	vsel vm12, v4, v45;
	[tilespmem:v2+s14+$0x0] =	vst.idx.msk $0xffff, v8  }
0x25c: {  	vm14 =	vlt.u32 v63, $0x5;
	v3 =	vadd.s32 $0xFFFFFFEC, v3;
	v8 =	vsel vm13, v4, v42;
	[tilespmem:v6+s14+$0x0] =	vst.idx.msk $0xffff, v7  }
0x25d: {  	v1 =	vsel vm0, v49, v1;
	vm15 =	vlt.u32 v3, $0x5;
	v3 =	vsel vm14, v4, v62;
	[tilespmem:v9+s14+$0x0] =	vst.idx.msk $0xffff, v8  }
0x25e: {  	v1 =	vsel vm15, v4, v1;
	[tilespmem:v10+s14+$0x0] =	vst.idx.msk $0xffff, v3  }
0x25f: {  	s17 =	simm.s32 $0x0;
	s18 =	simm.s32 $0x0;
	v8 =	vimm.f32 $0.0e+00;
	[tilespmem:v11+s14+$0x0] =	vst.idx.msk $0xffff, v1  }
.LBB2_19:
0x260: {  	s19 =	sshrl.u32 s18, $0x3  }
0x261: {  	s19 =	smul.u32 $0x3000, s19;
	_ =	sdelay $0x1  }
0x262: {  	s20 =	sand.u32 $0x380, s17;
	s19 =	sshra.s32 s19, $0x2  }
0x263: {  	s19 =	sor.u32 s20, s19  }
0x264: {  	[tilespmem:s19+$0x2E80] =	vst v8  }
0x265: {  	[tilespmem:s19+$0x2E90] =	vst v8  }
0x266: {  	[tilespmem:s19+$0x2EA0] =	vst v8  }
0x267: {  	[tilespmem:s19+$0x2EB0] =	vst v8  }
0x268: {  	[tilespmem:s19+$0x2EC0] =	vst v8  }
0x269: {  	[tilespmem:s19+$0x2ED0] =	vst v8  }
0x26a: {  	[tilespmem:s19+$0x2EE0] =	vst v8  }
0x26b: {  	[tilespmem:s19+$0x2EF0] =	vst v8  }
0x26c: {  	[tilespmem:s19+$0x3280] =	vst v8  }
0x26d: {  	[tilespmem:s19+$0x3290] =	vst v8  }
0x26e: {  	[tilespmem:s19+$0x32A0] =	vst v8  }
0x26f: {  	[tilespmem:s19+$0x32B0] =	vst v8  }
0x270: {  	[tilespmem:s19+$0x32C0] =	vst v8  }
0x271: {  	[tilespmem:s19+$0x32D0] =	vst v8  }
0x272: {  	v1 =	vmov s18;
	[tilespmem:s19+$0x32E0] =	vst v8  }
0x273: {  	v3 =	vadd.s32 $0x8, v1;
	[tilespmem:s19+$0x32F0] =	vst v8  }
0x274: {  	[tilespmem:s19+$0x3680] =	vst v8  }
0x275: {  	[tilespmem:s19+$0x3690] =	vst v8  }
0x276: {  	[tilespmem:s19+$0x36A0] =	vst v8  }
0x277: {  	[tilespmem:s19+$0x36B0] =	vst v8  }
0x278: {  	v3 =	vld.idx.msk [tilespmem:v3+s14+$0x0], $0xffff;
	_ =	sdelay $0x4  }
0x279: {  	v3 =	vmul.u32 $0xD, v3;
	_ =	sdelay $0x1  }
0x27a: {  	v3 =	vadd.s32 v2, v3  }
0x27b: {  	v4 =	vshrl.u32 v1, $0x3  }
0x27c: {  	v5 =	vshll.u32 v1, $0x7;
	v4 =	vmul.u32 $0xC00, v4  }
0x27d: {  	v5 =	vand.u32 $0x380, v5  }
0x27e: {  	v4 =	vor.u32 v5, v4  }
0x27f: {  	v5 =	vor.u32 v0, v4;
	v3 =	vld.idx.msk [tilespmem:v3+s9+$0x0], $0xffff  }
0x280: {  	v6 =	vadd.s32 $0x18, v1;
	_ =	sdelay $0x3  }
0x281: {  	[tilespmem:v5+s15+$0x0] =	vst.idx.msk $0x1fff, v3  }
0x282: {  	v3 =	vld.idx.msk [tilespmem:v6+s14+$0x0], $0xffff;
	_ =	sdelay $0x4  }
0x283: {  	v3 =	vmul.u32 $0xD, v3;
	_ =	sdelay $0x1  }
0x284: {  	v3 =	vadd.s32 v2, v3;
	_ =	sdelay $0x3  }
0x285: {  	v62 =	vadd.s32 $0x4C, v0  }
0x286: {  	v5 =	vor.u32 v62, v4;
	v3 =	vld.idx.msk [tilespmem:v3+s9+$0x0], $0xffff  }
0x287: {  	v6 =	vadd.s32 $0x28, v1;
	_ =	sdelay $0x3  }
0x288: {  	[tilespmem:v5+s15+$0x0] =	vst.idx.msk $0x1fff, v3  }
0x289: {  	v3 =	vld.idx.msk [tilespmem:v6+s14+$0x0], $0xffff;
	_ =	sdelay $0x4  }
0x28a: {  	v3 =	vmul.u32 $0xD, v3;
	_ =	sdelay $0x1  }
0x28b: {  	v3 =	vadd.s32 v2, v3;
	_ =	sdelay $0x3  }
0x28c: {  	v63 =	vadd.s32 $0x400, v4;
	v6 =	vadd.s32 $0x19, v0  }
0x28d: {  	v6 =	vor.u32 v6, v63;
	v3 =	vld.idx.msk [tilespmem:v3+s9+$0x0], $0xffff  }
0x28e: {  	v7 =	vadd.s32 $0x38, v1;
	_ =	sdelay $0x3  }
0x28f: {  	[tilespmem:v6+s15+$0x0] =	vst.idx.msk $0x1fff, v3  }
0x290: {  	v3 =	vld.idx.msk [tilespmem:v7+s14+$0x0], $0xffff;
	_ =	sdelay $0x4  }
0x291: {  	v3 =	vmul.u32 $0xD, v3;
	_ =	sdelay $0x1  }
0x292: {  	v3 =	vadd.s32 v2, v3;
	_ =	sdelay $0x3  }
0x293: {  	v6 =	vadd.s32 $0x66, v0  }
0x294: {  	v5 =	vor.u32 v6, v63;
	v3 =	vld.idx.msk [tilespmem:v3+s9+$0x0], $0xffff  }
0x295: {  	v1 =	vadd.s32 $0x48, v1;
	_ =	sdelay $0x3  }
0x296: {  	[tilespmem:v5+s15+$0x0] =	vst.idx.msk $0x1fff, v3  }
0x297: {  	v1 =	vld.idx.msk [tilespmem:v1+s14+$0x0], $0xffff;
	_ =	sdelay $0x4  }
0x298: {  	v1 =	vmul.u32 $0xD, v1;
	_ =	sdelay $0x1  }
0x299: {  	v1 =	vadd.s32 v2, v1;
	_ =	sdelay $0x2  }
0x29a: {  	v3 =	vadd.s32 $0x33, v0  }
0x29b: {  	v3 =	vor.u32 v3, v4  }
0x29c: {  	p1 =	sne.s32 s18, $0xF;
	v3 =	vadd.s32 $0x800, v3;
	v1 =	vld.idx.msk [tilespmem:v1+s9+$0x0], $0xffff  }
.Ltmp9:
0x29d: {  	_ = 	snop;
	(pc) =	sbr.rel @p1 .LBB2_19-.Ltmp9, $2  }
0x29e: {  	_ =	sdelay $0x2  }
0x29f: {  	s17 =	sadd.s32 $0x80, s17;
	s18 =	sadd.s32 $0x1, s18;
	[tilespmem:v3+s15+$0x0] =	vst.idx.msk $0x1fff, v1  }
0x2a0: {  	s17 =	simm.s32 @p0 $0x0;
	s18 =	simm.s32 @p0 $0x2E80  }
0x2a1: {  	[hbm4b:s7+s17] =	stream.linear.scatter @p0 [tilespmem:s18], [sflag:$0x2], $0x380, $0x38;
	[tilespmem:$0x4680] =	vst v63  }
0x2a2: {  	s19 =	simm.s32 @p0 $0x3280;
	s18 =	sadd.s32 @p0 $0x80, s7  }
0x2a3: {  	[hbm4b:s18+s17] =	stream.linear.scatter @p0 [tilespmem:s19], [sflag:$0x2], $0x380, $0x38;
	[tilespmem:$0x4680] =	vst v63  }
0x2a4: {  	s18 =	sadd.s32 @p0 $0x100, s7;
	s19 =	simm.s32 @p0 $0x3680  }
0x2a5: {  	[hbm4b:s18+s17] =	stream.linear.scatter @p0 [tilespmem:s19], [sflag:$0x2], $0x380, $0x38;
	[tilespmem:$0x4680] =	vst v63  }
0x2a6: {  	s17 =	simm.s32 @p0 $0x2  }
0x2a7: {  	_ =	swait.ge @p0 [sflag:s17], $0xA80  }
0x2a8: {  	[sflag:s17] =	ssyncset.done @p0 $0x0  }
0x2a9: {  	s18 =	simm.s32 @!p0 $0x2E80;
	[sflag:s17] =	ssyncadd.s32 @p0 $0xFFFFF580;
	s17 =	simm.s32 @!p0 $0x0  }
0x2aa: {  	[hbm4b:s6+s17] =	stream.linear.scatter @!p0 [tilespmem:s18], [sflag:$0x2], $0x1800, $0x38;
	[tilespmem:$0x4680] =	vst v63  }
0x2ab: {  	s17 =	simm.s32 @!p0 $0x2  }
0x2ac: {  	_ =	swait.ge @!p0 [sflag:s17], $0x1800  }
0x2ad: {  	v3 =	vld [tilespmem:$0x1FE90]  }
0x2ae: {  	v4 =	vld [tilespmem:$0x1FEA0]  }
0x2af: {  	v5 =	vld [tilespmem:$0x1FEB0]  }
0x2b0: {  	v6 =	vld [tilespmem:$0x1FEC0]  }
0x2b1: {  	v7 =	vld [tilespmem:$0x1FED0]  }
0x2b2: {  	v8 =	vld [tilespmem:$0x1FEE0]  }
0x2b3: {  	v9 =	vld [tilespmem:$0x1FEF0]  }
0x2b4: {  	v10 =	vld [tilespmem:$0x1FF00]  }
0x2b5: {  	v11 =	vld [tilespmem:$0x1FF10]  }
0x2b6: {  	v12 =	vld [tilespmem:$0x1FF20]  }
0x2b7: {  	v35 =	vld [tilespmem:$0x1FF30]  }
0x2b8: {  	v36 =	vld [tilespmem:$0x1FF40]  }
0x2b9: {  	v13 =	vld [tilespmem:$0x1FF50]  }
0x2ba: {  	v14 =	vld [tilespmem:$0x1FF60]  }
0x2bb: {  	v15 =	vld [tilespmem:$0x1FF70]  }
0x2bc: {  	v16 =	vld [tilespmem:$0x1FF80]  }
0x2bd: {  	s16 =	sadd.s32 $0x1, s16;
	v17 =	vld [tilespmem:$0x1FF90]  }
0x2be: {  	p1 =	sne.s32 s16, s8;
	v18 =	vld [tilespmem:$0x1FFA0]  }
.Ltmp10:
0x2bf: {  	v19 =	vld [tilespmem:$0x1FFB0];
	(pc) =	sbr.rel @p1 .LBB2_2-.Ltmp10, $4  }
0x2c0: {  	v20 =	vld [tilespmem:$0x1FFC0]  }
0x2c1: {  	v25 =	vld [tilespmem:$0x1FFD0]  }
0x2c2: {  	[sflag:s17] =	ssyncset.done @!p0 $0x0;
	v26 =	vld [tilespmem:$0x1FFE0]  }
0x2c3: {  	v27 =	vld [tilespmem:$0x1FFF0];
	[sflag:s17] =	ssyncadd.s32 @!p0 $0xFFFFE800  }
.LBB2_21:
0x2c4: {  	_ =	sfence.sel $0x180000  }
0x2c5: {  	[bflag:$0x0] =	sbarrier.arrive $0xFFFF  }
0x2c6: {  	p0 =	sne.s32 s1, $0x0;
	_ =	strace $0x90000047  }
0x2c7: {  	s0 =	sadd.s32 @!p0 $0x100000, s0;
	[bflag:$0x2] =	sbarrier.arrive $0xFFFF  }
0x2c8: {  	[sflag:s0] =	ssyncadd.tile.s32 @!p0 $0x1;
	_ =	shalt  }
.Lfunc_end2:
_tile_overlayer_lowered:
.L_overlay_start_2:
0x2c9: {  	(tag) =	ssettag $0x2  }
0x2ca: {  	s0 =	rddreg [dreg:$0x0];
	s2 =	stileid.u32  }
0x2cb: {  	s1 =	rddreg [dreg:$0x1];
	p0 =	sne.s32 s2, $0x0  }
0x2cc: {  	s3 =	rddreg [dreg:$0x2];
	[bflag:$0x3] =	sbarrier.arrive $0xFFFF;
	s2 =	simm.s32 @!p0 $0x1C02  }
0x2cd: {  	[timem:s3], [sflag:s2] =	dma.local @!p0 [hbm:s0], s1  }
0x2ce: {  	s0 =	simm.s32 @!p0 $0x2  }
0x2cf: {  	_ =	swait.ge @!p0 [sflag:s0], s1  }
0x2d0: {  	s1 =	ssub.s32 @!p0 $0x0, s1;
	[sflag:s0] =	ssyncset.done @!p0 $0x0  }
0x2d1: {  	[sflag:s0] =	ssyncadd.s32 @!p0 s1  }
0x2d2: {  	[bflag:$0x3] =	sbarrier.arrive $0xFFFF  }
0x2d3: {  	_ =	shalt  }

</sc_bundles>
